<compile_context>
chip_gen: v7x
topology: tpu7x:2x2x1
jax: 0.10.2.dev20260603
libtpu: 0.0.44.dev20260713+nightly
codegen_flags: <defaults>
</compile_context>

<pallas_src>
import functools

import jax
import jax.numpy as jnp
from jax import lax
from jax.experimental import pallas as pl
from jax.experimental.pallas import tpu as pltpu
from jax.experimental.pallas import tpu_sc as plsc


_BM = 256



def _make_meta_kernel(n, e_num, bm, nt_pad, kk, lanes):
    f32 = jnp.float32
    bf16 = jnp.bfloat16

    def kern(ei_ref, ws_ref, s2_ref, meta_ref, ws_bc_ref):
        ws = ws_ref[...]
        ws_bc_ref[...] = jnp.concatenate(
            [jnp.broadcast_to(ws[:, j:j + 1], (n, lanes)) for j in range(kk)],
            axis=1)

        ei = ei_ref[...].astype(bf16)
        rr = lax.broadcasted_iota(jnp.int32, (n, n), 0)
        cc = lax.broadcasted_iota(jnp.int32, (n, n), 1)
        ident = (rr == cc).astype(bf16)
        tri_lt = (rr < cc).astype(bf16)
        eit = lax.dot_general(ei, ident, (((0,), (0,)), ((), ())),
                              preferred_element_type=f32)
        e0 = eit[0:1, :]
        e1 = eit[1:2, :]
        sub8 = lax.broadcasted_iota(jnp.int32, (e_num, n), 0).astype(f32)
        oh0 = (sub8 == e0).astype(bf16)
        oh1 = (sub8 == e1).astype(bf16)
        c_tok = oh0 + oh1
        cnt_before = jnp.dot(c_tok, tri_lt,
                             preferred_element_type=f32)
        counts = jnp.sum(c_tok.astype(f32), axis=1, keepdims=True)
        tiles_e = jnp.floor((counts + (bm - 1)) * (1.0 / bm))
        pad_e = tiles_e * bm
        r8 = lax.broadcasted_iota(jnp.int32, (e_num, e_num), 0)
        c8 = lax.broadcasted_iota(jnp.int32, (e_num, e_num), 1)
        lt8 = (r8 < c8).astype(f32)
        le8 = (r8 <= c8).astype(f32)
        off_p = lax.dot_general(lt8, pad_e, (((0,), (0,)), ((), ())),
                                preferred_element_type=f32)
        cum_tiles = lax.dot_general(le8, tiles_e, (((0,), (0,)), ((), ())),
                                    preferred_element_type=f32)
        base0 = jnp.sum(oh0.astype(f32) * off_p, axis=0, keepdims=True)
        base1 = jnp.sum(oh1.astype(f32) * off_p, axis=0, keepdims=True)
        within0 = jnp.sum(oh0.astype(f32) * cnt_before, axis=0, keepdims=True)
        within1 = jnp.sum(oh1.astype(f32) * cnt_before, axis=0, keepdims=True)
        same = (e0 == e1).astype(f32)
        s0 = base0 + within0
        s1 = base1 + within1 + same
        s2_ref[...] = jnp.concatenate([s0, s1], axis=0).astype(jnp.int32)

        total = cum_tiles[e_num - 1, 0]
        trow = lax.broadcasted_iota(jnp.int32, (1, nt_pad), 1).astype(f32)
        tc = jnp.minimum(trow, total - 1.0)
        e_t = jnp.sum((cum_tiles <= tc).astype(f32), axis=0, keepdims=True)
        sub8t = lax.broadcasted_iota(jnp.int32, (e_num, nt_pad), 0).astype(f32)
        oh_e = (sub8t == e_t).astype(f32)
        tiles_t = jnp.sum(oh_e * tiles_e, axis=0, keepdims=True)
        cumt_t = jnp.sum(oh_e * cum_tiles, axis=0, keepdims=True)
        offp_t = jnp.sum(oh_e * off_p, axis=0, keepdims=True)
        cnt_t = jnp.sum(oh_e * counts, axis=0, keepdims=True)
        j = tc - (cumt_t - tiles_t)
        blk = offp_t * (1.0 / bm) + j
        hi = jnp.clip(cnt_t - j * bm, 0.0, float(bm))
        hi = jnp.where(trow < total, hi, 0.0)
        meta_ref[...] = jnp.concatenate([blk, e_t, hi], axis=0).astype(
            jnp.int32)

    return kern


def _routing_metadata(expert_indices, expert_weights, e_num, bm, n_tiles,
                      lanes):
    n, k = expert_indices.shape
    nt_pad = 16
    s2, meta, ws_bc = pl.pallas_call(
        _make_meta_kernel(n, e_num, bm, nt_pad, k, lanes),
        out_shape=[
            jax.ShapeDtypeStruct((k, n), jnp.int32),
            jax.ShapeDtypeStruct((3, nt_pad), jnp.int32),
            jax.ShapeDtypeStruct((n, k * lanes), expert_weights.dtype),
        ],
    )(expert_indices.astype(jnp.int32), expert_weights)
    return s2, meta, ws_bc



def _sc_scatter_rows(x, s2, out_rows):
    info = plsc.get_sparse_core_info()
    nc, ns = info.num_cores, info.num_subcores
    nw = nc * ns
    n, d = x.shape
    kk = s2.shape[0]
    t_per_w = n // nw
    mesh = plsc.VectorSubcoreMesh(core_axis_name="c", subcore_axis_name="s")

    @functools.partial(
        pl.kernel, mesh=mesh,
        out_type=jax.ShapeDtypeStruct((out_rows, d), x.dtype),
        scratch_types=[
            pltpu.VMEM((kk, t_per_w), jnp.int32),
            pltpu.VMEM((t_per_w, d), x.dtype),
            pltpu.SemaphoreType.DMA,
        ],
    )
    def k(x_hbm, s2_hbm, out_hbm, idx_v, rows_v, sem):
        wid = lax.axis_index("s") * nc + lax.axis_index("c")
        base = wid * t_per_w
        for j in range(kk):
            pltpu.sync_copy(s2_hbm.at[j, pl.ds(base, t_per_w)], idx_v.at[j])
        pltpu.sync_copy(x_hbm.at[pl.ds(base, t_per_w)], rows_v)
        copies = [
            pltpu.async_copy(rows_v, out_hbm.at[idx_v.at[j]], sem)
            for j in range(kk)
        ]
        for c in copies:
            c.wait()

    return k(x, s2)


def _sc_combine_rows(rows_sorted, s2, ws_bc):
    info = plsc.get_sparse_core_info()
    nc, ns = info.num_cores, info.num_subcores
    nw = nc * ns
    d = rows_sorted.shape[1]
    kk, n_tokens = s2.shape
    t_per_w = n_tokens // nw
    lanes = info.num_lanes
    mesh = plsc.VectorSubcoreMesh(core_axis_name="c", subcore_axis_name="s")

    @functools.partial(
        pl.kernel, mesh=mesh,
        out_type=jax.ShapeDtypeStruct((n_tokens, d), rows_sorted.dtype),
        scratch_types=[
            pltpu.VMEM((kk, t_per_w), jnp.int32),
            pltpu.VMEM((t_per_w, kk * lanes), ws_bc.dtype),
            pltpu.VMEM((kk, t_per_w, d), rows_sorted.dtype),
            pltpu.VMEM((t_per_w, d), rows_sorted.dtype),
            pltpu.SemaphoreType.DMA,
        ],
    )
    def k(rows_hbm, s2_hbm, ws_hbm, out_hbm, idx_v, w_v, rows_v, out_v, sem):
        wid = lax.axis_index("s") * nc + lax.axis_index("c")
        base = wid * t_per_w
        for j in range(kk):
            pltpu.sync_copy(s2_hbm.at[j, pl.ds(base, t_per_w)], idx_v.at[j])
        pltpu.sync_copy(ws_hbm.at[pl.ds(base, t_per_w)], w_v)
        copies = [
            pltpu.async_copy(rows_hbm.at[idx_v.at[j]], rows_v.at[j], sem)
            for j in range(kk)
        ]
        for c in copies:
            c.wait()

        def body(i, carry):
            wvec = [w_v[i, pl.ds(j * lanes, lanes)] for j in range(kk)]
            for c in range(d // lanes):
                sl = pl.ds(c * lanes, lanes)
                acc = rows_v[0, i, sl] * wvec[0]
                for j in range(1, kk):
                    acc = acc + rows_v[j, i, sl] * wvec[j]
                out_v[i, sl] = acc
            return carry

        lax.fori_loop(0, t_per_w, body, 0)
        pltpu.sync_copy(out_v, out_hbm.at[pl.ds(base, t_per_w)])

    return k(rows_sorted, s2, ws_bc)



def _grouped_mm_kernel(meta_ref, xs_ref, wg, wu, wd, out_ref):
    t = pl.program_id(0)
    hi = meta_ref[2, t]

    @pl.when(hi > 0)
    def _compute():
        rows = lax.broadcasted_iota(jnp.int32, (xs_ref.shape[0], 1), 0)
        xb = jnp.where(rows < hi, xs_ref[...], 0.0)
        f32 = jnp.float32
        g = jnp.dot(xb, wg[0], preferred_element_type=f32)
        u = jnp.dot(xb, wu[0], preferred_element_type=f32)
        h = g * lax.logistic(g) * u
        out_ref[...] = jnp.dot(h, wd[0], preferred_element_type=f32)


def _grouped_mm(xs_sorted, w_gate, w_up, w_down, meta, n_tiles):
    nk, d = xs_sorted.shape
    inter = w_gate.shape[2]
    bm = _BM
    grid_spec = pltpu.PrefetchScalarGridSpec(
        num_scalar_prefetch=1,
        grid=(n_tiles,),
        in_specs=[
            pl.BlockSpec((bm, d), lambda t, m: (m[0, t], 0)),
            pl.BlockSpec((1, d, inter), lambda t, m: (m[1, t], 0, 0)),
            pl.BlockSpec((1, d, inter), lambda t, m: (m[1, t], 0, 0)),
            pl.BlockSpec((1, inter, d), lambda t, m: (m[1, t], 0, 0)),
        ],
        out_specs=pl.BlockSpec((bm, d), lambda t, m: (m[0, t], 0)),
    )
    return pl.pallas_call(
        _grouped_mm_kernel,
        grid_spec=grid_spec,
        out_shape=jax.ShapeDtypeStruct((nk, d), xs_sorted.dtype),
        compiler_params=pltpu.CompilerParams(
            dimension_semantics=("arbitrary",),
        ),
    )(meta, xs_sorted, w_gate, w_up, w_down)



def kernel(x, expert_weights, w_gate, w_up, w_down, expert_indices, top_k):
    n, d = x.shape
    e_num = w_gate.shape[0]
    k = expert_indices.shape[1]
    nk = n * k
    bm = _BM
    n_tiles = nk // bm + e_num - 1

    lanes = plsc.get_sparse_core_info().num_lanes
    s2, meta, ws_bc = _routing_metadata(
        expert_indices, expert_weights, e_num, bm, n_tiles, lanes)
    xs_sorted = _sc_scatter_rows(x, s2, n_tiles * bm)
    down = _grouped_mm(xs_sorted, w_gate, w_up, w_down, meta, n_tiles)
    return _sc_combine_rows(down, s2, ws_bc)

# --- scband reference (transcript-rebuilt; emitter-appended) ---
"""Pipeline reference for scband-switch-mlp-89189290868940 (READ-ONLY COPY).

The authoritative reference and input builder live on the scoring server;
editing this copy changes nothing except your own understanding.
"""

import jax, jax.numpy as jnp
import numpy as np

N, D, I, E, K = 1024, 1024, 1024, 8, 2

def setup_inputs(seed: int = 0) -> dict:
    key = jax.random.key(seed)
    ks = jax.random.split(key, 6)
    x = jax.random.normal(ks[0], (N, D), dtype=jnp.float32)
    expert_weights = jax.random.uniform(ks[1], (N, K), dtype=jnp.float32)
    expert_indices = jax.random.randint(ks[2], (N, K), 0, E, dtype=jnp.int64)
    s = 1.0 / np.sqrt(D)
    # packed layout [E, in, out] as produced by SwitchLinear.pack() (pre-transposed)
    w_gate = jax.random.uniform(ks[3], (E, D, I), dtype=jnp.float32, minval=-s, maxval=s)
    w_up = jax.random.uniform(ks[4], (E, D, I), dtype=jnp.float32, minval=-s, maxval=s)
    si = 1.0 / np.sqrt(I)
    w_down = jax.random.uniform(ks[5], (E, I, D), dtype=jnp.float32, minval=-si, maxval=si)
    return {"x": x, "expert_weights": expert_weights, "w_gate": w_gate, "w_up": w_up,
            "w_down": w_down, "expert_indices": expert_indices, "top_k": 2}

def reference(x, expert_weights, w_gate, w_up, w_down, expert_indices, top_k):
    # SwitchMLP.forward with sort_experts=False, fuse_gate_up=False, unquantized packed weights.
    # mlx.gather_mm(x[N,1,1,D], W[E,in,out], rhs_indices=idx[N,K]) == per-(n,k) matmul with W[idx[n,k]].
    # Realized here as per-expert dense matmuls + mask-select (mathematically identical, no huge gather).
    n, d = x.shape
    e_num, _, inter = w_gate.shape
    k = expert_indices.shape[1]
    gate = jnp.zeros((n, k, inter), dtype=x.dtype)
    up = jnp.zeros((n, k, inter), dtype=x.dtype)
    for e in range(e_num):
        m = (expert_indices == e)[..., None]  # [N, K, 1]
        ge = x @ w_gate[e]                    # [N, I]
        ue = x @ w_up[e]                      # [N, I]
        gate = gate + jnp.where(m, ge[:, None, :], 0.0)
        up = up + jnp.where(m, ue[:, None, :], 0.0)
    h = jax.nn.silu(gate) * up                # [N, K, I]
    down = jnp.zeros((n, k, d), dtype=x.dtype)
    for e in range(e_num):
        m = (expert_indices == e)[..., None]
        he = jnp.where(m, h, 0.0)
        de = (he.reshape(n * k, inter) @ w_down[e]).reshape(n, k, d)
        down = down + jnp.where(m, de, 0.0)
    return (down * expert_weights[..., None]).sum(axis=-2)  # [N, D]

if __name__ == "__main__":
    import jax
    _d = setup_inputs()
    print(jax.jit(kernel)(*tuple(_d.values())))

</pallas_src>

<mosaic_0001>
#map = affine_map<(d0, d1) -> (0, 0)>
module attributes {stable_mosaic.version = 14 : i64} {
  func.func @k(%arg0: i32, %arg1: i32, %arg2: memref<1024x1024xf32, #tpu.memory_space<hbm>>, %arg3: memref<2x1024xi32, #tpu.memory_space<hbm>>, %arg4: memref<3840x1024xf32, #tpu.memory_space<hbm>>, %arg5: memref<2x32xi32, #tpu.memory_space<vmem>>, %arg6: memref<32x1024xf32, #tpu.memory_space<vmem>>, %arg7: memref<!tpu.dma_semaphore, #tpu.memory_space<semaphore_mem>>) attributes {dimension_semantics = [#tpu.dimension_semantics<core_parallel>, #tpu.dimension_semantics<subcore_parallel>], iteration_bounds = array<i64: 2, 16>, scalar_prefetch = 0 : i64, scratch_operands = 3 : i64, tpu.core_type = #tpu.core_type<sc_vector_subcore>, window_params = [{transform_indices = #map}, {transform_indices = #map}, {transform_indices = #map}]} {
    %mul3A = arith.constant 2 : i32
    %mul3A_0 = arith.muli %arg1, %mul3A : i32
    %add3A = arith.addi %mul3A_0, %arg0 : i32
    %mul3A_1 = arith.constant 32 : i32
    %mul3A_2 = arith.muli %add3A, %mul3A_1 : i32
    %run_scoped3A = arith.constant 0 : i32
    %run_scoped3A_3 = arith.constant 0 : i32
    "tpu.region"() ({
      %run_scoped3A_32 = tpu.sem_alloc : memref<!tpu.dma_semaphore, #tpu.memory_space<semaphore_mem>>
      %dma_start3A_33 = arith.constant 0 : i32
      %dma_start3A_34 = tpu.memref_slice %arg5[%run_scoped3A_3, %dma_start3A_33] : memref<2x32xi32, #tpu.memory_space<vmem>> -> memref<1x32xi32, #tpu.memory_space<vmem>>
      %dma_start3A_35 = tpu.memref_squeeze %dma_start3A_34 : memref<1x32xi32, #tpu.memory_space<vmem>> -> memref<32xi32, #tpu.memory_space<vmem>>
      %dma_start3A_36 = tpu.memref_slice %arg3[%run_scoped3A, %mul3A_2] : memref<2x1024xi32, #tpu.memory_space<hbm>> -> memref<1x32xi32, #tpu.memory_space<hbm>>
      %dma_start3A_37 = tpu.memref_squeeze %dma_start3A_36 : memref<1x32xi32, #tpu.memory_space<hbm>> -> memref<32xi32, #tpu.memory_space<hbm>>
      %dma_start3A_38 = arith.constant 0 : i32
      %dma_start3A_39 = tpu.memref_slice %arg5[%run_scoped3A_3, %dma_start3A_38] : memref<2x32xi32, #tpu.memory_space<vmem>> -> memref<1x32xi32, #tpu.memory_space<vmem>>
      %dma_start3A_40 = tpu.memref_squeeze %dma_start3A_39 : memref<1x32xi32, #tpu.memory_space<vmem>> -> memref<32xi32, #tpu.memory_space<vmem>>
      %dma_start3A_41 = tpu.memref_slice %arg3[%run_scoped3A, %mul3A_2] : memref<2x1024xi32, #tpu.memory_space<hbm>> -> memref<1x32xi32, #tpu.memory_space<hbm>>
      %dma_start3A_42 = tpu.memref_squeeze %dma_start3A_41 : memref<1x32xi32, #tpu.memory_space<hbm>> -> memref<32xi32, #tpu.memory_space<hbm>>
      tpu.enqueue_dma source(%dma_start3A_42 : memref<32xi32, #tpu.memory_space<hbm>>) target(%dma_start3A_40 : memref<32xi32, #tpu.memory_space<vmem>>) target_semaphore(%run_scoped3A_32 : memref<!tpu.dma_semaphore, #tpu.memory_space<semaphore_mem>>)
      %dma_wait3A_43 = arith.constant 0 : i32
      %dma_wait3A_44 = tpu.memref_slice %arg5[%run_scoped3A_3, %dma_wait3A_43] : memref<2x32xi32, #tpu.memory_space<vmem>> -> memref<1x32xi32, #tpu.memory_space<vmem>>
      %dma_wait3A_45 = tpu.memref_squeeze %dma_wait3A_44 : memref<1x32xi32, #tpu.memory_space<vmem>> -> memref<32xi32, #tpu.memory_space<vmem>>
      %dma_wait3A_46 = tpu.memref_slice %arg3[%run_scoped3A, %mul3A_2] : memref<2x1024xi32, #tpu.memory_space<hbm>> -> memref<1x32xi32, #tpu.memory_space<hbm>>
      %dma_wait3A_47 = tpu.memref_squeeze %dma_wait3A_46 : memref<1x32xi32, #tpu.memory_space<hbm>> -> memref<32xi32, #tpu.memory_space<hbm>>
      %dma_wait3A_48 = arith.constant 0 : i32
      %dma_wait3A_49 = tpu.memref_slice %arg5[%run_scoped3A_3, %dma_wait3A_48] : memref<2x32xi32, #tpu.memory_space<vmem>> -> memref<1x32xi32, #tpu.memory_space<vmem>>
      %dma_wait3A_50 = tpu.memref_squeeze %dma_wait3A_49 : memref<1x32xi32, #tpu.memory_space<vmem>> -> memref<32xi32, #tpu.memory_space<vmem>>
      %dma_wait3A_51 = tpu.memref_slice %arg3[%run_scoped3A, %mul3A_2] : memref<2x1024xi32, #tpu.memory_space<hbm>> -> memref<1x32xi32, #tpu.memory_space<hbm>>
      %dma_wait3A_52 = tpu.memref_squeeze %dma_wait3A_51 : memref<1x32xi32, #tpu.memory_space<hbm>> -> memref<32xi32, #tpu.memory_space<hbm>>
      tpu.wait_dma2 semaphore(%run_scoped3A_32 : memref<!tpu.dma_semaphore, #tpu.memory_space<semaphore_mem>>) src(%dma_wait3A_52 : memref<32xi32, #tpu.memory_space<hbm>>) dst(%dma_wait3A_50 : memref<32xi32, #tpu.memory_space<vmem>>)
      tpu.yield
    }) : () -> ()
    %run_scoped3A_4 = arith.constant 1 : i32
    %run_scoped3A_5 = arith.constant 1 : i32
    "tpu.region"() ({
      %run_scoped3A_32 = tpu.sem_alloc : memref<!tpu.dma_semaphore, #tpu.memory_space<semaphore_mem>>
      %dma_start3A_33 = arith.constant 0 : i32
      %dma_start3A_34 = tpu.memref_slice %arg5[%run_scoped3A_5, %dma_start3A_33] : memref<2x32xi32, #tpu.memory_space<vmem>> -> memref<1x32xi32, #tpu.memory_space<vmem>>
      %dma_start3A_35 = tpu.memref_squeeze %dma_start3A_34 : memref<1x32xi32, #tpu.memory_space<vmem>> -> memref<32xi32, #tpu.memory_space<vmem>>
      %dma_start3A_36 = tpu.memref_slice %arg3[%run_scoped3A_4, %mul3A_2] : memref<2x1024xi32, #tpu.memory_space<hbm>> -> memref<1x32xi32, #tpu.memory_space<hbm>>
      %dma_start3A_37 = tpu.memref_squeeze %dma_start3A_36 : memref<1x32xi32, #tpu.memory_space<hbm>> -> memref<32xi32, #tpu.memory_space<hbm>>
      %dma_start3A_38 = arith.constant 0 : i32
      %dma_start3A_39 = tpu.memref_slice %arg5[%run_scoped3A_5, %dma_start3A_38] : memref<2x32xi32, #tpu.memory_space<vmem>> -> memref<1x32xi32, #tpu.memory_space<vmem>>
      %dma_start3A_40 = tpu.memref_squeeze %dma_start3A_39 : memref<1x32xi32, #tpu.memory_space<vmem>> -> memref<32xi32, #tpu.memory_space<vmem>>
      %dma_start3A_41 = tpu.memref_slice %arg3[%run_scoped3A_4, %mul3A_2] : memref<2x1024xi32, #tpu.memory_space<hbm>> -> memref<1x32xi32, #tpu.memory_space<hbm>>
      %dma_start3A_42 = tpu.memref_squeeze %dma_start3A_41 : memref<1x32xi32, #tpu.memory_space<hbm>> -> memref<32xi32, #tpu.memory_space<hbm>>
      tpu.enqueue_dma source(%dma_start3A_42 : memref<32xi32, #tpu.memory_space<hbm>>) target(%dma_start3A_40 : memref<32xi32, #tpu.memory_space<vmem>>) target_semaphore(%run_scoped3A_32 : memref<!tpu.dma_semaphore, #tpu.memory_space<semaphore_mem>>)
      %dma_wait3A_43 = arith.constant 0 : i32
      %dma_wait3A_44 = tpu.memref_slice %arg5[%run_scoped3A_5, %dma_wait3A_43] : memref<2x32xi32, #tpu.memory_space<vmem>> -> memref<1x32xi32, #tpu.memory_space<vmem>>
      %dma_wait3A_45 = tpu.memref_squeeze %dma_wait3A_44 : memref<1x32xi32, #tpu.memory_space<vmem>> -> memref<32xi32, #tpu.memory_space<vmem>>
      %dma_wait3A_46 = tpu.memref_slice %arg3[%run_scoped3A_4, %mul3A_2] : memref<2x1024xi32, #tpu.memory_space<hbm>> -> memref<1x32xi32, #tpu.memory_space<hbm>>
      %dma_wait3A_47 = tpu.memref_squeeze %dma_wait3A_46 : memref<1x32xi32, #tpu.memory_space<hbm>> -> memref<32xi32, #tpu.memory_space<hbm>>
      %dma_wait3A_48 = arith.constant 0 : i32
      %dma_wait3A_49 = tpu.memref_slice %arg5[%run_scoped3A_5, %dma_wait3A_48] : memref<2x32xi32, #tpu.memory_space<vmem>> -> memref<1x32xi32, #tpu.memory_space<vmem>>
      %dma_wait3A_50 = tpu.memref_squeeze %dma_wait3A_49 : memref<1x32xi32, #tpu.memory_space<vmem>> -> memref<32xi32, #tpu.memory_space<vmem>>
      %dma_wait3A_51 = tpu.memref_slice %arg3[%run_scoped3A_4, %mul3A_2] : memref<2x1024xi32, #tpu.memory_space<hbm>> -> memref<1x32xi32, #tpu.memory_space<hbm>>
      %dma_wait3A_52 = tpu.memref_squeeze %dma_wait3A_51 : memref<1x32xi32, #tpu.memory_space<hbm>> -> memref<32xi32, #tpu.memory_space<hbm>>
      tpu.wait_dma2 semaphore(%run_scoped3A_32 : memref<!tpu.dma_semaphore, #tpu.memory_space<semaphore_mem>>) src(%dma_wait3A_52 : memref<32xi32, #tpu.memory_space<hbm>>) dst(%dma_wait3A_50 : memref<32xi32, #tpu.memory_space<vmem>>)
      tpu.yield
    }) : () -> ()
    "tpu.region"() ({
      %run_scoped3A_32 = tpu.sem_alloc : memref<!tpu.dma_semaphore, #tpu.memory_space<semaphore_mem>>
      %dma_start3A_33 = arith.constant 0 : i32
      %dma_start3A_34 = tpu.memref_slice %arg2[%mul3A_2, %dma_start3A_33] : memref<1024x1024xf32, #tpu.memory_space<hbm>> -> memref<32x1024xf32, #tpu.memory_space<hbm>>
      %dma_start3A_35 = arith.constant 0 : i32
      %dma_start3A_36 = tpu.memref_slice %arg2[%mul3A_2, %dma_start3A_35] : memref<1024x1024xf32, #tpu.memory_space<hbm>> -> memref<32x1024xf32, #tpu.memory_space<hbm>>
      tpu.enqueue_dma source(%dma_start3A_36 : memref<32x1024xf32, #tpu.memory_space<hbm>>) target(%arg6 : memref<32x1024xf32, #tpu.memory_space<vmem>>) target_semaphore(%run_scoped3A_32 : memref<!tpu.dma_semaphore, #tpu.memory_space<semaphore_mem>>)
      %dma_wait3A_37 = arith.constant 0 : i32
      %dma_wait3A_38 = tpu.memref_slice %arg2[%mul3A_2, %dma_wait3A_37] : memref<1024x1024xf32, #tpu.memory_space<hbm>> -> memref<32x1024xf32, #tpu.memory_space<hbm>>
      %dma_wait3A_39 = arith.constant 0 : i32
      %dma_wait3A_40 = tpu.memref_slice %arg2[%mul3A_2, %dma_wait3A_39] : memref<1024x1024xf32, #tpu.memory_space<hbm>> -> memref<32x1024xf32, #tpu.memory_space<hbm>>
      tpu.wait_dma2 semaphore(%run_scoped3A_32 : memref<!tpu.dma_semaphore, #tpu.memory_space<semaphore_mem>>) src(%dma_wait3A_40 : memref<32x1024xf32, #tpu.memory_space<hbm>>) dst(%arg6 : memref<32x1024xf32, #tpu.memory_space<vmem>>)
      tpu.yield
    }) : () -> ()
    %dma_start3A = arith.constant 0 : i32
    %dma_start3A_6 = arith.constant 0 : i32
    %dma_start3A_7 = tpu.memref_slice %arg5[%dma_start3A, %dma_start3A_6] : memref<2x32xi32, #tpu.memory_space<vmem>> -> memref<1x32xi32, #tpu.memory_space<vmem>>
    %dma_start3A_8 = tpu.memref_squeeze %dma_start3A_7 : memref<1x32xi32, #tpu.memory_space<vmem>> -> memref<32xi32, #tpu.memory_space<vmem>>
    %dma_start3A_9 = arith.constant 0 : i32
    %dma_start3A_10 = arith.constant 0 : i32
    %dma_start3A_11 = tpu.memref_slice %arg4[%dma_start3A_9, %dma_start3A_10] : memref<3840x1024xf32, #tpu.memory_space<hbm>> -> memref<3840x1024xf32, #tpu.memory_space<hbm>>
    tpu.enqueue_indirect_dma source(%arg6 : memref<32x1024xf32, #tpu.memory_space<vmem>>) target(%dma_start3A_11 : memref<3840x1024xf32, #tpu.memory_space<hbm>>) offsets(%dma_start3A_8 : memref<32xi32, #tpu.memory_space<vmem>>) semaphore(%arg7 : memref<!tpu.dma_semaphore, #tpu.memory_space<semaphore_mem>>)
    %dma_start3A_12 = arith.constant 1 : i32
    %dma_start3A_13 = arith.constant 0 : i32
    %dma_start3A_14 = tpu.memref_slice %arg5[%dma_start3A_12, %dma_start3A_13] : memref<2x32xi32, #tpu.memory_space<vmem>> -> memref<1x32xi32, #tpu.memory_space<vmem>>
    %dma_start3A_15 = tpu.memref_squeeze %dma_start3A_14 : memref<1x32xi32, #tpu.memory_space<vmem>> -> memref<32xi32, #tpu.memory_space<vmem>>
    %dma_start3A_16 = arith.constant 0 : i32
    %dma_start3A_17 = arith.constant 0 : i32
    %dma_start3A_18 = tpu.memref_slice %arg4[%dma_start3A_16, %dma_start3A_17] : memref<3840x1024xf32, #tpu.memory_space<hbm>> -> memref<3840x1024xf32, #tpu.memory_space<hbm>>
    tpu.enqueue_indirect_dma source(%arg6 : memref<32x1024xf32, #tpu.memory_space<vmem>>) target(%dma_start3A_18 : memref<3840x1024xf32, #tpu.memory_space<hbm>>) offsets(%dma_start3A_15 : memref<32xi32, #tpu.memory_space<vmem>>) semaphore(%arg7 : memref<!tpu.dma_semaphore, #tpu.memory_space<semaphore_mem>>)
    %dma_wait3A = arith.constant 0 : i32
    %dma_wait3A_19 = arith.constant 0 : i32
    %dma_wait3A_20 = tpu.memref_slice %arg5[%dma_wait3A, %dma_wait3A_19] : memref<2x32xi32, #tpu.memory_space<vmem>> -> memref<1x32xi32, #tpu.memory_space<vmem>>
    %dma_wait3A_21 = tpu.memref_squeeze %dma_wait3A_20 : memref<1x32xi32, #tpu.memory_space<vmem>> -> memref<32xi32, #tpu.memory_space<vmem>>
    %dma_wait3A_22 = arith.constant 0 : i32
    %dma_wait3A_23 = arith.constant 0 : i32
    %dma_wait3A_24 = tpu.memref_slice %arg4[%dma_wait3A_22, %dma_wait3A_23] : memref<3840x1024xf32, #tpu.memory_space<hbm>> -> memref<3840x1024xf32, #tpu.memory_space<hbm>>
    tpu.wait_indirect_dma semaphore(%arg7 : memref<!tpu.dma_semaphore, #tpu.memory_space<semaphore_mem>>) src(%arg6 : memref<32x1024xf32, #tpu.memory_space<vmem>>) dst(%dma_wait3A_24 : memref<3840x1024xf32, #tpu.memory_space<hbm>>)
    %dma_wait3A_25 = arith.constant 1 : i32
    %dma_wait3A_26 = arith.constant 0 : i32
    %dma_wait3A_27 = tpu.memref_slice %arg5[%dma_wait3A_25, %dma_wait3A_26] : memref<2x32xi32, #tpu.memory_space<vmem>> -> memref<1x32xi32, #tpu.memory_space<vmem>>
    %dma_wait3A_28 = tpu.memref_squeeze %dma_wait3A_27 : memref<1x32xi32, #tpu.memory_space<vmem>> -> memref<32xi32, #tpu.memory_space<vmem>>
    %dma_wait3A_29 = arith.constant 0 : i32
    %dma_wait3A_30 = arith.constant 0 : i32
    %dma_wait3A_31 = tpu.memref_slice %arg4[%dma_wait3A_29, %dma_wait3A_30] : memref<3840x1024xf32, #tpu.memory_space<hbm>> -> memref<3840x1024xf32, #tpu.memory_space<hbm>>
    tpu.wait_indirect_dma semaphore(%arg7 : memref<!tpu.dma_semaphore, #tpu.memory_space<semaphore_mem>>) src(%arg6 : memref<32x1024xf32, #tpu.memory_space<vmem>>) dst(%dma_wait3A_31 : memref<3840x1024xf32, #tpu.memory_space<hbm>>)
    return
  }
}

#map = affine_map<(d0, d1) -> (0, 0)>
module attributes {stable_mosaic.version = 14 : i64} {
  func.func @k(%arg0: i32, %arg1: i32, %arg2: memref<3840x1024xf32, #tpu.memory_space<hbm>>, %arg3: memref<2x1024xi32, #tpu.memory_space<hbm>>, %arg4: memref<1024x32xf32, #tpu.memory_space<hbm>>, %arg5: memref<1024x1024xf32, #tpu.memory_space<hbm>>, %arg6: memref<2x32xi32, #tpu.memory_space<vmem>>, %arg7: memref<32x32xf32, #tpu.memory_space<vmem>>, %arg8: memref<2x32x1024xf32, #tpu.memory_space<vmem>>, %arg9: memref<32x1024xf32, #tpu.memory_space<vmem>>, %arg10: memref<!tpu.dma_semaphore, #tpu.memory_space<semaphore_mem>>) attributes {dimension_semantics = [#tpu.dimension_semantics<core_parallel>, #tpu.dimension_semantics<subcore_parallel>], iteration_bounds = array<i64: 2, 16>, scalar_prefetch = 0 : i64, scratch_operands = 5 : i64, tpu.core_type = #tpu.core_type<sc_vector_subcore>, window_params = [{transform_indices = #map}, {transform_indices = #map}, {transform_indices = #map}, {transform_indices = #map}]} {
    %mul3A = arith.constant 2 : i32
    %mul3A_0 = arith.muli %arg1, %mul3A : i32
    %add3A = arith.addi %mul3A_0, %arg0 : i32
    %mul3A_1 = arith.constant 32 : i32
    %mul3A_2 = arith.muli %add3A, %mul3A_1 : i32
    %run_scoped3A = arith.constant 0 : i32
    %run_scoped3A_3 = arith.constant 0 : i32
    "tpu.region"() ({
      %run_scoped3A_57 = tpu.sem_alloc : memref<!tpu.dma_semaphore, #tpu.memory_space<semaphore_mem>>
      %dma_start3A_58 = arith.constant 0 : i32
      %dma_start3A_59 = tpu.memref_slice %arg6[%run_scoped3A_3, %dma_start3A_58] : memref<2x32xi32, #tpu.memory_space<vmem>> -> memref<1x32xi32, #tpu.memory_space<vmem>>
      %dma_start3A_60 = tpu.memref_squeeze %dma_start3A_59 : memref<1x32xi32, #tpu.memory_space<vmem>> -> memref<32xi32, #tpu.memory_space<vmem>>
      %dma_start3A_61 = tpu.memref_slice %arg3[%run_scoped3A, %mul3A_2] : memref<2x1024xi32, #tpu.memory_space<hbm>> -> memref<1x32xi32, #tpu.memory_space<hbm>>
      %dma_start3A_62 = tpu.memref_squeeze %dma_start3A_61 : memref<1x32xi32, #tpu.memory_space<hbm>> -> memref<32xi32, #tpu.memory_space<hbm>>
      %dma_start3A_63 = arith.constant 0 : i32
      %dma_start3A_64 = tpu.memref_slice %arg6[%run_scoped3A_3, %dma_start3A_63] : memref<2x32xi32, #tpu.memory_space<vmem>> -> memref<1x32xi32, #tpu.memory_space<vmem>>
      %dma_start3A_65 = tpu.memref_squeeze %dma_start3A_64 : memref<1x32xi32, #tpu.memory_space<vmem>> -> memref<32xi32, #tpu.memory_space<vmem>>
      %dma_start3A_66 = tpu.memref_slice %arg3[%run_scoped3A, %mul3A_2] : memref<2x1024xi32, #tpu.memory_space<hbm>> -> memref<1x32xi32, #tpu.memory_space<hbm>>
      %dma_start3A_67 = tpu.memref_squeeze %dma_start3A_66 : memref<1x32xi32, #tpu.memory_space<hbm>> -> memref<32xi32, #tpu.memory_space<hbm>>
      tpu.enqueue_dma source(%dma_start3A_67 : memref<32xi32, #tpu.memory_space<hbm>>) target(%dma_start3A_65 : memref<32xi32, #tpu.memory_space<vmem>>) target_semaphore(%run_scoped3A_57 : memref<!tpu.dma_semaphore, #tpu.memory_space<semaphore_mem>>)
      %dma_wait3A_68 = arith.constant 0 : i32
      %dma_wait3A_69 = tpu.memref_slice %arg6[%run_scoped3A_3, %dma_wait3A_68] : memref<2x32xi32, #tpu.memory_space<vmem>> -> memref<1x32xi32, #tpu.memory_space<vmem>>
      %dma_wait3A_70 = tpu.memref_squeeze %dma_wait3A_69 : memref<1x32xi32, #tpu.memory_space<vmem>> -> memref<32xi32, #tpu.memory_space<vmem>>
      %dma_wait3A_71 = tpu.memref_slice %arg3[%run_scoped3A, %mul3A_2] : memref<2x1024xi32, #tpu.memory_space<hbm>> -> memref<1x32xi32, #tpu.memory_space<hbm>>
      %dma_wait3A_72 = tpu.memref_squeeze %dma_wait3A_71 : memref<1x32xi32, #tpu.memory_space<hbm>> -> memref<32xi32, #tpu.memory_space<hbm>>
      %dma_wait3A_73 = arith.constant 0 : i32
      %dma_wait3A_74 = tpu.memref_slice %arg6[%run_scoped3A_3, %dma_wait3A_73] : memref<2x32xi32, #tpu.memory_space<vmem>> -> memref<1x32xi32, #tpu.memory_space<vmem>>
      %dma_wait3A_75 = tpu.memref_squeeze %dma_wait3A_74 : memref<1x32xi32, #tpu.memory_space<vmem>> -> memref<32xi32, #tpu.memory_space<vmem>>
      %dma_wait3A_76 = tpu.memref_slice %arg3[%run_scoped3A, %mul3A_2] : memref<2x1024xi32, #tpu.memory_space<hbm>> -> memref<1x32xi32, #tpu.memory_space<hbm>>
      %dma_wait3A_77 = tpu.memref_squeeze %dma_wait3A_76 : memref<1x32xi32, #tpu.memory_space<hbm>> -> memref<32xi32, #tpu.memory_space<hbm>>
      tpu.wait_dma2 semaphore(%run_scoped3A_57 : memref<!tpu.dma_semaphore, #tpu.memory_space<semaphore_mem>>) src(%dma_wait3A_77 : memref<32xi32, #tpu.memory_space<hbm>>) dst(%dma_wait3A_75 : memref<32xi32, #tpu.memory_space<vmem>>)
      tpu.yield
    }) : () -> ()
    %run_scoped3A_4 = arith.constant 1 : i32
    %run_scoped3A_5 = arith.constant 1 : i32
    "tpu.region"() ({
      %run_scoped3A_57 = tpu.sem_alloc : memref<!tpu.dma_semaphore, #tpu.memory_space<semaphore_mem>>
      %dma_start3A_58 = arith.constant 0 : i32
      %dma_start3A_59 = tpu.memref_slice %arg6[%run_scoped3A_5, %dma_start3A_58] : memref<2x32xi32, #tpu.memory_space<vmem>> -> memref<1x32xi32, #tpu.memory_space<vmem>>
      %dma_start3A_60 = tpu.memref_squeeze %dma_start3A_59 : memref<1x32xi32, #tpu.memory_space<vmem>> -> memref<32xi32, #tpu.memory_space<vmem>>
      %dma_start3A_61 = tpu.memref_slice %arg3[%run_scoped3A_4, %mul3A_2] : memref<2x1024xi32, #tpu.memory_space<hbm>> -> memref<1x32xi32, #tpu.memory_space<hbm>>
      %dma_start3A_62 = tpu.memref_squeeze %dma_start3A_61 : memref<1x32xi32, #tpu.memory_space<hbm>> -> memref<32xi32, #tpu.memory_space<hbm>>
      %dma_start3A_63 = arith.constant 0 : i32
      %dma_start3A_64 = tpu.memref_slice %arg6[%run_scoped3A_5, %dma_start3A_63] : memref<2x32xi32, #tpu.memory_space<vmem>> -> memref<1x32xi32, #tpu.memory_space<vmem>>
      %dma_start3A_65 = tpu.memref_squeeze %dma_start3A_64 : memref<1x32xi32, #tpu.memory_space<vmem>> -> memref<32xi32, #tpu.memory_space<vmem>>
      %dma_start3A_66 = tpu.memref_slice %arg3[%run_scoped3A_4, %mul3A_2] : memref<2x1024xi32, #tpu.memory_space<hbm>> -> memref<1x32xi32, #tpu.memory_space<hbm>>
      %dma_start3A_67 = tpu.memref_squeeze %dma_start3A_66 : memref<1x32xi32, #tpu.memory_space<hbm>> -> memref<32xi32, #tpu.memory_space<hbm>>
      tpu.enqueue_dma source(%dma_start3A_67 : memref<32xi32, #tpu.memory_space<hbm>>) target(%dma_start3A_65 : memref<32xi32, #tpu.memory_space<vmem>>) target_semaphore(%run_scoped3A_57 : memref<!tpu.dma_semaphore, #tpu.memory_space<semaphore_mem>>)
      %dma_wait3A_68 = arith.constant 0 : i32
      %dma_wait3A_69 = tpu.memref_slice %arg6[%run_scoped3A_5, %dma_wait3A_68] : memref<2x32xi32, #tpu.memory_space<vmem>> -> memref<1x32xi32, #tpu.memory_space<vmem>>
      %dma_wait3A_70 = tpu.memref_squeeze %dma_wait3A_69 : memref<1x32xi32, #tpu.memory_space<vmem>> -> memref<32xi32, #tpu.memory_space<vmem>>
      %dma_wait3A_71 = tpu.memref_slice %arg3[%run_scoped3A_4, %mul3A_2] : memref<2x1024xi32, #tpu.memory_space<hbm>> -> memref<1x32xi32, #tpu.memory_space<hbm>>
      %dma_wait3A_72 = tpu.memref_squeeze %dma_wait3A_71 : memref<1x32xi32, #tpu.memory_space<hbm>> -> memref<32xi32, #tpu.memory_space<hbm>>
      %dma_wait3A_73 = arith.constant 0 : i32
      %dma_wait3A_74 = tpu.memref_slice %arg6[%run_scoped3A_5, %dma_wait3A_73] : memref<2x32xi32, #tpu.memory_space<vmem>> -> memref<1x32xi32, #tpu.memory_space<vmem>>
      %dma_wait3A_75 = tpu.memref_squeeze %dma_wait3A_74 : memref<1x32xi32, #tpu.memory_space<vmem>> -> memref<32xi32, #tpu.memory_space<vmem>>
      %dma_wait3A_76 = tpu.memref_slice %arg3[%run_scoped3A_4, %mul3A_2] : memref<2x1024xi32, #tpu.memory_space<hbm>> -> memref<1x32xi32, #tpu.memory_space<hbm>>
      %dma_wait3A_77 = tpu.memref_squeeze %dma_wait3A_76 : memref<1x32xi32, #tpu.memory_space<hbm>> -> memref<32xi32, #tpu.memory_space<hbm>>
      tpu.wait_dma2 semaphore(%run_scoped3A_57 : memref<!tpu.dma_semaphore, #tpu.memory_space<semaphore_mem>>) src(%dma_wait3A_77 : memref<32xi32, #tpu.memory_space<hbm>>) dst(%dma_wait3A_75 : memref<32xi32, #tpu.memory_space<vmem>>)
      tpu.yield
    }) : () -> ()
    "tpu.region"() ({
      %run_scoped3A_57 = tpu.sem_alloc : memref<!tpu.dma_semaphore, #tpu.memory_space<semaphore_mem>>
      %dma_start3A_58 = arith.constant 0 : i32
      %dma_start3A_59 = tpu.memref_slice %arg4[%mul3A_2, %dma_start3A_58] : memref<1024x32xf32, #tpu.memory_space<hbm>> -> memref<32x32xf32, #tpu.memory_space<hbm>>
      %dma_start3A_60 = arith.constant 0 : i32
      %dma_start3A_61 = tpu.memref_slice %arg4[%mul3A_2, %dma_start3A_60] : memref<1024x32xf32, #tpu.memory_space<hbm>> -> memref<32x32xf32, #tpu.memory_space<hbm>>
      tpu.enqueue_dma source(%dma_start3A_61 : memref<32x32xf32, #tpu.memory_space<hbm>>) target(%arg7 : memref<32x32xf32, #tpu.memory_space<vmem>>) target_semaphore(%run_scoped3A_57 : memref<!tpu.dma_semaphore, #tpu.memory_space<semaphore_mem>>)
      %dma_wait3A_62 = arith.constant 0 : i32
      %dma_wait3A_63 = tpu.memref_slice %arg4[%mul3A_2, %dma_wait3A_62] : memref<1024x32xf32, #tpu.memory_space<hbm>> -> memref<32x32xf32, #tpu.memory_space<hbm>>
      %dma_wait3A_64 = arith.constant 0 : i32
      %dma_wait3A_65 = tpu.memref_slice %arg4[%mul3A_2, %dma_wait3A_64] : memref<1024x32xf32, #tpu.memory_space<hbm>> -> memref<32x32xf32, #tpu.memory_space<hbm>>
      tpu.wait_dma2 semaphore(%run_scoped3A_57 : memref<!tpu.dma_semaphore, #tpu.memory_space<semaphore_mem>>) src(%dma_wait3A_65 : memref<32x32xf32, #tpu.memory_space<hbm>>) dst(%arg7 : memref<32x32xf32, #tpu.memory_space<vmem>>)
      tpu.yield
    }) : () -> ()
    %dma_start3A = arith.constant 0 : i32
    %dma_start3A_6 = arith.constant 0 : i32
    %dma_start3A_7 = arith.constant 0 : i32
    %dma_start3A_8 = arith.constant 0 : i32
    %dma_start3A_9 = tpu.memref_slice %arg8[%dma_start3A_6, %dma_start3A_7, %dma_start3A_8] : memref<2x32x1024xf32, #tpu.memory_space<vmem>> -> memref<1x32x1024xf32, #tpu.memory_space<vmem>>
    %dma_start3A_10 = tpu.memref_squeeze %dma_start3A_9 : memref<1x32x1024xf32, #tpu.memory_space<vmem>> -> memref<32x1024xf32, #tpu.memory_space<vmem>>
    %dma_start3A_11 = arith.constant 0 : i32
    %dma_start3A_12 = tpu.memref_slice %arg6[%dma_start3A, %dma_start3A_11] : memref<2x32xi32, #tpu.memory_space<vmem>> -> memref<1x32xi32, #tpu.memory_space<vmem>>
    %dma_start3A_13 = tpu.memref_squeeze %dma_start3A_12 : memref<1x32xi32, #tpu.memory_space<vmem>> -> memref<32xi32, #tpu.memory_space<vmem>>
    %dma_start3A_14 = arith.constant 0 : i32
    %dma_start3A_15 = arith.constant 0 : i32
    %dma_start3A_16 = tpu.memref_slice %arg2[%dma_start3A_14, %dma_start3A_15] : memref<3840x1024xf32, #tpu.memory_space<hbm>> -> memref<3840x1024xf32, #tpu.memory_space<hbm>>
    tpu.enqueue_indirect_dma source(%dma_start3A_16 : memref<3840x1024xf32, #tpu.memory_space<hbm>>) target(%dma_start3A_10 : memref<32x1024xf32, #tpu.memory_space<vmem>>) offsets(%dma_start3A_13 : memref<32xi32, #tpu.memory_space<vmem>>) semaphore(%arg10 : memref<!tpu.dma_semaphore, #tpu.memory_space<semaphore_mem>>)
    %dma_start3A_17 = arith.constant 1 : i32
    %dma_start3A_18 = arith.constant 1 : i32
    %dma_start3A_19 = arith.constant 0 : i32
    %dma_start3A_20 = arith.constant 0 : i32
    %dma_start3A_21 = tpu.memref_slice %arg8[%dma_start3A_18, %dma_start3A_19, %dma_start3A_20] : memref<2x32x1024xf32, #tpu.memory_space<vmem>> -> memref<1x32x1024xf32, #tpu.memory_space<vmem>>
    %dma_start3A_22 = tpu.memref_squeeze %dma_start3A_21 : memref<1x32x1024xf32, #tpu.memory_space<vmem>> -> memref<32x1024xf32, #tpu.memory_space<vmem>>
    %dma_start3A_23 = arith.constant 0 : i32
    %dma_start3A_24 = tpu.memref_slice %arg6[%dma_start3A_17, %dma_start3A_23] : memref<2x32xi32, #tpu.memory_space<vmem>> -> memref<1x32xi32, #tpu.memory_space<vmem>>
    %dma_start3A_25 = tpu.memref_squeeze %dma_start3A_24 : memref<1x32xi32, #tpu.memory_space<vmem>> -> memref<32xi32, #tpu.memory_space<vmem>>
    %dma_start3A_26 = arith.constant 0 : i32
    %dma_start3A_27 = arith.constant 0 : i32
    %dma_start3A_28 = tpu.memref_slice %arg2[%dma_start3A_26, %dma_start3A_27] : memref<3840x1024xf32, #tpu.memory_space<hbm>> -> memref<3840x1024xf32, #tpu.memory_space<hbm>>
    tpu.enqueue_indirect_dma source(%dma_start3A_28 : memref<3840x1024xf32, #tpu.memory_space<hbm>>) target(%dma_start3A_22 : memref<32x1024xf32, #tpu.memory_space<vmem>>) offsets(%dma_start3A_25 : memref<32xi32, #tpu.memory_space<vmem>>) semaphore(%arg10 : memref<!tpu.dma_semaphore, #tpu.memory_space<semaphore_mem>>)
    %dma_wait3A = arith.constant 0 : i32
    %dma_wait3A_29 = arith.constant 0 : i32
    %dma_wait3A_30 = arith.constant 0 : i32
    %dma_wait3A_31 = arith.constant 0 : i32
    %dma_wait3A_32 = tpu.memref_slice %arg8[%dma_wait3A_29, %dma_wait3A_30, %dma_wait3A_31] : memref<2x32x1024xf32, #tpu.memory_space<vmem>> -> memref<1x32x1024xf32, #tpu.memory_space<vmem>>
    %dma_wait3A_33 = tpu.memref_squeeze %dma_wait3A_32 : memref<1x32x1024xf32, #tpu.memory_space<vmem>> -> memref<32x1024xf32, #tpu.memory_space<vmem>>
    %dma_wait3A_34 = arith.constant 0 : i32
    %dma_wait3A_35 = tpu.memref_slice %arg6[%dma_wait3A, %dma_wait3A_34] : memref<2x32xi32, #tpu.memory_space<vmem>> -> memref<1x32xi32, #tpu.memory_space<vmem>>
    %dma_wait3A_36 = tpu.memref_squeeze %dma_wait3A_35 : memref<1x32xi32, #tpu.memory_space<vmem>> -> memref<32xi32, #tpu.memory_space<vmem>>
    %dma_wait3A_37 = arith.constant 0 : i32
    %dma_wait3A_38 = arith.constant 0 : i32
    %dma_wait3A_39 = tpu.memref_slice %arg2[%dma_wait3A_37, %dma_wait3A_38] : memref<3840x1024xf32, #tpu.memory_space<hbm>> -> memref<3840x1024xf32, #tpu.memory_space<hbm>>
    tpu.wait_indirect_dma semaphore(%arg10 : memref<!tpu.dma_semaphore, #tpu.memory_space<semaphore_mem>>) src(%dma_wait3A_39 : memref<3840x1024xf32, #tpu.memory_space<hbm>>) dst(%dma_wait3A_33 : memref<32x1024xf32, #tpu.memory_space<vmem>>)
    %dma_wait3A_40 = arith.constant 1 : i32
    %dma_wait3A_41 = arith.constant 1 : i32
    %dma_wait3A_42 = arith.constant 0 : i32
    %dma_wait3A_43 = arith.constant 0 : i32
    %dma_wait3A_44 = tpu.memref_slice %arg8[%dma_wait3A_41, %dma_wait3A_42, %dma_wait3A_43] : memref<2x32x1024xf32, #tpu.memory_space<vmem>> -> memref<1x32x1024xf32, #tpu.memory_space<vmem>>
    %dma_wait3A_45 = tpu.memref_squeeze %dma_wait3A_44 : memref<1x32x1024xf32, #tpu.memory_space<vmem>> -> memref<32x1024xf32, #tpu.memory_space<vmem>>
    %dma_wait3A_46 = arith.constant 0 : i32
    %dma_wait3A_47 = tpu.memref_slice %arg6[%dma_wait3A_40, %dma_wait3A_46] : memref<2x32xi32, #tpu.memory_space<vmem>> -> memref<1x32xi32, #tpu.memory_space<vmem>>
    %dma_wait3A_48 = tpu.memref_squeeze %dma_wait3A_47 : memref<1x32xi32, #tpu.memory_space<vmem>> -> memref<32xi32, #tpu.memory_space<vmem>>
    %dma_wait3A_49 = arith.constant 0 : i32
    %dma_wait3A_50 = arith.constant 0 : i32
    %dma_wait3A_51 = tpu.memref_slice %arg2[%dma_wait3A_49, %dma_wait3A_50] : memref<3840x1024xf32, #tpu.memory_space<hbm>> -> memref<3840x1024xf32, #tpu.memory_space<hbm>>
    tpu.wait_indirect_dma semaphore(%arg10 : memref<!tpu.dma_semaphore, #tpu.memory_space<semaphore_mem>>) src(%dma_wait3A_51 : memref<3840x1024xf32, #tpu.memory_space<hbm>>) dst(%dma_wait3A_45 : memref<32x1024xf32, #tpu.memory_space<vmem>>)
    %scan3A = arith.constant 0 : i32
    %scan3A_52 = arith.constant 0 : i32
    %scan3A_53 = arith.constant 32 : i32
    %scan3A_54 = arith.addi %scan3A_52, %scan3A_53 : i32
    %scan3A_55 = arith.constant 1 : i32
    scf.for %scan3A_57 = %scan3A_52 to %scan3A_54 step %scan3A_55  : i32 {
      %get3A = arith.index_cast %scan3A_57 : i32 to index
      %get3A_58 = arith.constant 0 : index
      %get3A_59 = tpu.vector_load %arg7[%get3A, %get3A_58] {strides = array<i32>} : memref<32x32xf32, #tpu.memory_space<vmem>>, vector<1x16xf32>,
      %get3A_60 = vector.shape_cast %get3A_59 : vector<1x16xf32> to vector<16xf32>
      %get3A_61 = arith.index_cast %scan3A_57 : i32 to index
      %get3A_62 = arith.constant 16 : index
      %get3A_63 = tpu.vector_load %arg7[%get3A_61, %get3A_62] {strides = array<i32>} : memref<32x32xf32, #tpu.memory_space<vmem>>, vector<1x16xf32>,
      %get3A_64 = vector.shape_cast %get3A_63 : vector<1x16xf32> to vector<16xf32>
      %get3A_65 = arith.constant 0 : i32
      %get3A_66 = arith.index_cast %get3A_65 : i32 to index
      %get3A_67 = arith.index_cast %scan3A_57 : i32 to index
      %get3A_68 = arith.constant 0 : index
      %get3A_69 = tpu.vector_load %arg8[%get3A_66, %get3A_67, %get3A_68] {strides = array<i32>} : memref<2x32x1024xf32, #tpu.memory_space<vmem>>, vector<1x1x16xf32>,
      %get3A_70 = vector.shape_cast %get3A_69 : vector<1x1x16xf32> to vector<16xf32>
      %mul3A_71 = arith.mulf %get3A_70, %get3A_60 : vector<16xf32>
      %get3A_72 = arith.constant 1 : i32
      %get3A_73 = arith.index_cast %get3A_72 : i32 to index
      %get3A_74 = arith.index_cast %scan3A_57 : i32 to index
      %get3A_75 = arith.constant 0 : index
      %get3A_76 = tpu.vector_load %arg8[%get3A_73, %get3A_74, %get3A_75] {strides = array<i32>} : memref<2x32x1024xf32, #tpu.memory_space<vmem>>, vector<1x1x16xf32>,
      %get3A_77 = vector.shape_cast %get3A_76 : vector<1x1x16xf32> to vector<16xf32>
      %mul3A_78 = arith.mulf %get3A_77, %get3A_64 : vector<16xf32>
      %add3A_79 = arith.addf %mul3A_71, %mul3A_78 : vector<16xf32>
      %swap3A = arith.index_cast %scan3A_57 : i32 to index
      %swap3A_80 = arith.constant 0 : index
      %swap3A_81 = tpu.vector_load %arg9[%swap3A, %swap3A_80] {strides = array<i32>} : memref<32x1024xf32, #tpu.memory_space<vmem>>, vector<1x16xf32>,
      %swap3A_82 = vector.shape_cast %swap3A_81 : vector<1x16xf32> to vector<16xf32>
      %swap3A_83 = vector.shape_cast %add3A_79 : vector<16xf32> to vector<1x16xf32>
      tpu.vector_store %arg9[%swap3A, %swap3A_80], %swap3A_83 {strides = array<i32>} : memref<32x1024xf32, #tpu.memory_space<vmem>>, vector<1x16xf32>,
      %get3A_84 = arith.constant 0 : i32
      %get3A_85 = arith.index_cast %get3A_84 : i32 to index
      %get3A_86 = arith.index_cast %scan3A_57 : i32 to index
      %get3A_87 = arith.constant 16 : index
      %get3A_88 = tpu.vector_load %arg8[%get3A_85, %get3A_86, %get3A_87] {strides = array<i32>} : memref<2x32x1024xf32, #tpu.memory_space<vmem>>, vector<1x1x16xf32>,
      %get3A_89 = vector.shape_cast %get3A_88 : vector<1x1x16xf32> to vector<16xf32>
      %mul3A_90 = arith.mulf %get3A_89, %get3A_60 : vector<16xf32>
      %get3A_91 = arith.constant 1 : i32
      %get3A_92 = arith.index_cast %get3A_91 : i32 to index
      %get3A_93 = arith.index_cast %scan3A_57 : i32 to index
      %get3A_94 = arith.constant 16 : index
      %get3A_95 = tpu.vector_load %arg8[%get3A_92, %get3A_93, %get3A_94] {strides = array<i32>} : memref<2x32x1024xf32, #tpu.memory_space<vmem>>, vector<1x1x16xf32>,
      %get3A_96 = vector.shape_cast %get3A_95 : vector<1x1x16xf32> to vector<16xf32>
      %mul3A_97 = arith.mulf %get3A_96, %get3A_64 : vector<16xf32>
      %add3A_98 = arith.addf %mul3A_90, %mul3A_97 : vector<16xf32>
      %swap3A_99 = arith.index_cast %scan3A_57 : i32 to index
      %swap3A_100 = arith.constant 16 : index
      %swap3A_101 = tpu.vector_load %arg9[%swap3A_99, %swap3A_100] {strides = array<i32>} : memref<32x1024xf32, #tpu.memory_space<vmem>>, vector<1x16xf32>,
      %swap3A_102 = vector.shape_cast %swap3A_101 : vector<1x16xf32> to vector<16xf32>
      %swap3A_103 = vector.shape_cast %add3A_98 : vector<16xf32> to vector<1x16xf32>
      tpu.vector_store %arg9[%swap3A_99, %swap3A_100], %swap3A_103 {strides = array<i32>} : memref<32x1024xf32, #tpu.memory_space<vmem>>, vector<1x16xf32>,
      %get3A_104 = arith.constant 0 : i32
      %get3A_105 = arith.index_cast %get3A_104 : i32 to index
      %get3A_106 = arith.index_cast %scan3A_57 : i32 to index
      %get3A_107 = arith.constant 32 : index
      %get3A_108 = tpu.vector_load %arg8[%get3A_105, %get3A_106, %get3A_107] {strides = array<i32>} : memref<2x32x1024xf32, #tpu.memory_space<vmem>>, vector<1x1x16xf32>,
      %get3A_109 = vector.shape_cast %get3A_108 : vector<1x1x16xf32> to vector<16xf32>
      %mul3A_110 = arith.mulf %get3A_109, %get3A_60 : vector<16xf32>
      %get3A_111 = arith.constant 1 : i32
      %get3A_112 = arith.index_cast %get3A_111 : i32 to index
      %get3A_113 = arith.index_cast %scan3A_57 : i32 to index
      %get3A_114 = arith.constant 32 : index
      %get3A_115 = tpu.vector_load %arg8[%get3A_112, %get3A_113, %get3A_114] {strides = array<i32>} : memref<2x32x1024xf32, #tpu.memory_space<vmem>>, vector<1x1x16xf32>,
      %get3A_116 = vector.shape_cast %get3A_115 : vector<1x1x16xf32> to vector<16xf32>
      %mul3A_117 = arith.mulf %get3A_116, %get3A_64 : vector<16xf32>
      %add3A_118 = arith.addf %mul3A_110, %mul3A_117 : vector<16xf32>
      %swap3A_119 = arith.index_cast %scan3A_57 : i32 to index
      %swap3A_120 = arith.constant 32 : index
      %swap3A_121 = tpu.vector_load %arg9[%swap3A_119, %swap3A_120] {strides = array<i32>} : memref<32x1024xf32, #tpu.memory_space<vmem>>, vector<1x16xf32>,
      %swap3A_122 = vector.shape_cast %swap3A_121 : vector<1x16xf32> to vector<16xf32>
      %swap3A_123 = vector.shape_cast %add3A_118 : vector<16xf32> to vector<1x16xf32>
      tpu.vector_store %arg9[%swap3A_119, %swap3A_120], %swap3A_123 {strides = array<i32>} : memref<32x1024xf32, #tpu.memory_space<vmem>>, vector<1x16xf32>,
      %get3A_124 = arith.constant 0 : i32
      %get3A_125 = arith.index_cast %get3A_124 : i32 to index
      %get3A_126 = arith.index_cast %scan3A_57 : i32 to index
      %get3A_127 = arith.constant 48 : index
      %get3A_128 = tpu.vector_load %arg8[%get3A_125, %get3A_126, %get3A_127] {strides = array<i32>} : memref<2x32x1024xf32, #tpu.memory_space<vmem>>, vector<1x1x16xf32>,
      %get3A_129 = vector.shape_cast %get3A_128 : vector<1x1x16xf32> to vector<16xf32>
      %mul3A_130 = arith.mulf %get3A_129, %get3A_60 : vector<16xf32>
      %get3A_131 = arith.constant 1 : i32
      %get3A_132 = arith.index_cast %get3A_131 : i32 to index
      %get3A_133 = arith.index_cast %scan3A_57 : i32 to index
      %get3A_134 = arith.constant 48 : index
      %get3A_135 = tpu.vector_load %arg8[%get3A_132, %get3A_133, %get3A_134] {strides = array<i32>} : memref<2x32x1024xf32, #tpu.memory_space<vmem>>, vector<1x1x16xf32>,
      %get3A_136 = vector.shape_cast %get3A_135 : vector<1x1x16xf32> to vector<16xf32>
      %mul3A_137 = arith.mulf %get3A_136, %get3A_64 : vector<16xf32>
      %add3A_138 = arith.addf %mul3A_130, %mul3A_137 : vector<16xf32>
      %swap3A_139 = arith.index_cast %scan3A_57 : i32 to index
      %swap3A_140 = arith.constant 48 : index
      %swap3A_141 = tpu.vector_load %arg9[%swap3A_139, %swap3A_140] {strides = array<i32>} : memref<32x1024xf32, #tpu.memory_space<vmem>>, vector<1x16xf32>,
      %swap3A_142 = vector.shape_cast %swap3A_141 : vector<1x16xf32> to vector<16xf32>
      %swap3A_143 = vector.shape_cast %add3A_138 : vector<16xf32> to vector<1x16xf32>
      tpu.vector_store %arg9[%swap3A_139, %swap3A_140], %swap3A_143 {strides = array<i32>} : memref<32x1024xf32, #tpu.memory_space<vmem>>, vector<1x16xf32>,
      %get3A_144 = arith.constant 0 : i32
      %get3A_145 = arith.index_cast %get3A_144 : i32 to index
      %get3A_146 = arith.index_cast %scan3A_57 : i32 to index
      %get3A_147 = arith.constant 64 : index
      %get3A_148 = tpu.vector_load %arg8[%get3A_145, %get3A_146, %get3A_147] {strides = array<i32>} : memref<2x32x1024xf32, #tpu.memory_space<vmem>>, vector<1x1x16xf32>,
      %get3A_149 = vector.shape_cast %get3A_148 : vector<1x1x16xf32> to vector<16xf32>
      %mul3A_150 = arith.mulf %get3A_149, %get3A_60 : vector<16xf32>
      %get3A_151 = arith.constant 1 : i32
      %get3A_152 = arith.index_cast %get3A_151 : i32 to index
      %get3A_153 = arith.index_cast %scan3A_57 : i32 to index
      %get3A_154 = arith.constant 64 : index
      %get3A_155 = tpu.vector_load %arg8[%get3A_152, %get3A_153, %get3A_154] {strides = array<i32>} : memref<2x32x1024xf32, #tpu.memory_space<vmem>>, vector<1x1x16xf32>,
      %get3A_156 = vector.shape_cast %get3A_155 : vector<1x1x16xf32> to vector<16xf32>
      %mul3A_157 = arith.mulf %get3A_156, %get3A_64 : vector<16xf32>
      %add3A_158 = arith.addf %mul3A_150, %mul3A_157 : vector<16xf32>
      %swap3A_159 = arith.index_cast %scan3A_57 : i32 to index
      %swap3A_160 = arith.constant 64 : index
      %swap3A_161 = tpu.vector_load %arg9[%swap3A_159, %swap3A_160] {strides = array<i32>} : memref<32x1024xf32, #tpu.memory_space<vmem>>, vector<1x16xf32>,
      %swap3A_162 = vector.shape_cast %swap3A_161 : vector<1x16xf32> to vector<16xf32>
      %swap3A_163 = vector.shape_cast %add3A_158 : vector<16xf32> to vector<1x16xf32>
      tpu.vector_store %arg9[%swap3A_159, %swap3A_160], %swap3A_163 {strides = array<i32>} : memref<32x1024xf32, #tpu.memory_space<vmem>>, vector<1x16xf32>,
      %get3A_164 = arith.constant 0 : i32
      %get3A_165 = arith.index_cast %get3A_164 : i32 to index
      %get3A_166 = arith.index_cast %scan3A_57 : i32 to index
      %get3A_167 = arith.constant 80 : index
      %get3A_168 = tpu.vector_load %arg8[%get3A_165, %get3A_166, %get3A_167] {strides = array<i32>} : memref<2x32x1024xf32, #tpu.memory_space<vmem>>, vector<1x1x16xf32>,
      %get3A_169 = vector.shape_cast %get3A_168 : vector<1x1x16xf32> to vector<16xf32>
      %mul3A_170 = arith.mulf %get3A_169, %get3A_60 : vector<16xf32>
      %get3A_171 = arith.constant 1 : i32
      %get3A_172 = arith.index_cast %get3A_171 : i32 to index
      %get3A_173 = arith.index_cast %scan3A_57 : i32 to index
      %get3A_174 = arith.constant 80 : index
      %get3A_175 = tpu.vector_load %arg8[%get3A_172, %get3A_173, %get3A_174] {strides = array<i32>} : memref<2x32x1024xf32, #tpu.memory_space<vmem>>, vector<1x1x16xf32>,
      %get3A_176 = vector.shape_cast %get3A_175 : vector<1x1x16xf32> to vector<16xf32>
      %mul3A_177 = arith.mulf %get3A_176, %get3A_64 : vector<16xf32>
      %add3A_178 = arith.addf %mul3A_170, %mul3A_177 : vector<16xf32>
      %swap3A_179 = arith.index_cast %scan3A_57 : i32 to index
      %swap3A_180 = arith.constant 80 : index
      %swap3A_181 = tpu.vector_load %arg9[%swap3A_179, %swap3A_180] {strides = array<i32>} : memref<32x1024xf32, #tpu.memory_space<vmem>>, vector<1x16xf32>,
      %swap3A_182 = vector.shape_cast %swap3A_181 : vector<1x16xf32> to vector<16xf32>
      %swap3A_183 = vector.shape_cast %add3A_178 : vector<16xf32> to vector<1x16xf32>
      tpu.vector_store %arg9[%swap3A_179, %swap3A_180], %swap3A_183 {strides = array<i32>} : memref<32x1024xf32, #tpu.memory_space<vmem>>, vector<1x16xf32>,
      %get3A_184 = arith.constant 0 : i32
      %get3A_185 = arith.index_cast %get3A_184 : i32 to index
      %get3A_186 = arith.index_cast %scan3A_57 : i32 to index
      %get3A_187 = arith.constant 96 : index
      %get3A_188 = tpu.vector_load %arg8[%get3A_185, %get3A_186, %get3A_187] {strides = array<i32>} : memref<2x32x1024xf32, #tpu.memory_space<vmem>>, vector<1x1x16xf32>,
      %get3A_189 = vector.shape_cast %get3A_188 : vector<1x1x16xf32> to vector<16xf32>
      %mul3A_190 = arith.mulf %get3A_189, %get3A_60 : vector<16xf32>
      %get3A_191 = arith.constant 1 : i32
      %get3A_192 = arith.index_cast %get3A_191 : i32 to index
      %get3A_193 = arith.index_cast %scan3A_57 : i32 to index
      %get3A_194 = arith.constant 96 : index
      %get3A_195 = tpu.vector_load %arg8[%get3A_192, %get3A_193, %get3A_194] {strides = array<i32>} : memref<2x32x1024xf32, #tpu.memory_space<vmem>>, vector<1x1x16xf32>,
      %get3A_196 = vector.shape_cast %get3A_195 : vector<1x1x16xf32> to vector<16xf32>
      %mul3A_197 = arith.mulf %get3A_196, %get3A_64 : vector<16xf32>
      %add3A_198 = arith.addf %mul3A_190, %mul3A_197 : vector<16xf32>
      %swap3A_199 = arith.index_cast %scan3A_57 : i32 to index
      %swap3A_200 = arith.constant 96 : index
      %swap3A_201 = tpu.vector_load %arg9[%swap3A_199, %swap3A_200] {strides = array<i32>} : memref<32x1024xf32, #tpu.memory_space<vmem>>, vector<1x16xf32>,
      %swap3A_202 = vector.shape_cast %swap3A_201 : vector<1x16xf32> to vector<16xf32>
      %swap3A_203 = vector.shape_cast %add3A_198 : vector<16xf32> to vector<1x16xf32>
      tpu.vector_store %arg9[%swap3A_199, %swap3A_200], %swap3A_203 {strides = array<i32>} : memref<32x1024xf32, #tpu.memory_space<vmem>>, vector<1x16xf32>,
      %get3A_204 = arith.constant 0 : i32
      %get3A_205 = arith.index_cast %get3A_204 : i32 to index
      %get3A_206 = arith.index_cast %scan3A_57 : i32 to index
      %get3A_207 = arith.constant 112 : index
      %get3A_208 = tpu.vector_load %arg8[%get3A_205, %get3A_206, %get3A_207] {strides = array<i32>} : memref<2x32x1024xf32, #tpu.memory_space<vmem>>, vector<1x1x16xf32>,
      %get3A_209 = vector.shape_cast %get3A_208 : vector<1x1x16xf32> to vector<16xf32>
      %mul3A_210 = arith.mulf %get3A_209, %get3A_60 : vector<16xf32>
      %get3A_211 = arith.constant 1 : i32
      %get3A_212 = arith.index_cast %get3A_211 : i32 to index
      %get3A_213 = arith.index_cast %scan3A_57 : i32 to index
      %get3A_214 = arith.constant 112 : index
      %get3A_215 = tpu.vector_load %arg8[%get3A_212, %get3A_213, %get3A_214] {strides = array<i32>} : memref<2x32x1024xf32, #tpu.memory_space<vmem>>, vector<1x1x16xf32>,
      %get3A_216 = vector.shape_cast %get3A_215 : vector<1x1x16xf32> to vector<16xf32>
      %mul3A_217 = arith.mulf %get3A_216, %get3A_64 : vector<16xf32>
      %add3A_218 = arith.addf %mul3A_210, %mul3A_217 : vector<16xf32>
      %swap3A_219 = arith.index_cast %scan3A_57 : i32 to index
      %swap3A_220 = arith.constant 112 : index
      %swap3A_221 = tpu.vector_load %arg9[%swap3A_219, %swap3A_220] {strides = array<i32>} : memref<32x1024xf32, #tpu.memory_space<vmem>>, vector<1x16xf32>,
      %swap3A_222 = vector.shape_cast %swap3A_221 : vector<1x16xf32> to vector<16xf32>
      %swap3A_223 = vector.shape_cast %add3A_218 : vector<16xf32> to vector<1x16xf32>
      tpu.vector_store %arg9[%swap3A_219, %swap3A_220], %swap3A_223 {strides = array<i32>} : memref<32x1024xf32, #tpu.memory_space<vmem>>, vector<1x16xf32>,
      %get3A_224 = arith.constant 0 : i32
      %get3A_225 = arith.index_cast %get3A_224 : i32 to index
      %get3A_226 = arith.index_cast %scan3A_57 : i32 to index
      %get3A_227 = arith.constant 128 : index
      %get3A_228 = tpu.vector_load %arg8[%get3A_225, %get3A_226, %get3A_227] {strides = array<i32>} : memref<2x32x1024xf32, #tpu.memory_space<vmem>>, vector<1x1x16xf32>,
      %get3A_229 = vector.shape_cast %get3A_228 : vector<1x1x16xf32> to vector<16xf32>
      %mul3A_230 = arith.mulf %get3A_229, %get3A_60 : vector<16xf32>
      %get3A_231 = arith.constant 1 : i32
      %get3A_232 = arith.index_cast %get3A_231 : i32 to index
      %get3A_233 = arith.index_cast %scan3A_57 : i32 to index
      %get3A_234 = arith.constant 128 : index
      %get3A_235 = tpu.vector_load %arg8[%get3A_232, %get3A_233, %get3A_234] {strides = array<i32>} : memref<2x32x1024xf32, #tpu.memory_space<vmem>>, vector<1x1x16xf32>,
      %get3A_236 = vector.shape_cast %get3A_235 : vector<1x1x16xf32> to vector<16xf32>
      %mul3A_237 = arith.mulf %get3A_236, %get3A_64 : vector<16xf32>
      %add3A_238 = arith.addf %mul3A_230, %mul3A_237 : vector<16xf32>
      %swap3A_239 = arith.index_cast %scan3A_57 : i32 to index
      %swap3A_240 = arith.constant 128 : index
      %swap3A_241 = tpu.vector_load %arg9[%swap3A_239, %swap3A_240] {strides = array<i32>} : memref<32x1024xf32, #tpu.memory_space<vmem>>, vector<1x16xf32>,
      %swap3A_242 = vector.shape_cast %swap3A_241 : vector<1x16xf32> to vector<16xf32>
      %swap3A_243 = vector.shape_cast %add3A_238 : vector<16xf32> to vector<1x16xf32>
      tpu.vector_store %arg9[%swap3A_239, %swap3A_240], %swap3A_243 {strides = array<i32>} : memref<32x1024xf32, #tpu.memory_space<vmem>>, vector<1x16xf32>,
      %get3A_244 = arith.constant 0 : i32
      %get3A_245 = arith.index_cast %get3A_244 : i32 to index
      %get3A_246 = arith.index_cast %scan3A_57 : i32 to index
      %get3A_247 = arith.constant 144 : index
      %get3A_248 = tpu.vector_load %arg8[%get3A_245, %get3A_246, %get3A_247] {strides = array<i32>} : memref<2x32x1024xf32, #tpu.memory_space<vmem>>, vector<1x1x16xf32>,
      %get3A_249 = vector.shape_cast %get3A_248 : vector<1x1x16xf32> to vector<16xf32>
      %mul3A_250 = arith.mulf %get3A_249, %get3A_60 : vector<16xf32>
      %get3A_251 = arith.constant 1 : i32
      %get3A_252 = arith.index_cast %get3A_251 : i32 to index
      %get3A_253 = arith.index_cast %scan3A_57 : i32 to index
      %get3A_254 = arith.constant 144 : index
      %get3A_255 = tpu.vector_load %arg8[%get3A_252, %get3A_253, %get3A_254] {strides = array<i32>} : memref<2x32x1024xf32, #tpu.memory_space<vmem>>, vector<1x1x16xf32>,
      %get3A_256 = vector.shape_cast %get3A_255 : vector<1x1x16xf32> to vector<16xf32>
      %mul3A_257 = arith.mulf %get3A_256, %get3A_64 : vector<16xf32>
      %add3A_258 = arith.addf %mul3A_250, %mul3A_257 : vector<16xf32>
      %swap3A_259 = arith.index_cast %scan3A_57 : i32 to index
      %swap3A_260 = arith.constant 144 : index
      %swap3A_261 = tpu.vector_load %arg9[%swap3A_259, %swap3A_260] {strides = array<i32>} : memref<32x1024xf32, #tpu.memory_space<vmem>>, vector<1x16xf32>,
      %swap3A_262 = vector.shape_cast %swap3A_261 : vector<1x16xf32> to vector<16xf32>
      %swap3A_263 = vector.shape_cast %add3A_258 : vector<16xf32> to vector<1x16xf32>
      tpu.vector_store %arg9[%swap3A_259, %swap3A_260], %swap3A_263 {strides = array<i32>} : memref<32x1024xf32, #tpu.memory_space<vmem>>, vector<1x16xf32>,
      %get3A_264 = arith.constant 0 : i32
      %get3A_265 = arith.index_cast %get3A_264 : i32 to index
      %get3A_266 = arith.index_cast %scan3A_57 : i32 to index
      %get3A_267 = arith.constant 160 : index
      %get3A_268 = tpu.vector_load %arg8[%get3A_265, %get3A_266, %get3A_267] {strides = array<i32>} : memref<2x32x1024xf32, #tpu.memory_space<vmem>>, vector<1x1x16xf32>,
      %get3A_269 = vector.shape_cast %get3A_268 : vector<1x1x16xf32> to vector<16xf32>
      %mul3A_270 = arith.mulf %get3A_269, %get3A_60 : vector<16xf32>
      %get3A_271 = arith.constant 1 : i32
      %get3A_272 = arith.index_cast %get3A_271 : i32 to index
      %get3A_273 = arith.index_cast %scan3A_57 : i32 to index
      %get3A_274 = arith.constant 160 : index
      %get3A_275 = tpu.vector_load %arg8[%get3A_272, %get3A_273, %get3A_274] {strides = array<i32>} : memref<2x32x1024xf32, #tpu.memory_space<vmem>>, vector<1x1x16xf32>,
      %get3A_276 = vector.shape_cast %get3A_275 : vector<1x1x16xf32> to vector<16xf32>
      %mul3A_277 = arith.mulf %get3A_276, %get3A_64 : vector<16xf32>
      %add3A_278 = arith.addf %mul3A_270, %mul3A_277 : vector<16xf32>
      %swap3A_279 = arith.index_cast %scan3A_57 : i32 to index
      %swap3A_280 = arith.constant 160 : index
      %swap3A_281 = tpu.vector_load %arg9[%swap3A_279, %swap3A_280] {strides = array<i32>} : memref<32x1024xf32, #tpu.memory_space<vmem>>, vector<1x16xf32>,
      %swap3A_282 = vector.shape_cast %swap3A_281 : vector<1x16xf32> to vector<16xf32>
      %swap3A_283 = vector.shape_cast %add3A_278 : vector<16xf32> to vector<1x16xf32>
      tpu.vector_store %arg9[%swap3A_279, %swap3A_280], %swap3A_283 {strides = array<i32>} : memref<32x1024xf32, #tpu.memory_space<vmem>>, vector<1x16xf32>,
      %get3A_284 = arith.constant 0 : i32
      %get3A_285 = arith.index_cast %get3A_284 : i32 to index
      %get3A_286 = arith.index_cast %scan3A_57 : i32 to index
      %get3A_287 = arith.constant 176 : index
      %get3A_288 = tpu.vector_load %arg8[%get3A_285, %get3A_286, %get3A_287] {strides = array<i32>} : memref<2x32x1024xf32, #tpu.memory_space<vmem>>, vector<1x1x16xf32>,
      %get3A_289 = vector.shape_cast %get3A_288 : vector<1x1x16xf32> to vector<16xf32>
      %mul3A_290 = arith.mulf %get3A_289, %get3A_60 : vector<16xf32>
      %get3A_291 = arith.constant 1 : i32
      %get3A_292 = arith.index_cast %get3A_291 : i32 to index
      %get3A_293 = arith.index_cast %scan3A_57 : i32 to index
      %get3A_294 = arith.constant 176 : index
      %get3A_295 = tpu.vector_load %arg8[%get3A_292, %get3A_293, %get3A_294] {strides = array<i32>} : memref<2x32x1024xf32, #tpu.memory_space<vmem>>, vector<1x1x16xf32>,
      %get3A_296 = vector.shape_cast %get3A_295 : vector<1x1x16xf32> to vector<16xf32>
      %mul3A_297 = arith.mulf %get3A_296, %get3A_64 : vector<16xf32>
      %add3A_298 = arith.addf %mul3A_290, %mul3A_297 : vector<16xf32>
      %swap3A_299 = arith.index_cast %scan3A_57 : i32 to index
      %swap3A_300 = arith.constant 176 : index
      %swap3A_301 = tpu.vector_load %arg9[%swap3A_299, %swap3A_300] {strides = array<i32>} : memref<32x1024xf32, #tpu.memory_space<vmem>>, vector<1x16xf32>,
      %swap3A_302 = vector.shape_cast %swap3A_301 : vector<1x16xf32> to vector<16xf32>
      %swap3A_303 = vector.shape_cast %add3A_298 : vector<16xf32> to vector<1x16xf32>
      tpu.vector_store %arg9[%swap3A_299, %swap3A_300], %swap3A_303 {strides = array<i32>} : memref<32x1024xf32, #tpu.memory_space<vmem>>, vector<1x16xf32>,
      %get3A_304 = arith.constant 0 : i32
      %get3A_305 = arith.index_cast %get3A_304 : i32 to index
      %get3A_306 = arith.index_cast %scan3A_57 : i32 to index
      %get3A_307 = arith.constant 192 : index
      %get3A_308 = tpu.vector_load %arg8[%get3A_305, %get3A_306, %get3A_307] {strides = array<i32>} : memref<2x32x1024xf32, #tpu.memory_space<vmem>>, vector<1x1x16xf32>,
      %get3A_309 = vector.shape_cast %get3A_308 : vector<1x1x16xf32> to vector<16xf32>
      %mul3A_310 = arith.mulf %get3A_309, %get3A_60 : vector<16xf32>
      %get3A_311 = arith.constant 1 : i32
      %get3A_312 = arith.index_cast %get3A_311 : i32 to index
      %get3A_313 = arith.index_cast %scan3A_57 : i32 to index
      %get3A_314 = arith.constant 192 : index
      %get3A_315 = tpu.vector_load %arg8[%get3A_312, %get3A_313, %get3A_314] {strides = array<i32>} : memref<2x32x1024xf32, #tpu.memory_space<vmem>>, vector<1x1x16xf32>,
      %get3A_316 = vector.shape_cast %get3A_315 : vector<1x1x16xf32> to vector<16xf32>
      %mul3A_317 = arith.mulf %get3A_316, %get3A_64 : vector<16xf32>
      %add3A_318 = arith.addf %mul3A_310, %mul3A_317 : vector<16xf32>
      %swap3A_319 = arith.index_cast %scan3A_57 : i32 to index
      %swap3A_320 = arith.constant 192 : index
      %swap3A_321 = tpu.vector_load %arg9[%swap3A_319, %swap3A_320] {strides = array<i32>} : memref<32x1024xf32, #tpu.memory_space<vmem>>, vector<1x16xf32>,
      %swap3A_322 = vector.shape_cast %swap3A_321 : vector<1x16xf32> to vector<16xf32>
      %swap3A_323 = vector.shape_cast %add3A_318 : vector<16xf32> to vector<1x16xf32>
      tpu.vector_store %arg9[%swap3A_319, %swap3A_320], %swap3A_323 {strides = array<i32>} : memref<32x1024xf32, #tpu.memory_space<vmem>>, vector<1x16xf32>,
      %get3A_324 = arith.constant 0 : i32
      %get3A_325 = arith.index_cast %get3A_324 : i32 to index
      %get3A_326 = arith.index_cast %scan3A_57 : i32 to index
      %get3A_327 = arith.constant 208 : index
      %get3A_328 = tpu.vector_load %arg8[%get3A_325, %get3A_326, %get3A_327] {strides = array<i32>} : memref<2x32x1024xf32, #tpu.memory_space<vmem>>, vector<1x1x16xf32>,
      %get3A_329 = vector.shape_cast %get3A_328 : vector<1x1x16xf32> to vector<16xf32>
      %mul3A_330 = arith.mulf %get3A_329, %get3A_60 : vector<16xf32>
      %get3A_331 = arith.constant 1 : i32
      %get3A_332 = arith.index_cast %get3A_331 : i32 to index
      %get3A_333 = arith.index_cast %scan3A_57 : i32 to index
      %get3A_334 = arith.constant 208 : index
      %get3A_335 = tpu.vector_load %arg8[%get3A_332, %get3A_333, %get3A_334] {strides = array<i32>} : memref<2x32x1024xf32, #tpu.memory_space<vmem>>, vector<1x1x16xf32>,
      %get3A_336 = vector.shape_cast %get3A_335 : vector<1x1x16xf32> to vector<16xf32>
      %mul3A_337 = arith.mulf %get3A_336, %get3A_64 : vector<16xf32>
      %add3A_338 = arith.addf %mul3A_330, %mul3A_337 : vector<16xf32>
      %swap3A_339 = arith.index_cast %scan3A_57 : i32 to index
      %swap3A_340 = arith.constant 208 : index
      %swap3A_341 = tpu.vector_load %arg9[%swap3A_339, %swap3A_340] {strides = array<i32>} : memref<32x1024xf32, #tpu.memory_space<vmem>>, vector<1x16xf32>,
      %swap3A_342 = vector.shape_cast %swap3A_341 : vector<1x16xf32> to vector<16xf32>
      %swap3A_343 = vector.shape_cast %add3A_338 : vector<16xf32> to vector<1x16xf32>
      tpu.vector_store %arg9[%swap3A_339, %swap3A_340], %swap3A_343 {strides = array<i32>} : memref<32x1024xf32, #tpu.memory_space<vmem>>, vector<1x16xf32>,
      %get3A_344 = arith.constant 0 : i32
      %get3A_345 = arith.index_cast %get3A_344 : i32 to index
      %get3A_346 = arith.index_cast %scan3A_57 : i32 to index
      %get3A_347 = arith.constant 224 : index
      %get3A_348 = tpu.vector_load %arg8[%get3A_345, %get3A_346, %get3A_347] {strides = array<i32>} : memref<2x32x1024xf32, #tpu.memory_space<vmem>>, vector<1x1x16xf32>,
      %get3A_349 = vector.shape_cast %get3A_348 : vector<1x1x16xf32> to vector<16xf32>
      %mul3A_350 = arith.mulf %get3A_349, %get3A_60 : vector<16xf32>
      %get3A_351 = arith.constant 1 : i32
      %get3A_352 = arith.index_cast %get3A_351 : i32 to index
      %get3A_353 = arith.index_cast %scan3A_57 : i32 to index
      %get3A_354 = arith.constant 224 : index
      %get3A_355 = tpu.vector_load %arg8[%get3A_352, %get3A_353, %get3A_354] {strides = array<i32>} : memref<2x32x1024xf32, #tpu.memory_space<vmem>>, vector<1x1x16xf32>,
      %get3A_356 = vector.shape_cast %get3A_355 : vector<1x1x16xf32> to vector<16xf32>
      %mul3A_357 = arith.mulf %get3A_356, %get3A_64 : vector<16xf32>
      %add3A_358 = arith.addf %mul3A_350, %mul3A_357 : vector<16xf32>
      %swap3A_359 = arith.index_cast %scan3A_57 : i32 to index
      %swap3A_360 = arith.constant 224 : index
      %swap3A_361 = tpu.vector_load %arg9[%swap3A_359, %swap3A_360] {strides = array<i32>} : memref<32x1024xf32, #tpu.memory_space<vmem>>, vector<1x16xf32>,
      %swap3A_362 = vector.shape_cast %swap3A_361 : vector<1x16xf32> to vector<16xf32>
      %swap3A_363 = vector.shape_cast %add3A_358 : vector<16xf32> to vector<1x16xf32>
      tpu.vector_store %arg9[%swap3A_359, %swap3A_360], %swap3A_363 {strides = array<i32>} : memref<32x1024xf32, #tpu.memory_space<vmem>>, vector<1x16xf32>,
      %get3A_364 = arith.constant 0 : i32
      %get3A_365 = arith.index_cast %get3A_364 : i32 to index
      %get3A_366 = arith.index_cast %scan3A_57 : i32 to index
      %get3A_367 = arith.constant 240 : index
      %get3A_368 = tpu.vector_load %arg8[%get3A_365, %get3A_366, %get3A_367] {strides = array<i32>} : memref<2x32x1024xf32, #tpu.memory_space<vmem>>, vector<1x1x16xf32>,
      %get3A_369 = vector.shape_cast %get3A_368 : vector<1x1x16xf32> to vector<16xf32>
      %mul3A_370 = arith.mulf %get3A_369, %get3A_60 : vector<16xf32>
      %get3A_371 = arith.constant 1 : i32
      %get3A_372 = arith.index_cast %get3A_371 : i32 to index
      %get3A_373 = arith.index_cast %scan3A_57 : i32 to index
      %get3A_374 = arith.constant 240 : index
      %get3A_375 = tpu.vector_load %arg8[%get3A_372, %get3A_373, %get3A_374] {strides = array<i32>} : memref<2x32x1024xf32, #tpu.memory_space<vmem>>, vector<1x1x16xf32>,
      %get3A_376 = vector.shape_cast %get3A_375 : vector<1x1x16xf32> to vector<16xf32>
      %mul3A_377 = arith.mulf %get3A_376, %get3A_64 : vector<16xf32>
      %add3A_378 = arith.addf %mul3A_370, %mul3A_377 : vector<16xf32>
      %swap3A_379 = arith.index_cast %scan3A_57 : i32 to index
      %swap3A_380 = arith.constant 240 : index
      %swap3A_381 = tpu.vector_load %arg9[%swap3A_379, %swap3A_380] {strides = array<i32>} : memref<32x1024xf32, #tpu.memory_space<vmem>>, vector<1x16xf32>,
      %swap3A_382 = vector.shape_cast %swap3A_381 : vector<1x16xf32> to vector<16xf32>
      %swap3A_383 = vector.shape_cast %add3A_378 : vector<16xf32> to vector<1x16xf32>
      tpu.vector_store %arg9[%swap3A_379, %swap3A_380], %swap3A_383 {strides = array<i32>} : memref<32x1024xf32, #tpu.memory_space<vmem>>, vector<1x16xf32>,
      %get3A_384 = arith.constant 0 : i32
      %get3A_385 = arith.index_cast %get3A_384 : i32 to index
      %get3A_386 = arith.index_cast %scan3A_57 : i32 to index
      %get3A_387 = arith.constant 256 : index
      %get3A_388 = tpu.vector_load %arg8[%get3A_385, %get3A_386, %get3A_387] {strides = array<i32>} : memref<2x32x1024xf32, #tpu.memory_space<vmem>>, vector<1x1x16xf32>,
      %get3A_389 = vector.shape_cast %get3A_388 : vector<1x1x16xf32> to vector<16xf32>
      %mul3A_390 = arith.mulf %get3A_389, %get3A_60 : vector<16xf32>
      %get3A_391 = arith.constant 1 : i32
      %get3A_392 = arith.index_cast %get3A_391 : i32 to index
      %get3A_393 = arith.index_cast %scan3A_57 : i32 to index
      %get3A_394 = arith.constant 256 : index
      %get3A_395 = tpu.vector_load %arg8[%get3A_392, %get3A_393, %get3A_394] {strides = array<i32>} : memref<2x32x1024xf32, #tpu.memory_space<vmem>>, vector<1x1x16xf32>,
      %get3A_396 = vector.shape_cast %get3A_395 : vector<1x1x16xf32> to vector<16xf32>
      %mul3A_397 = arith.mulf %get3A_396, %get3A_64 : vector<16xf32>
      %add3A_398 = arith.addf %mul3A_390, %mul3A_397 : vector<16xf32>
      %swap3A_399 = arith.index_cast %scan3A_57 : i32 to index
      %swap3A_400 = arith.constant 256 : index
      %swap3A_401 = tpu.vector_load %arg9[%swap3A_399, %swap3A_400] {strides = array<i32>} : memref<32x1024xf32, #tpu.memory_space<vmem>>, vector<1x16xf32>,
      %swap3A_402 = vector.shape_cast %swap3A_401 : vector<1x16xf32> to vector<16xf32>
      %swap3A_403 = vector.shape_cast %add3A_398 : vector<16xf32> to vector<1x16xf32>
      tpu.vector_store %arg9[%swap3A_399, %swap3A_400], %swap3A_403 {strides = array<i32>} : memref<32x1024xf32, #tpu.memory_space<vmem>>, vector<1x16xf32>,
      %get3A_404 = arith.constant 0 : i32
      %get3A_405 = arith.index_cast %get3A_404 : i32 to index
      %get3A_406 = arith.index_cast %scan3A_57 : i32 to index
      %get3A_407 = arith.constant 272 : index
      %get3A_408 = tpu.vector_load %arg8[%get3A_405, %get3A_406, %get3A_407] {strides = array<i32>} : memref<2x32x1024xf32, #tpu.memory_space<vmem>>, vector<1x1x16xf32>,
      %get3A_409 = vector.shape_cast %get3A_408 : vector<1x1x16xf32> to vector<16xf32>
      %mul3A_410 = arith.mulf %get3A_409, %get3A_60 : vector<16xf32>
      %get3A_411 = arith.constant 1 : i32
      %get3A_412 = arith.index_cast %get3A_411 : i32 to index
      %get3A_413 = arith.index_cast %scan3A_57 : i32 to index
      %get3A_414 = arith.constant 272 : index
      %get3A_415 = tpu.vector_load %arg8[%get3A_412, %get3A_413, %get3A_414] {strides = array<i32>} : memref<2x32x1024xf32, #tpu.memory_space<vmem>>, vector<1x1x16xf32>,
      %get3A_416 = vector.shape_cast %get3A_415 : vector<1x1x16xf32> to vector<16xf32>
      %mul3A_417 = arith.mulf %get3A_416, %get3A_64 : vector<16xf32>
      %add3A_418 = arith.addf %mul3A_410, %mul3A_417 : vector<16xf32>
      %swap3A_419 = arith.index_cast %scan3A_57 : i32 to index
      %swap3A_420 = arith.constant 272 : index
      %swap3A_421 = tpu.vector_load %arg9[%swap3A_419, %swap3A_420] {strides = array<i32>} : memref<32x1024xf32, #tpu.memory_space<vmem>>, vector<1x16xf32>,
      %swap3A_422 = vector.shape_cast %swap3A_421 : vector<1x16xf32> to vector<16xf32>
      %swap3A_423 = vector.shape_cast %add3A_418 : vector<16xf32> to vector<1x16xf32>
      tpu.vector_store %arg9[%swap3A_419, %swap3A_420], %swap3A_423 {strides = array<i32>} : memref<32x1024xf32, #tpu.memory_space<vmem>>, vector<1x16xf32>,
      %get3A_424 = arith.constant 0 : i32
      %get3A_425 = arith.index_cast %get3A_424 : i32 to index
      %get3A_426 = arith.index_cast %scan3A_57 : i32 to index
      %get3A_427 = arith.constant 288 : index
      %get3A_428 = tpu.vector_load %arg8[%get3A_425, %get3A_426, %get3A_427] {strides = array<i32>} : memref<2x32x1024xf32, #tpu.memory_space<vmem>>, vector<1x1x16xf32>,
      %get3A_429 = vector.shape_cast %get3A_428 : vector<1x1x16xf32> to vector<16xf32>
      %mul3A_430 = arith.mulf %get3A_429, %get3A_60 : vector<16xf32>
      %get3A_431 = arith.constant 1 : i32
      %get3A_432 = arith.index_cast %get3A_431 : i32 to index
      %get3A_433 = arith.index_cast %scan3A_57 : i32 to index
      %get3A_434 = arith.constant 288 : index
      %get3A_435 = tpu.vector_load %arg8[%get3A_432, %get3A_433, %get3A_434] {strides = array<i32>} : memref<2x32x1024xf32, #tpu.memory_space<vmem>>, vector<1x1x16xf32>,
      %get3A_436 = vector.shape_cast %get3A_435 : vector<1x1x16xf32> to vector<16xf32>
      %mul3A_437 = arith.mulf %get3A_436, %get3A_64 : vector<16xf32>
      %add3A_438 = arith.addf %mul3A_430, %mul3A_437 : vector<16xf32>
      %swap3A_439 = arith.index_cast %scan3A_57 : i32 to index
      %swap3A_440 = arith.constant 288 : index
      %swap3A_441 = tpu.vector_load %arg9[%swap3A_439, %swap3A_440] {strides = array<i32>} : memref<32x1024xf32, #tpu.memory_space<vmem>>, vector<1x16xf32>,
      %swap3A_442 = vector.shape_cast %swap3A_441 : vector<1x16xf32> to vector<16xf32>
      %swap3A_443 = vector.shape_cast %add3A_438 : vector<16xf32> to vector<1x16xf32>
      tpu.vector_store %arg9[%swap3A_439, %swap3A_440], %swap3A_443 {strides = array<i32>} : memref<32x1024xf32, #tpu.memory_space<vmem>>, vector<1x16xf32>,
      %get3A_444 = arith.constant 0 : i32
      %get3A_445 = arith.index_cast %get3A_444 : i32 to index
      %get3A_446 = arith.index_cast %scan3A_57 : i32 to index
      %get3A_447 = arith.constant 304 : index
      %get3A_448 = tpu.vector_load %arg8[%get3A_445, %get3A_446, %get3A_447] {strides = array<i32>} : memref<2x32x1024xf32, #tpu.memory_space<vmem>>, vector<1x1x16xf32>,
      %get3A_449 = vector.shape_cast %get3A_448 : vector<1x1x16xf32> to vector<16xf32>
      %mul3A_450 = arith.mulf %get3A_449, %get3A_60 : vector<16xf32>
      %get3A_451 = arith.constant 1 : i32
      %get3A_452 = arith.index_cast %get3A_451 : i32 to index
      %get3A_453 = arith.index_cast %scan3A_57 : i32 to index
      %get3A_454 = arith.constant 304 : index
      %get3A_455 = tpu.vector_load %arg8[%get3A_452, %get3A_453, %get3A_454] {strides = array<i32>} : memref<2x32x1024xf32, #tpu.memory_space<vmem>>, vector<1x1x16xf32>,
      %get3A_456 = vector.shape_cast %get3A_455 : vector<1x1x16xf32> to vector<16xf32>
      %mul3A_457 = arith.mulf %get3A_456, %get3A_64 : vector<16xf32>
      %add3A_458 = arith.addf %mul3A_450, %mul3A_457 : vector<16xf32>
      %swap3A_459 = arith.index_cast %scan3A_57 : i32 to index
      %swap3A_460 = arith.constant 304 : index
      %swap3A_461 = tpu.vector_load %arg9[%swap3A_459, %swap3A_460] {strides = array<i32>} : memref<32x1024xf32, #tpu.memory_space<vmem>>, vector<1x16xf32>,
      %swap3A_462 = vector.shape_cast %swap3A_461 : vector<1x16xf32> to vector<16xf32>
      %swap3A_463 = vector.shape_cast %add3A_458 : vector<16xf32> to vector<1x16xf32>
      tpu.vector_store %arg9[%swap3A_459, %swap3A_460], %swap3A_463 {strides = array<i32>} : memref<32x1024xf32, #tpu.memory_space<vmem>>, vector<1x16xf32>,
      %get3A_464 = arith.constant 0 : i32
      %get3A_465 = arith.index_cast %get3A_464 : i32 to index
      %get3A_466 = arith.index_cast %scan3A_57 : i32 to index
      %get3A_467 = arith.constant 320 : index
      %get3A_468 = tpu.vector_load %arg8[%get3A_465, %get3A_466, %get3A_467] {strides = array<i32>} : memref<2x32x1024xf32, #tpu.memory_space<vmem>>, vector<1x1x16xf32>,
      %get3A_469 = vector.shape_cast %get3A_468 : vector<1x1x16xf32> to vector<16xf32>
      %mul3A_470 = arith.mulf %get3A_469, %get3A_60 : vector<16xf32>
      %get3A_471 = arith.constant 1 : i32
      %get3A_472 = arith.index_cast %get3A_471 : i32 to index
      %get3A_473 = arith.index_cast %scan3A_57 : i32 to index
      %get3A_474 = arith.constant 320 : index
      %get3A_475 = tpu.vector_load %arg8[%get3A_472, %get3A_473, %get3A_474] {strides = array<i32>} : memref<2x32x1024xf32, #tpu.memory_space<vmem>>, vector<1x1x16xf32>,
      %get3A_476 = vector.shape_cast %get3A_475 : vector<1x1x16xf32> to vector<16xf32>
      %mul3A_477 = arith.mulf %get3A_476, %get3A_64 : vector<16xf32>
      %add3A_478 = arith.addf %mul3A_470, %mul3A_477 : vector<16xf32>
      %swap3A_479 = arith.index_cast %scan3A_57 : i32 to index
      %swap3A_480 = arith.constant 320 : index
      %swap3A_481 = tpu.vector_load %arg9[%swap3A_479, %swap3A_480] {strides = array<i32>} : memref<32x1024xf32, #tpu.memory_space<vmem>>, vector<1x16xf32>,
      %swap3A_482 = vector.shape_cast %swap3A_481 : vector<1x16xf32> to vector<16xf32>
      %swap3A_483 = vector.shape_cast %add3A_478 : vector<16xf32> to vector<1x16xf32>
      tpu.vector_store %arg9[%swap3A_479, %swap3A_480], %swap3A_483 {strides = array<i32>} : memref<32x1024xf32, #tpu.memory_space<vmem>>, vector<1x16xf32>,
      %get3A_484 = arith.constant 0 : i32
      %get3A_485 = arith.index_cast %get3A_484 : i32 to index
      %get3A_486 = arith.index_cast %scan3A_57 : i32 to index
      %get3A_487 = arith.constant 336 : index
      %get3A_488 = tpu.vector_load %arg8[%get3A_485, %get3A_486, %get3A_487] {strides = array<i32>} : memref<2x32x1024xf32, #tpu.memory_space<vmem>>, vector<1x1x16xf32>,
      %get3A_489 = vector.shape_cast %get3A_488 : vector<1x1x16xf32> to vector<16xf32>
      %mul3A_490 = arith.mulf %get3A_489, %get3A_60 : vector<16xf32>
      %get3A_491 = arith.constant 1 : i32
      %get3A_492 = arith.index_cast %get3A_491 : i32 to index
      %get3A_493 = arith.index_cast %scan3A_57 : i32 to index
      %get3A_494 = arith.constant 336 : index
      %get3A_495 = tpu.vector_load %arg8[%get3A_492, %get3A_493, %get3A_494] {strides = array<i32>} : memref<2x32x1024xf32, #tpu.memory_space<vmem>>, vector<1x1x16xf32>,
      %get3A_496 = vector.shape_cast %get3A_495 : vector<1x1x16xf32> to vector<16xf32>
      %mul3A_497 = arith.mulf %get3A_496, %get3A_64 : vector<16xf32>
      %add3A_498 = arith.addf %mul3A_490, %mul3A_497 : vector<16xf32>
      %swap3A_499 = arith.index_cast %scan3A_57 : i32 to index
      %swap3A_500 = arith.constant 336 : index
      %swap3A_501 = tpu.vector_load %arg9[%swap3A_499, %swap3A_500] {strides = array<i32>} : memref<32x1024xf32, #tpu.memory_space<vmem>>, vector<1x16xf32>,
      %swap3A_502 = vector.shape_cast %swap3A_501 : vector<1x16xf32> to vector<16xf32>
      %swap3A_503 = vector.shape_cast %add3A_498 : vector<16xf32> to vector<1x16xf32>
      tpu.vector_store %arg9[%swap3A_499, %swap3A_500], %swap3A_503 {strides = array<i32>} : memref<32x1024xf32, #tpu.memory_space<vmem>>, vector<1x16xf32>,
      %get3A_504 = arith.constant 0 : i32
      %get3A_505 = arith.index_cast %get3A_504 : i32 to index
      %get3A_506 = arith.index_cast %scan3A_57 : i32 to index
      %get3A_507 = arith.constant 352 : index
      %get3A_508 = tpu.vector_load %arg8[%get3A_505, %get3A_506, %get3A_507] {strides = array<i32>} : memref<2x32x1024xf32, #tpu.memory_space<vmem>>, vector<1x1x16xf32>,
      %get3A_509 = vector.shape_cast %get3A_508 : vector<1x1x16xf32> to vector<16xf32>
      %mul3A_510 = arith.mulf %get3A_509, %get3A_60 : vector<16xf32>
      %get3A_511 = arith.constant 1 : i32
      %get3A_512 = arith.index_cast %get3A_511 : i32 to index
      %get3A_513 = arith.index_cast %scan3A_57 : i32 to index
      %get3A_514 = arith.constant 352 : index
      %get3A_515 = tpu.vector_load %arg8[%get3A_512, %get3A_513, %get3A_514] {strides = array<i32>} : memref<2x32x1024xf32, #tpu.memory_space<vmem>>, vector<1x1x16xf32>,
      %get3A_516 = vector.shape_cast %get3A_515 : vector<1x1x16xf32> to vector<16xf32>
      %mul3A_517 = arith.mulf %get3A_516, %get3A_64 : vector<16xf32>
      %add3A_518 = arith.addf %mul3A_510, %mul3A_517 : vector<16xf32>
      %swap3A_519 = arith.index_cast %scan3A_57 : i32 to index
      %swap3A_520 = arith.constant 352 : index
      %swap3A_521 = tpu.vector_load %arg9[%swap3A_519, %swap3A_520] {strides = array<i32>} : memref<32x1024xf32, #tpu.memory_space<vmem>>, vector<1x16xf32>,
      %swap3A_522 = vector.shape_cast %swap3A_521 : vector<1x16xf32> to vector<16xf32>
      %swap3A_523 = vector.shape_cast %add3A_518 : vector<16xf32> to vector<1x16xf32>
      tpu.vector_store %arg9[%swap3A_519, %swap3A_520], %swap3A_523 {strides = array<i32>} : memref<32x1024xf32, #tpu.memory_space<vmem>>, vector<1x16xf32>,
      %get3A_524 = arith.constant 0 : i32
      %get3A_525 = arith.index_cast %get3A_524 : i32 to index
      %get3A_526 = arith.index_cast %scan3A_57 : i32 to index
      %get3A_527 = arith.constant 368 : index
      %get3A_528 = tpu.vector_load %arg8[%get3A_525, %get3A_526, %get3A_527] {strides = array<i32>} : memref<2x32x1024xf32, #tpu.memory_space<vmem>>, vector<1x1x16xf32>,
      %get3A_529 = vector.shape_cast %get3A_528 : vector<1x1x16xf32> to vector<16xf32>
      %mul3A_530 = arith.mulf %get3A_529, %get3A_60 : vector<16xf32>
      %get3A_531 = arith.constant 1 : i32
      %get3A_532 = arith.index_cast %get3A_531 : i32 to index
      %get3A_533 = arith.index_cast %scan3A_57 : i32 to index
      %get3A_534 = arith.constant 368 : index
      %get3A_535 = tpu.vector_load %arg8[%get3A_532, %get3A_533, %get3A_534] {strides = array<i32>} : memref<2x32x1024xf32, #tpu.memory_space<vmem>>, vector<1x1x16xf32>,
      %get3A_536 = vector.shape_cast %get3A_535 : vector<1x1x16xf32> to vector<16xf32>
      %mul3A_537 = arith.mulf %get3A_536, %get3A_64 : vector<16xf32>
      %add3A_538 = arith.addf %mul3A_530, %mul3A_537 : vector<16xf32>
      %swap3A_539 = arith.index_cast %scan3A_57 : i32 to index
      %swap3A_540 = arith.constant 368 : index
      %swap3A_541 = tpu.vector_load %arg9[%swap3A_539, %swap3A_540] {strides = array<i32>} : memref<32x1024xf32, #tpu.memory_space<vmem>>, vector<1x16xf32>,
      %swap3A_542 = vector.shape_cast %swap3A_541 : vector<1x16xf32> to vector<16xf32>
      %swap3A_543 = vector.shape_cast %add3A_538 : vector<16xf32> to vector<1x16xf32>
      tpu.vector_store %arg9[%swap3A_539, %swap3A_540], %swap3A_543 {strides = array<i32>} : memref<32x1024xf32, #tpu.memory_space<vmem>>, vector<1x16xf32>,
      %get3A_544 = arith.constant 0 : i32
      %get3A_545 = arith.index_cast %get3A_544 : i32 to index
      %get3A_546 = arith.index_cast %scan3A_57 : i32 to index
      %get3A_547 = arith.constant 384 : index
      %get3A_548 = tpu.vector_load %arg8[%get3A_545, %get3A_546, %get3A_547] {strides = array<i32>} : memref<2x32x1024xf32, #tpu.memory_space<vmem>>, vector<1x1x16xf32>,
      %get3A_549 = vector.shape_cast %get3A_548 : vector<1x1x16xf32> to vector<16xf32>
      %mul3A_550 = arith.mulf %get3A_549, %get3A_60 : vector<16xf32>
      %get3A_551 = arith.constant 1 : i32
      %get3A_552 = arith.index_cast %get3A_551 : i32 to index
      %get3A_553 = arith.index_cast %scan3A_57 : i32 to index
      %get3A_554 = arith.constant 384 : index
      %get3A_555 = tpu.vector_load %arg8[%get3A_552, %get3A_553, %get3A_554] {strides = array<i32>} : memref<2x32x1024xf32, #tpu.memory_space<vmem>>, vector<1x1x16xf32>,
      %get3A_556 = vector.shape_cast %get3A_555 : vector<1x1x16xf32> to vector<16xf32>
      %mul3A_557 = arith.mulf %get3A_556, %get3A_64 : vector<16xf32>
      %add3A_558 = arith.addf %mul3A_550, %mul3A_557 : vector<16xf32>
      %swap3A_559 = arith.index_cast %scan3A_57 : i32 to index
      %swap3A_560 = arith.constant 384 : index
      %swap3A_561 = tpu.vector_load %arg9[%swap3A_559, %swap3A_560] {strides = array<i32>} : memref<32x1024xf32, #tpu.memory_space<vmem>>, vector<1x16xf32>,
      %swap3A_562 = vector.shape_cast %swap3A_561 : vector<1x16xf32> to vector<16xf32>
      %swap3A_563 = vector.shape_cast %add3A_558 : vector<16xf32> to vector<1x16xf32>
      tpu.vector_store %arg9[%swap3A_559, %swap3A_560], %swap3A_563 {strides = array<i32>} : memref<32x1024xf32, #tpu.memory_space<vmem>>, vector<1x16xf32>,
      %get3A_564 = arith.constant 0 : i32
      %get3A_565 = arith.index_cast %get3A_564 : i32 to index
      %get3A_566 = arith.index_cast %scan3A_57 : i32 to index
      %get3A_567 = arith.constant 400 : index
      %get3A_568 = tpu.vector_load %arg8[%get3A_565, %get3A_566, %get3A_567] {strides = array<i32>} : memref<2x32x1024xf32, #tpu.memory_space<vmem>>, vector<1x1x16xf32>,
      %get3A_569 = vector.shape_cast %get3A_568 : vector<1x1x16xf32> to vector<16xf32>
      %mul3A_570 = arith.mulf %get3A_569, %get3A_60 : vector<16xf32>
      %get3A_571 = arith.constant 1 : i32
      %get3A_572 = arith.index_cast %get3A_571 : i32 to index
      %get3A_573 = arith.index_cast %scan3A_57 : i32 to index
      %get3A_574 = arith.constant 400 : index
      %get3A_575 = tpu.vector_load %arg8[%get3A_572, %get3A_573, %get3A_574] {strides = array<i32>} : memref<2x32x1024xf32, #tpu.memory_space<vmem>>, vector<1x1x16xf32>,
      %get3A_576 = vector.shape_cast %get3A_575 : vector<1x1x16xf32> to vector<16xf32>
      %mul3A_577 = arith.mulf %get3A_576, %get3A_64 : vector<16xf32>
      %add3A_578 = arith.addf %mul3A_570, %mul3A_577 : vector<16xf32>
      %swap3A_579 = arith.index_cast %scan3A_57 : i32 to index
      %swap3A_580 = arith.constant 400 : index
      %swap3A_581 = tpu.vector_load %arg9[%swap3A_579, %swap3A_580] {strides = array<i32>} : memref<32x1024xf32, #tpu.memory_space<vmem>>, vector<1x16xf32>,
      %swap3A_582 = vector.shape_cast %swap3A_581 : vector<1x16xf32> to vector<16xf32>
      %swap3A_583 = vector.shape_cast %add3A_578 : vector<16xf32> to vector<1x16xf32>
      tpu.vector_store %arg9[%swap3A_579, %swap3A_580], %swap3A_583 {strides = array<i32>} : memref<32x1024xf32, #tpu.memory_space<vmem>>, vector<1x16xf32>,
      %get3A_584 = arith.constant 0 : i32
      %get3A_585 = arith.index_cast %get3A_584 : i32 to index
      %get3A_586 = arith.index_cast %scan3A_57 : i32 to index
      %get3A_587 = arith.constant 416 : index
      %get3A_588 = tpu.vector_load %arg8[%get3A_585, %get3A_586, %get3A_587] {strides = array<i32>} : memref<2x32x1024xf32, #tpu.memory_space<vmem>>, vector<1x1x16xf32>,
      %get3A_589 = vector.shape_cast %get3A_588 : vector<1x1x16xf32> to vector<16xf32>
      %mul3A_590 = arith.mulf %get3A_589, %get3A_60 : vector<16xf32>
      %get3A_591 = arith.constant 1 : i32
      %get3A_592 = arith.index_cast %get3A_591 : i32 to index
      %get3A_593 = arith.index_cast %scan3A_57 : i32 to index
      %get3A_594 = arith.constant 416 : index
      %get3A_595 = tpu.vector_load %arg8[%get3A_592, %get3A_593, %get3A_594] {strides = array<i32>} : memref<2x32x1024xf32, #tpu.memory_space<vmem>>, vector<1x1x16xf32>,
      %get3A_596 = vector.shape_cast %get3A_595 : vector<1x1x16xf32> to vector<16xf32>
      %mul3A_597 = arith.mulf %get3A_596, %get3A_64 : vector<16xf32>
      %add3A_598 = arith.addf %mul3A_590, %mul3A_597 : vector<16xf32>
      %swap3A_599 = arith.index_cast %scan3A_57 : i32 to index
      %swap3A_600 = arith.constant 416 : index
      %swap3A_601 = tpu.vector_load %arg9[%swap3A_599, %swap3A_600] {strides = array<i32>} : memref<32x1024xf32, #tpu.memory_space<vmem>>, vector<1x16xf32>,
      %swap3A_602 = vector.shape_cast %swap3A_601 : vector<1x16xf32> to vector<16xf32>
      %swap3A_603 = vector.shape_cast %add3A_598 : vector<16xf32> to vector<1x16xf32>
      tpu.vector_store %arg9[%swap3A_599, %swap3A_600], %swap3A_603 {strides = array<i32>} : memref<32x1024xf32, #tpu.memory_space<vmem>>, vector<1x16xf32>,
      %get3A_604 = arith.constant 0 : i32
      %get3A_605 = arith.index_cast %get3A_604 : i32 to index
      %get3A_606 = arith.index_cast %scan3A_57 : i32 to index
      %get3A_607 = arith.constant 432 : index
      %get3A_608 = tpu.vector_load %arg8[%get3A_605, %get3A_606, %get3A_607] {strides = array<i32>} : memref<2x32x1024xf32, #tpu.memory_space<vmem>>, vector<1x1x16xf32>,
      %get3A_609 = vector.shape_cast %get3A_608 : vector<1x1x16xf32> to vector<16xf32>
      %mul3A_610 = arith.mulf %get3A_609, %get3A_60 : vector<16xf32>
      %get3A_611 = arith.constant 1 : i32
      %get3A_612 = arith.index_cast %get3A_611 : i32 to index
      %get3A_613 = arith.index_cast %scan3A_57 : i32 to index
      %get3A_614 = arith.constant 432 : index
      %get3A_615 = tpu.vector_load %arg8[%get3A_612, %get3A_613, %get3A_614] {strides = array<i32>} : memref<2x32x1024xf32, #tpu.memory_space<vmem>>, vector<1x1x16xf32>,
      %get3A_616 = vector.shape_cast %get3A_615 : vector<1x1x16xf32> to vector<16xf32>
      %mul3A_617 = arith.mulf %get3A_616, %get3A_64 : vector<16xf32>
      %add3A_618 = arith.addf %mul3A_610, %mul3A_617 : vector<16xf32>
      %swap3A_619 = arith.index_cast %scan3A_57 : i32 to index
      %swap3A_620 = arith.constant 432 : index
      %swap3A_621 = tpu.vector_load %arg9[%swap3A_619, %swap3A_620] {strides = array<i32>} : memref<32x1024xf32, #tpu.memory_space<vmem>>, vector<1x16xf32>,
      %swap3A_622 = vector.shape_cast %swap3A_621 : vector<1x16xf32> to vector<16xf32>
      %swap3A_623 = vector.shape_cast %add3A_618 : vector<16xf32> to vector<1x16xf32>
      tpu.vector_store %arg9[%swap3A_619, %swap3A_620], %swap3A_623 {strides = array<i32>} : memref<32x1024xf32, #tpu.memory_space<vmem>>, vector<1x16xf32>,
      %get3A_624 = arith.constant 0 : i32
      %get3A_625 = arith.index_cast %get3A_624 : i32 to index
      %get3A_626 = arith.index_cast %scan3A_57 : i32 to index
      %get3A_627 = arith.constant 448 : index
      %get3A_628 = tpu.vector_load %arg8[%get3A_625, %get3A_626, %get3A_627] {strides = array<i32>} : memref<2x32x1024xf32, #tpu.memory_space<vmem>>, vector<1x1x16xf32>,
      %get3A_629 = vector.shape_cast %get3A_628 : vector<1x1x16xf32> to vector<16xf32>
      %mul3A_630 = arith.mulf %get3A_629, %get3A_60 : vector<16xf32>
      %get3A_631 = arith.constant 1 : i32
      %get3A_632 = arith.index_cast %get3A_631 : i32 to index
      %get3A_633 = arith.index_cast %scan3A_57 : i32 to index
      %get3A_634 = arith.constant 448 : index
      %get3A_635 = tpu.vector_load %arg8[%get3A_632, %get3A_633, %get3A_634] {strides = array<i32>} : memref<2x32x1024xf32, #tpu.memory_space<vmem>>, vector<1x1x16xf32>,
      %get3A_636 = vector.shape_cast %get3A_635 : vector<1x1x16xf32> to vector<16xf32>
      %mul3A_637 = arith.mulf %get3A_636, %get3A_64 : vector<16xf32>
      %add3A_638 = arith.addf %mul3A_630, %mul3A_637 : vector<16xf32>
      %swap3A_639 = arith.index_cast %scan3A_57 : i32 to index
      %swap3A_640 = arith.constant 448 : index
      %swap3A_641 = tpu.vector_load %arg9[%swap3A_639, %swap3A_640] {strides = array<i32>} : memref<32x1024xf32, #tpu.memory_space<vmem>>, vector<1x16xf32>,
      %swap3A_642 = vector.shape_cast %swap3A_641 : vector<1x16xf32> to vector<16xf32>
      %swap3A_643 = vector.shape_cast %add3A_638 : vector<16xf32> to vector<1x16xf32>
      tpu.vector_store %arg9[%swap3A_639, %swap3A_640], %swap3A_643 {strides = array<i32>} : memref<32x1024xf32, #tpu.memory_space<vmem>>, vector<1x16xf32>,
      %get3A_644 = arith.constant 0 : i32
      %get3A_645 = arith.index_cast %get3A_644 : i32 to index
      %get3A_646 = arith.index_cast %scan3A_57 : i32 to index
      %get3A_647 = arith.constant 464 : index
      %get3A_648 = tpu.vector_load %arg8[%get3A_645, %get3A_646, %get3A_647] {strides = array<i32>} : memref<2x32x1024xf32, #tpu.memory_space<vmem>>, vector<1x1x16xf32>,
      %get3A_649 = vector.shape_cast %get3A_648 : vector<1x1x16xf32> to vector<16xf32>
      %mul3A_650 = arith.mulf %get3A_649, %get3A_60 : vector<16xf32>
      %get3A_651 = arith.constant 1 : i32
      %get3A_652 = arith.index_cast %get3A_651 : i32 to index
      %get3A_653 = arith.index_cast %scan3A_57 : i32 to index
      %get3A_654 = arith.constant 464 : index
      %get3A_655 = tpu.vector_load %arg8[%get3A_652, %get3A_653, %get3A_654] {strides = array<i32>} : memref<2x32x1024xf32, #tpu.memory_space<vmem>>, vector<1x1x16xf32>,
      %get3A_656 = vector.shape_cast %get3A_655 : vector<1x1x16xf32> to vector<16xf32>
      %mul3A_657 = arith.mulf %get3A_656, %get3A_64 : vector<16xf32>
      %add3A_658 = arith.addf %mul3A_650, %mul3A_657 : vector<16xf32>
      %swap3A_659 = arith.index_cast %scan3A_57 : i32 to index
      %swap3A_660 = arith.constant 464 : index
      %swap3A_661 = tpu.vector_load %arg9[%swap3A_659, %swap3A_660] {strides = array<i32>} : memref<32x1024xf32, #tpu.memory_space<vmem>>, vector<1x16xf32>,
      %swap3A_662 = vector.shape_cast %swap3A_661 : vector<1x16xf32> to vector<16xf32>
      %swap3A_663 = vector.shape_cast %add3A_658 : vector<16xf32> to vector<1x16xf32>
      tpu.vector_store %arg9[%swap3A_659, %swap3A_660], %swap3A_663 {strides = array<i32>} : memref<32x1024xf32, #tpu.memory_space<vmem>>, vector<1x16xf32>,
      %get3A_664 = arith.constant 0 : i32
      %get3A_665 = arith.index_cast %get3A_664 : i32 to index
      %get3A_666 = arith.index_cast %scan3A_57 : i32 to index
      %get3A_667 = arith.constant 480 : index
      %get3A_668 = tpu.vector_load %arg8[%get3A_665, %get3A_666, %get3A_667] {strides = array<i32>} : memref<2x32x1024xf32, #tpu.memory_space<vmem>>, vector<1x1x16xf32>,
      %get3A_669 = vector.shape_cast %get3A_668 : vector<1x1x16xf32> to vector<16xf32>
      %mul3A_670 = arith.mulf %get3A_669, %get3A_60 : vector<16xf32>
      %get3A_671 = arith.constant 1 : i32
      %get3A_672 = arith.index_cast %get3A_671 : i32 to index
      %get3A_673 = arith.index_cast %scan3A_57 : i32 to index
      %get3A_674 = arith.constant 480 : index
      %get3A_675 = tpu.vector_load %arg8[%get3A_672, %get3A_673, %get3A_674] {strides = array<i32>} : memref<2x32x1024xf32, #tpu.memory_space<vmem>>, vector<1x1x16xf32>,
      %get3A_676 = vector.shape_cast %get3A_675 : vector<1x1x16xf32> to vector<16xf32>
      %mul3A_677 = arith.mulf %get3A_676, %get3A_64 : vector<16xf32>
      %add3A_678 = arith.addf %mul3A_670, %mul3A_677 : vector<16xf32>
      %swap3A_679 = arith.index_cast %scan3A_57 : i32 to index
      %swap3A_680 = arith.constant 480 : index
      %swap3A_681 = tpu.vector_load %arg9[%swap3A_679, %swap3A_680] {strides = array<i32>} : memref<32x1024xf32, #tpu.memory_space<vmem>>, vector<1x16xf32>,
      %swap3A_682 = vector.shape_cast %swap3A_681 : vector<1x16xf32> to vector<16xf32>
      %swap3A_683 = vector.shape_cast %add3A_678 : vector<16xf32> to vector<1x16xf32>
      tpu.vector_store %arg9[%swap3A_679, %swap3A_680], %swap3A_683 {strides = array<i32>} : memref<32x1024xf32, #tpu.memory_space<vmem>>, vector<1x16xf32>,
      %get3A_684 = arith.constant 0 : i32
      %get3A_685 = arith.index_cast %get3A_684 : i32 to index
      %get3A_686 = arith.index_cast %scan3A_57 : i32 to index
      %get3A_687 = arith.constant 496 : index
      %get3A_688 = tpu.vector_load %arg8[%get3A_685, %get3A_686, %get3A_687] {strides = array<i32>} : memref<2x32x1024xf32, #tpu.memory_space<vmem>>, vector<1x1x16xf32>,
      %get3A_689 = vector.shape_cast %get3A_688 : vector<1x1x16xf32> to vector<16xf32>
      %mul3A_690 = arith.mulf %get3A_689, %get3A_60 : vector<16xf32>
      %get3A_691 = arith.constant 1 : i32
      %get3A_692 = arith.index_cast %get3A_691 : i32 to index
      %get3A_693 = arith.index_cast %scan3A_57 : i32 to index
      %get3A_694 = arith.constant 496 : index
      %get3A_695 = tpu.vector_load %arg8[%get3A_692, %get3A_693, %get3A_694] {strides = array<i32>} : memref<2x32x1024xf32, #tpu.memory_space<vmem>>, vector<1x1x16xf32>,
      %get3A_696 = vector.shape_cast %get3A_695 : vector<1x1x16xf32> to vector<16xf32>
      %mul3A_697 = arith.mulf %get3A_696, %get3A_64 : vector<16xf32>
      %add3A_698 = arith.addf %mul3A_690, %mul3A_697 : vector<16xf32>
      %swap3A_699 = arith.index_cast %scan3A_57 : i32 to index
      %swap3A_700 = arith.constant 496 : index
      %swap3A_701 = tpu.vector_load %arg9[%swap3A_699, %swap3A_700] {strides = array<i32>} : memref<32x1024xf32, #tpu.memory_space<vmem>>, vector<1x16xf32>,
      %swap3A_702 = vector.shape_cast %swap3A_701 : vector<1x16xf32> to vector<16xf32>
      %swap3A_703 = vector.shape_cast %add3A_698 : vector<16xf32> to vector<1x16xf32>
      tpu.vector_store %arg9[%swap3A_699, %swap3A_700], %swap3A_703 {strides = array<i32>} : memref<32x1024xf32, #tpu.memory_space<vmem>>, vector<1x16xf32>,
      %get3A_704 = arith.constant 0 : i32
      %get3A_705 = arith.index_cast %get3A_704 : i32 to index
      %get3A_706 = arith.index_cast %scan3A_57 : i32 to index
      %get3A_707 = arith.constant 512 : index
      %get3A_708 = tpu.vector_load %arg8[%get3A_705, %get3A_706, %get3A_707] {strides = array<i32>} : memref<2x32x1024xf32, #tpu.memory_space<vmem>>, vector<1x1x16xf32>,
      %get3A_709 = vector.shape_cast %get3A_708 : vector<1x1x16xf32> to vector<16xf32>
      %mul3A_710 = arith.mulf %get3A_709, %get3A_60 : vector<16xf32>
      %get3A_711 = arith.constant 1 : i32
      %get3A_712 = arith.index_cast %get3A_711 : i32 to index
      %get3A_713 = arith.index_cast %scan3A_57 : i32 to index
      %get3A_714 = arith.constant 512 : index
      %get3A_715 = tpu.vector_load %arg8[%get3A_712, %get3A_713, %get3A_714] {strides = array<i32>} : memref<2x32x1024xf32, #tpu.memory_space<vmem>>, vector<1x1x16xf32>,
      %get3A_716 = vector.shape_cast %get3A_715 : vector<1x1x16xf32> to vector<16xf32>
      %mul3A_717 = arith.mulf %get3A_716, %get3A_64 : vector<16xf32>
      %add3A_718 = arith.addf %mul3A_710, %mul3A_717 : vector<16xf32>
      %swap3A_719 = arith.index_cast %scan3A_57 : i32 to index
      %swap3A_720 = arith.constant 512 : index
      %swap3A_721 = tpu.vector_load %arg9[%swap3A_719, %swap3A_720] {strides = array<i32>} : memref<32x1024xf32, #tpu.memory_space<vmem>>, vector<1x16xf32>,
      %swap3A_722 = vector.shape_cast %swap3A_721 : vector<1x16xf32> to vector<16xf32>
      %swap3A_723 = vector.shape_cast %add3A_718 : vector<16xf32> to vector<1x16xf32>
      tpu.vector_store %arg9[%swap3A_719, %swap3A_720], %swap3A_723 {strides = array<i32>} : memref<32x1024xf32, #tpu.memory_space<vmem>>, vector<1x16xf32>,
      %get3A_724 = arith.constant 0 : i32
      %get3A_725 = arith.index_cast %get3A_724 : i32 to index
      %get3A_726 = arith.index_cast %scan3A_57 : i32 to index
      %get3A_727 = arith.constant 528 : index
      %get3A_728 = tpu.vector_load %arg8[%get3A_725, %get3A_726, %get3A_727] {strides = array<i32>} : memref<2x32x1024xf32, #tpu.memory_space<vmem>>, vector<1x1x16xf32>,
      %get3A_729 = vector.shape_cast %get3A_728 : vector<1x1x16xf32> to vector<16xf32>
      %mul3A_730 = arith.mulf %get3A_729, %get3A_60 : vector<16xf32>
      %get3A_731 = arith.constant 1 : i32
      %get3A_732 = arith.index_cast %get3A_731 : i32 to index
      %get3A_733 = arith.index_cast %scan3A_57 : i32 to index
      %get3A_734 = arith.constant 528 : index
      %get3A_735 = tpu.vector_load %arg8[%get3A_732, %get3A_733, %get3A_734] {strides = array<i32>} : memref<2x32x1024xf32, #tpu.memory_space<vmem>>, vector<1x1x16xf32>,
      %get3A_736 = vector.shape_cast %get3A_735 : vector<1x1x16xf32> to vector<16xf32>
      %mul3A_737 = arith.mulf %get3A_736, %get3A_64 : vector<16xf32>
      %add3A_738 = arith.addf %mul3A_730, %mul3A_737 : vector<16xf32>
      %swap3A_739 = arith.index_cast %scan3A_57 : i32 to index
      %swap3A_740 = arith.constant 528 : index
      %swap3A_741 = tpu.vector_load %arg9[%swap3A_739, %swap3A_740] {strides = array<i32>} : memref<32x1024xf32, #tpu.memory_space<vmem>>, vector<1x16xf32>,
      %swap3A_742 = vector.shape_cast %swap3A_741 : vector<1x16xf32> to vector<16xf32>
      %swap3A_743 = vector.shape_cast %add3A_738 : vector<16xf32> to vector<1x16xf32>
      tpu.vector_store %arg9[%swap3A_739, %swap3A_740], %swap3A_743 {strides = array<i32>} : memref<32x1024xf32, #tpu.memory_space<vmem>>, vector<1x16xf32>,
      %get3A_744 = arith.constant 0 : i32
      %get3A_745 = arith.index_cast %get3A_744 : i32 to index
      %get3A_746 = arith.index_cast %scan3A_57 : i32 to index
      %get3A_747 = arith.constant 544 : index
      %get3A_748 = tpu.vector_load %arg8[%get3A_745, %get3A_746, %get3A_747] {strides = array<i32>} : memref<2x32x1024xf32, #tpu.memory_space<vmem>>, vector<1x1x16xf32>,
      %get3A_749 = vector.shape_cast %get3A_748 : vector<1x1x16xf32> to vector<16xf32>
      %mul3A_750 = arith.mulf %get3A_749, %get3A_60 : vector<16xf32>
      %get3A_751 = arith.constant 1 : i32
      %get3A_752 = arith.index_cast %get3A_751 : i32 to index
      %get3A_753 = arith.index_cast %scan3A_57 : i32 to index
      %get3A_754 = arith.constant 544 : index
      %get3A_755 = tpu.vector_load %arg8[%get3A_752, %get3A_753, %get3A_754] {strides = array<i32>} : memref<2x32x1024xf32, #tpu.memory_space<vmem>>, vector<1x1x16xf32>,
      %get3A_756 = vector.shape_cast %get3A_755 : vector<1x1x16xf32> to vector<16xf32>
      %mul3A_757 = arith.mulf %get3A_756, %get3A_64 : vector<16xf32>
      %add3A_758 = arith.addf %mul3A_750, %mul3A_757 : vector<16xf32>
      %swap3A_759 = arith.index_cast %scan3A_57 : i32 to index
      %swap3A_760 = arith.constant 544 : index
      %swap3A_761 = tpu.vector_load %arg9[%swap3A_759, %swap3A_760] {strides = array<i32>} : memref<32x1024xf32, #tpu.memory_space<vmem>>, vector<1x16xf32>,
      %swap3A_762 = vector.shape_cast %swap3A_761 : vector<1x16xf32> to vector<16xf32>
      %swap3A_763 = vector.shape_cast %add3A_758 : vector<16xf32> to vector<1x16xf32>
      tpu.vector_store %arg9[%swap3A_759, %swap3A_760], %swap3A_763 {strides = array<i32>} : memref<32x1024xf32, #tpu.memory_space<vmem>>, vector<1x16xf32>,
      %get3A_764 = arith.constant 0 : i32
      %get3A_765 = arith.index_cast %get3A_764 : i32 to index
      %get3A_766 = arith.index_cast %scan3A_57 : i32 to index
      %get3A_767 = arith.constant 560 : index
      %get3A_768 = tpu.vector_load %arg8[%get3A_765, %get3A_766, %get3A_767] {strides = array<i32>} : memref<2x32x1024xf32, #tpu.memory_space<vmem>>, vector<1x1x16xf32>,
      %get3A_769 = vector.shape_cast %get3A_768 : vector<1x1x16xf32> to vector<16xf32>
      %mul3A_770 = arith.mulf %get3A_769, %get3A_60 : vector<16xf32>
      %get3A_771 = arith.constant 1 : i32
      %get3A_772 = arith.index_cast %get3A_771 : i32 to index
      %get3A_773 = arith.index_cast %scan3A_57 : i32 to index
      %get3A_774 = arith.constant 560 : index
      %get3A_775 = tpu.vector_load %arg8[%get3A_772, %get3A_773, %get3A_774] {strides = array<i32>} : memref<2x32x1024xf32, #tpu.memory_space<vmem>>, vector<1x1x16xf32>,
      %get3A_776 = vector.shape_cast %get3A_775 : vector<1x1x16xf32> to vector<16xf32>
      %mul3A_777 = arith.mulf %get3A_776, %get3A_64 : vector<16xf32>
      %add3A_778 = arith.addf %mul3A_770, %mul3A_777 : vector<16xf32>
      %swap3A_779 = arith.index_cast %scan3A_57 : i32 to index
      %swap3A_780 = arith.constant 560 : index
      %swap3A_781 = tpu.vector_load %arg9[%swap3A_779, %swap3A_780] {strides = array<i32>} : memref<32x1024xf32, #tpu.memory_space<vmem>>, vector<1x16xf32>,
      %swap3A_782 = vector.shape_cast %swap3A_781 : vector<1x16xf32> to vector<16xf32>
      %swap3A_783 = vector.shape_cast %add3A_778 : vector<16xf32> to vector<1x16xf32>
      tpu.vector_store %arg9[%swap3A_779, %swap3A_780], %swap3A_783 {strides = array<i32>} : memref<32x1024xf32, #tpu.memory_space<vmem>>, vector<1x16xf32>,
      %get3A_784 = arith.constant 0 : i32
      %get3A_785 = arith.index_cast %get3A_784 : i32 to index
      %get3A_786 = arith.index_cast %scan3A_57 : i32 to index
      %get3A_787 = arith.constant 576 : index
      %get3A_788 = tpu.vector_load %arg8[%get3A_785, %get3A_786, %get3A_787] {strides = array<i32>} : memref<2x32x1024xf32, #tpu.memory_space<vmem>>, vector<1x1x16xf32>,
      %get3A_789 = vector.shape_cast %get3A_788 : vector<1x1x16xf32> to vector<16xf32>
      %mul3A_790 = arith.mulf %get3A_789, %get3A_60 : vector<16xf32>
      %get3A_791 = arith.constant 1 : i32
      %get3A_792 = arith.index_cast %get3A_791 : i32 to index
      %get3A_793 = arith.index_cast %scan3A_57 : i32 to index
      %get3A_794 = arith.constant 576 : index
      %get3A_795 = tpu.vector_load %arg8[%get3A_792, %get3A_793, %get3A_794] {strides = array<i32>} : memref<2x32x1024xf32, #tpu.memory_space<vmem>>, vector<1x1x16xf32>,
      %get3A_796 = vector.shape_cast %get3A_795 : vector<1x1x16xf32> to vector<16xf32>
      %mul3A_797 = arith.mulf %get3A_796, %get3A_64 : vector<16xf32>
      %add3A_798 = arith.addf %mul3A_790, %mul3A_797 : vector<16xf32>
      %swap3A_799 = arith.index_cast %scan3A_57 : i32 to index
      %swap3A_800 = arith.constant 576 : index
      %swap3A_801 = tpu.vector_load %arg9[%swap3A_799, %swap3A_800] {strides = array<i32>} : memref<32x1024xf32, #tpu.memory_space<vmem>>, vector<1x16xf32>,
      %swap3A_802 = vector.shape_cast %swap3A_801 : vector<1x16xf32> to vector<16xf32>
      %swap3A_803 = vector.shape_cast %add3A_798 : vector<16xf32> to vector<1x16xf32>
      tpu.vector_store %arg9[%swap3A_799, %swap3A_800], %swap3A_803 {strides = array<i32>} : memref<32x1024xf32, #tpu.memory_space<vmem>>, vector<1x16xf32>,
      %get3A_804 = arith.constant 0 : i32
      %get3A_805 = arith.index_cast %get3A_804 : i32 to index
      %get3A_806 = arith.index_cast %scan3A_57 : i32 to index
      %get3A_807 = arith.constant 592 : index
      %get3A_808 = tpu.vector_load %arg8[%get3A_805, %get3A_806, %get3A_807] {strides = array<i32>} : memref<2x32x1024xf32, #tpu.memory_space<vmem>>, vector<1x1x16xf32>,
      %get3A_809 = vector.shape_cast %get3A_808 : vector<1x1x16xf32> to vector<16xf32>
      %mul3A_810 = arith.mulf %get3A_809, %get3A_60 : vector<16xf32>
      %get3A_811 = arith.constant 1 : i32
      %get3A_812 = arith.index_cast %get3A_811 : i32 to index
      %get3A_813 = arith.index_cast %scan3A_57 : i32 to index
      %get3A_814 = arith.constant 592 : index
      %get3A_815 = tpu.vector_load %arg8[%get3A_812, %get3A_813, %get3A_814] {strides = array<i32>} : memref<2x32x1024xf32, #tpu.memory_space<vmem>>, vector<1x1x16xf32>,
      %get3A_816 = vector.shape_cast %get3A_815 : vector<1x1x16xf32> to vector<16xf32>
      %mul3A_817 = arith.mulf %get3A_816, %get3A_64 : vector<16xf32>
      %add3A_818 = arith.addf %mul3A_810, %mul3A_817 : vector<16xf32>
      %swap3A_819 = arith.index_cast %scan3A_57 : i32 to index
      %swap3A_820 = arith.constant 592 : index
      %swap3A_821 = tpu.vector_load %arg9[%swap3A_819, %swap3A_820] {strides = array<i32>} : memref<32x1024xf32, #tpu.memory_space<vmem>>, vector<1x16xf32>,
      %swap3A_822 = vector.shape_cast %swap3A_821 : vector<1x16xf32> to vector<16xf32>
      %swap3A_823 = vector.shape_cast %add3A_818 : vector<16xf32> to vector<1x16xf32>
      tpu.vector_store %arg9[%swap3A_819, %swap3A_820], %swap3A_823 {strides = array<i32>} : memref<32x1024xf32, #tpu.memory_space<vmem>>, vector<1x16xf32>,
      %get3A_824 = arith.constant 0 : i32
      %get3A_825 = arith.index_cast %get3A_824 : i32 to index
      %get3A_826 = arith.index_cast %scan3A_57 : i32 to index
      %get3A_827 = arith.constant 608 : index
      %get3A_828 = tpu.vector_load %arg8[%get3A_825, %get3A_826, %get3A_827] {strides = array<i32>} : memref<2x32x1024xf32, #tpu.memory_space<vmem>>, vector<1x1x16xf32>,
      %get3A_829 = vector.shape_cast %get3A_828 : vector<1x1x16xf32> to vector<16xf32>
      %mul3A_830 = arith.mulf %get3A_829, %get3A_60 : vector<16xf32>
      %get3A_831 = arith.constant 1 : i32
      %get3A_832 = arith.index_cast %get3A_831 : i32 to index
      %get3A_833 = arith.index_cast %scan3A_57 : i32 to index
      %get3A_834 = arith.constant 608 : index
      %get3A_835 = tpu.vector_load %arg8[%get3A_832, %get3A_833, %get3A_834] {strides = array<i32>} : memref<2x32x1024xf32, #tpu.memory_space<vmem>>, vector<1x1x16xf32>,
      %get3A_836 = vector.shape_cast %get3A_835 : vector<1x1x16xf32> to vector<16xf32>
      %mul3A_837 = arith.mulf %get3A_836, %get3A_64 : vector<16xf32>
      %add3A_838 = arith.addf %mul3A_830, %mul3A_837 : vector<16xf32>
      %swap3A_839 = arith.index_cast %scan3A_57 : i32 to index
      %swap3A_840 = arith.constant 608 : index
      %swap3A_841 = tpu.vector_load %arg9[%swap3A_839, %swap3A_840] {strides = array<i32>} : memref<32x1024xf32, #tpu.memory_space<vmem>>, vector<1x16xf32>,
      %swap3A_842 = vector.shape_cast %swap3A_841 : vector<1x16xf32> to vector<16xf32>
      %swap3A_843 = vector.shape_cast %add3A_838 : vector<16xf32> to vector<1x16xf32>
      tpu.vector_store %arg9[%swap3A_839, %swap3A_840], %swap3A_843 {strides = array<i32>} : memref<32x1024xf32, #tpu.memory_space<vmem>>, vector<1x16xf32>,
      %get3A_844 = arith.constant 0 : i32
      %get3A_845 = arith.index_cast %get3A_844 : i32 to index
      %get3A_846 = arith.index_cast %scan3A_57 : i32 to index
      %get3A_847 = arith.constant 624 : index
      %get3A_848 = tpu.vector_load %arg8[%get3A_845, %get3A_846, %get3A_847] {strides = array<i32>} : memref<2x32x1024xf32, #tpu.memory_space<vmem>>, vector<1x1x16xf32>,
      %get3A_849 = vector.shape_cast %get3A_848 : vector<1x1x16xf32> to vector<16xf32>
      %mul3A_850 = arith.mulf %get3A_849, %get3A_60 : vector<16xf32>
      %get3A_851 = arith.constant 1 : i32
      %get3A_852 = arith.index_cast %get3A_851 : i32 to index
      %get3A_853 = arith.index_cast %scan3A_57 : i32 to index
      %get3A_854 = arith.constant 624 : index
      %get3A_855 = tpu.vector_load %arg8[%get3A_852, %get3A_853, %get3A_854] {strides = array<i32>} : memref<2x32x1024xf32, #tpu.memory_space<vmem>>, vector<1x1x16xf32>,
      %get3A_856 = vector.shape_cast %get3A_855 : vector<1x1x16xf32> to vector<16xf32>
      %mul3A_857 = arith.mulf %get3A_856, %get3A_64 : vector<16xf32>
      %add3A_858 = arith.addf %mul3A_850, %mul3A_857 : vector<16xf32>
      %swap3A_859 = arith.index_cast %scan3A_57 : i32 to index
      %swap3A_860 = arith.constant 624 : index
      %swap3A_861 = tpu.vector_load %arg9[%swap3A_859, %swap3A_860] {strides = array<i32>} : memref<32x1024xf32, #tpu.memory_space<vmem>>, vector<1x16xf32>,
      %swap3A_862 = vector.shape_cast %swap3A_861 : vector<1x16xf32> to vector<16xf32>
      %swap3A_863 = vector.shape_cast %add3A_858 : vector<16xf32> to vector<1x16xf32>
      tpu.vector_store %arg9[%swap3A_859, %swap3A_860], %swap3A_863 {strides = array<i32>} : memref<32x1024xf32, #tpu.memory_space<vmem>>, vector<1x16xf32>,
      %get3A_864 = arith.constant 0 : i32
      %get3A_865 = arith.index_cast %get3A_864 : i32 to index
      %get3A_866 = arith.index_cast %scan3A_57 : i32 to index
      %get3A_867 = arith.constant 640 : index
      %get3A_868 = tpu.vector_load %arg8[%get3A_865, %get3A_866, %get3A_867] {strides = array<i32>} : memref<2x32x1024xf32, #tpu.memory_space<vmem>>, vector<1x1x16xf32>,
      %get3A_869 = vector.shape_cast %get3A_868 : vector<1x1x16xf32> to vector<16xf32>
      %mul3A_870 = arith.mulf %get3A_869, %get3A_60 : vector<16xf32>
      %get3A_871 = arith.constant 1 : i32
      %get3A_872 = arith.index_cast %get3A_871 : i32 to index
      %get3A_873 = arith.index_cast %scan3A_57 : i32 to index
      %get3A_874 = arith.constant 640 : index
      %get3A_875 = tpu.vector_load %arg8[%get3A_872, %get3A_873, %get3A_874] {strides = array<i32>} : memref<2x32x1024xf32, #tpu.memory_space<vmem>>, vector<1x1x16xf32>,
      %get3A_876 = vector.shape_cast %get3A_875 : vector<1x1x16xf32> to vector<16xf32>
      %mul3A_877 = arith.mulf %get3A_876, %get3A_64 : vector<16xf32>
      %add3A_878 = arith.addf %mul3A_870, %mul3A_877 : vector<16xf32>
      %swap3A_879 = arith.index_cast %scan3A_57 : i32 to index
      %swap3A_880 = arith.constant 640 : index
      %swap3A_881 = tpu.vector_load %arg9[%swap3A_879, %swap3A_880] {strides = array<i32>} : memref<32x1024xf32, #tpu.memory_space<vmem>>, vector<1x16xf32>,
      %swap3A_882 = vector.shape_cast %swap3A_881 : vector<1x16xf32> to vector<16xf32>
      %swap3A_883 = vector.shape_cast %add3A_878 : vector<16xf32> to vector<1x16xf32>
      tpu.vector_store %arg9[%swap3A_879, %swap3A_880], %swap3A_883 {strides = array<i32>} : memref<32x1024xf32, #tpu.memory_space<vmem>>, vector<1x16xf32>,
      %get3A_884 = arith.constant 0 : i32
      %get3A_885 = arith.index_cast %get3A_884 : i32 to index
      %get3A_886 = arith.index_cast %scan3A_57 : i32 to index
      %get3A_887 = arith.constant 656 : index
      %get3A_888 = tpu.vector_load %arg8[%get3A_885, %get3A_886, %get3A_887] {strides = array<i32>} : memref<2x32x1024xf32, #tpu.memory_space<vmem>>, vector<1x1x16xf32>,
      %get3A_889 = vector.shape_cast %get3A_888 : vector<1x1x16xf32> to vector<16xf32>
      %mul3A_890 = arith.mulf %get3A_889, %get3A_60 : vector<16xf32>
      %get3A_891 = arith.constant 1 : i32
      %get3A_892 = arith.index_cast %get3A_891 : i32 to index
      %get3A_893 = arith.index_cast %scan3A_57 : i32 to index
      %get3A_894 = arith.constant 656 : index
      %get3A_895 = tpu.vector_load %arg8[%get3A_892, %get3A_893, %get3A_894] {strides = array<i32>} : memref<2x32x1024xf32, #tpu.memory_space<vmem>>, vector<1x1x16xf32>,
      %get3A_896 = vector.shape_cast %get3A_895 : vector<1x1x16xf32> to vector<16xf32>
      %mul3A_897 = arith.mulf %get3A_896, %get3A_64 : vector<16xf32>
      %add3A_898 = arith.addf %mul3A_890, %mul3A_897 : vector<16xf32>
      %swap3A_899 = arith.index_cast %scan3A_57 : i32 to index
      %swap3A_900 = arith.constant 656 : index
      %swap3A_901 = tpu.vector_load %arg9[%swap3A_899, %swap3A_900] {strides = array<i32>} : memref<32x1024xf32, #tpu.memory_space<vmem>>, vector<1x16xf32>,
      %swap3A_902 = vector.shape_cast %swap3A_901 : vector<1x16xf32> to vector<16xf32>
      %swap3A_903 = vector.shape_cast %add3A_898 : vector<16xf32> to vector<1x16xf32>
      tpu.vector_store %arg9[%swap3A_899, %swap3A_900], %swap3A_903 {strides = array<i32>} : memref<32x1024xf32, #tpu.memory_space<vmem>>, vector<1x16xf32>,
      %get3A_904 = arith.constant 0 : i32
      %get3A_905 = arith.index_cast %get3A_904 : i32 to index
      %get3A_906 = arith.index_cast %scan3A_57 : i32 to index
      %get3A_907 = arith.constant 672 : index
      %get3A_908 = tpu.vector_load %arg8[%get3A_905, %get3A_906, %get3A_907] {strides = array<i32>} : memref<2x32x1024xf32, #tpu.memory_space<vmem>>, vector<1x1x16xf32>,
      %get3A_909 = vector.shape_cast %get3A_908 : vector<1x1x16xf32> to vector<16xf32>
      %mul3A_910 = arith.mulf %get3A_909, %get3A_60 : vector<16xf32>
      %get3A_911 = arith.constant 1 : i32
      %get3A_912 = arith.index_cast %get3A_911 : i32 to index
      %get3A_913 = arith.index_cast %scan3A_57 : i32 to index
      %get3A_914 = arith.constant 672 : index
      %get3A_915 = tpu.vector_load %arg8[%get3A_912, %get3A_913, %get3A_914] {strides = array<i32>} : memref<2x32x1024xf32, #tpu.memory_space<vmem>>, vector<1x1x16xf32>,
      %get3A_916 = vector.shape_cast %get3A_915 : vector<1x1x16xf32> to vector<16xf32>
      %mul3A_917 = arith.mulf %get3A_916, %get3A_64 : vector<16xf32>
      %add3A_918 = arith.addf %mul3A_910, %mul3A_917 : vector<16xf32>
      %swap3A_919 = arith.index_cast %scan3A_57 : i32 to index
      %swap3A_920 = arith.constant 672 : index
      %swap3A_921 = tpu.vector_load %arg9[%swap3A_919, %swap3A_920] {strides = array<i32>} : memref<32x1024xf32, #tpu.memory_space<vmem>>, vector<1x16xf32>,
      %swap3A_922 = vector.shape_cast %swap3A_921 : vector<1x16xf32> to vector<16xf32>
      %swap3A_923 = vector.shape_cast %add3A_918 : vector<16xf32> to vector<1x16xf32>
      tpu.vector_store %arg9[%swap3A_919, %swap3A_920], %swap3A_923 {strides = array<i32>} : memref<32x1024xf32, #tpu.memory_space<vmem>>, vector<1x16xf32>,
      %get3A_924 = arith.constant 0 : i32
      %get3A_925 = arith.index_cast %get3A_924 : i32 to index
      %get3A_926 = arith.index_cast %scan3A_57 : i32 to index
      %get3A_927 = arith.constant 688 : index
      %get3A_928 = tpu.vector_load %arg8[%get3A_925, %get3A_926, %get3A_927] {strides = array<i32>} : memref<2x32x1024xf32, #tpu.memory_space<vmem>>, vector<1x1x16xf32>,
      %get3A_929 = vector.shape_cast %get3A_928 : vector<1x1x16xf32> to vector<16xf32>
      %mul3A_930 = arith.mulf %get3A_929, %get3A_60 : vector<16xf32>
      %get3A_931 = arith.constant 1 : i32
      %get3A_932 = arith.index_cast %get3A_931 : i32 to index
      %get3A_933 = arith.index_cast %scan3A_57 : i32 to index
      %get3A_934 = arith.constant 688 : index
      %get3A_935 = tpu.vector_load %arg8[%get3A_932, %get3A_933, %get3A_934] {strides = array<i32>} : memref<2x32x1024xf32, #tpu.memory_space<vmem>>, vector<1x1x16xf32>,
      %get3A_936 = vector.shape_cast %get3A_935 : vector<1x1x16xf32> to vector<16xf32>
      %mul3A_937 = arith.mulf %get3A_936, %get3A_64 : vector<16xf32>
      %add3A_938 = arith.addf %mul3A_930, %mul3A_937 : vector<16xf32>
      %swap3A_939 = arith.index_cast %scan3A_57 : i32 to index
      %swap3A_940 = arith.constant 688 : index
      %swap3A_941 = tpu.vector_load %arg9[%swap3A_939, %swap3A_940] {strides = array<i32>} : memref<32x1024xf32, #tpu.memory_space<vmem>>, vector<1x16xf32>,
      %swap3A_942 = vector.shape_cast %swap3A_941 : vector<1x16xf32> to vector<16xf32>
      %swap3A_943 = vector.shape_cast %add3A_938 : vector<16xf32> to vector<1x16xf32>
      tpu.vector_store %arg9[%swap3A_939, %swap3A_940], %swap3A_943 {strides = array<i32>} : memref<32x1024xf32, #tpu.memory_space<vmem>>, vector<1x16xf32>,
      %get3A_944 = arith.constant 0 : i32
      %get3A_945 = arith.index_cast %get3A_944 : i32 to index
      %get3A_946 = arith.index_cast %scan3A_57 : i32 to index
      %get3A_947 = arith.constant 704 : index
      %get3A_948 = tpu.vector_load %arg8[%get3A_945, %get3A_946, %get3A_947] {strides = array<i32>} : memref<2x32x1024xf32, #tpu.memory_space<vmem>>, vector<1x1x16xf32>,
      %get3A_949 = vector.shape_cast %get3A_948 : vector<1x1x16xf32> to vector<16xf32>
      %mul3A_950 = arith.mulf %get3A_949, %get3A_60 : vector<16xf32>
      %get3A_951 = arith.constant 1 : i32
      %get3A_952 = arith.index_cast %get3A_951 : i32 to index
      %get3A_953 = arith.index_cast %scan3A_57 : i32 to index
      %get3A_954 = arith.constant 704 : index
      %get3A_955 = tpu.vector_load %arg8[%get3A_952, %get3A_953, %get3A_954] {strides = array<i32>} : memref<2x32x1024xf32, #tpu.memory_space<vmem>>, vector<1x1x16xf32>,
      %get3A_956 = vector.shape_cast %get3A_955 : vector<1x1x16xf32> to vector<16xf32>
      %mul3A_957 = arith.mulf %get3A_956, %get3A_64 : vector<16xf32>
      %add3A_958 = arith.addf %mul3A_950, %mul3A_957 : vector<16xf32>
      %swap3A_959 = arith.index_cast %scan3A_57 : i32 to index
      %swap3A_960 = arith.constant 704 : index
      %swap3A_961 = tpu.vector_load %arg9[%swap3A_959, %swap3A_960] {strides = array<i32>} : memref<32x1024xf32, #tpu.memory_space<vmem>>, vector<1x16xf32>,
      %swap3A_962 = vector.shape_cast %swap3A_961 : vector<1x16xf32> to vector<16xf32>
      %swap3A_963 = vector.shape_cast %add3A_958 : vector<16xf32> to vector<1x16xf32>
      tpu.vector_store %arg9[%swap3A_959, %swap3A_960], %swap3A_963 {strides = array<i32>} : memref<32x1024xf32, #tpu.memory_space<vmem>>, vector<1x16xf32>,
      %get3A_964 = arith.constant 0 : i32
      %get3A_965 = arith.index_cast %get3A_964 : i32 to index
      %get3A_966 = arith.index_cast %scan3A_57 : i32 to index
      %get3A_967 = arith.constant 720 : index
      %get3A_968 = tpu.vector_load %arg8[%get3A_965, %get3A_966, %get3A_967] {strides = array<i32>} : memref<2x32x1024xf32, #tpu.memory_space<vmem>>, vector<1x1x16xf32>,
      %get3A_969 = vector.shape_cast %get3A_968 : vector<1x1x16xf32> to vector<16xf32>
      %mul3A_970 = arith.mulf %get3A_969, %get3A_60 : vector<16xf32>
      %get3A_971 = arith.constant 1 : i32
      %get3A_972 = arith.index_cast %get3A_971 : i32 to index
      %get3A_973 = arith.index_cast %scan3A_57 : i32 to index
      %get3A_974 = arith.constant 720 : index
      %get3A_975 = tpu.vector_load %arg8[%get3A_972, %get3A_973, %get3A_974] {strides = array<i32>} : memref<2x32x1024xf32, #tpu.memory_space<vmem>>, vector<1x1x16xf32>,
      %get3A_976 = vector.shape_cast %get3A_975 : vector<1x1x16xf32> to vector<16xf32>
      %mul3A_977 = arith.mulf %get3A_976, %get3A_64 : vector<16xf32>
      %add3A_978 = arith.addf %mul3A_970, %mul3A_977 : vector<16xf32>
      %swap3A_979 = arith.index_cast %scan3A_57 : i32 to index
      %swap3A_980 = arith.constant 720 : index
      %swap3A_981 = tpu.vector_load %arg9[%swap3A_979, %swap3A_980] {strides = array<i32>} : memref<32x1024xf32, #tpu.memory_space<vmem>>, vector<1x16xf32>,
      %swap3A_982 = vector.shape_cast %swap3A_981 : vector<1x16xf32> to vector<16xf32>
      %swap3A_983 = vector.shape_cast %add3A_978 : vector<16xf32> to vector<1x16xf32>
      tpu.vector_store %arg9[%swap3A_979, %swap3A_980], %swap3A_983 {strides = array<i32>} : memref<32x1024xf32, #tpu.memory_space<vmem>>, vector<1x16xf32>,
      %get3A_984 = arith.constant 0 : i32
      %get3A_985 = arith.index_cast %get3A_984 : i32 to index
      %get3A_986 = arith.index_cast %scan3A_57 : i32 to index
      %get3A_987 = arith.constant 736 : index
      %get3A_988 = tpu.vector_load %arg8[%get3A_985, %get3A_986, %get3A_987] {strides = array<i32>} : memref<2x32x1024xf32, #tpu.memory_space<vmem>>, vector<1x1x16xf32>,
      %get3A_989 = vector.shape_cast %get3A_988 : vector<1x1x16xf32> to vector<16xf32>
      %mul3A_990 = arith.mulf %get3A_989, %get3A_60 : vector<16xf32>
      %get3A_991 = arith.constant 1 : i32
      %get3A_992 = arith.index_cast %get3A_991 : i32 to index
      %get3A_993 = arith.index_cast %scan3A_57 : i32 to index
      %get3A_994 = arith.constant 736 : index
      %get3A_995 = tpu.vector_load %arg8[%get3A_992, %get3A_993, %get3A_994] {strides = array<i32>} : memref<2x32x1024xf32, #tpu.memory_space<vmem>>, vector<1x1x16xf32>,
      %get3A_996 = vector.shape_cast %get3A_995 : vector<1x1x16xf32> to vector<16xf32>
      %mul3A_997 = arith.mulf %get3A_996, %get3A_64 : vector<16xf32>
      %add3A_998 = arith.addf %mul3A_990, %mul3A_997 : vector<16xf32>
      %swap3A_999 = arith.index_cast %scan3A_57 : i32 to index
      %swap3A_1000 = arith.constant 736 : index
      %swap3A_1001 = tpu.vector_load %arg9[%swap3A_999, %swap3A_1000] {strides = array<i32>} : memref<32x1024xf32, #tpu.memory_space<vmem>>, vector<1x16xf32>,
      %swap3A_1002 = vector.shape_cast %swap3A_1001 : vector<1x16xf32> to vector<16xf32>
      %swap3A_1003 = vector.shape_cast %add3A_998 : vector<16xf32> to vector<1x16xf32>
      tpu.vector_store %arg9[%swap3A_999, %swap3A_1000], %swap3A_1003 {strides = array<i32>} : memref<32x1024xf32, #tpu.memory_space<vmem>>, vector<1x16xf32>,
      %get3A_1004 = arith.constant 0 : i32
      %get3A_1005 = arith.index_cast %get3A_1004 : i32 to index
      %get3A_1006 = arith.index_cast %scan3A_57 : i32 to index
      %get3A_1007 = arith.constant 752 : index
      %get3A_1008 = tpu.vector_load %arg8[%get3A_1005, %get3A_1006, %get3A_1007] {strides = array<i32>} : memref<2x32x1024xf32, #tpu.memory_space<vmem>>, vector<1x1x16xf32>,
      %get3A_1009 = vector.shape_cast %get3A_1008 : vector<1x1x16xf32> to vector<16xf32>
      %mul3A_1010 = arith.mulf %get3A_1009, %get3A_60 : vector<16xf32>
      %get3A_1011 = arith.constant 1 : i32
      %get3A_1012 = arith.index_cast %get3A_1011 : i32 to index
      %get3A_1013 = arith.index_cast %scan3A_57 : i32 to index
      %get3A_1014 = arith.constant 752 : index
      %get3A_1015 = tpu.vector_load %arg8[%get3A_1012, %get3A_1013, %get3A_1014] {strides = array<i32>} : memref<2x32x1024xf32, #tpu.memory_space<vmem>>, vector<1x1x16xf32>,
      %get3A_1016 = vector.shape_cast %get3A_1015 : vector<1x1x16xf32> to vector<16xf32>
      %mul3A_1017 = arith.mulf %get3A_1016, %get3A_64 : vector<16xf32>
      %add3A_1018 = arith.addf %mul3A_1010, %mul3A_1017 : vector<16xf32>
      %swap3A_1019 = arith.index_cast %scan3A_57 : i32 to index
      %swap3A_1020 = arith.constant 752 : index
      %swap3A_1021 = tpu.vector_load %arg9[%swap3A_1019, %swap3A_1020] {strides = array<i32>} : memref<32x1024xf32, #tpu.memory_space<vmem>>, vector<1x16xf32>,
      %swap3A_1022 = vector.shape_cast %swap3A_1021 : vector<1x16xf32> to vector<16xf32>
      %swap3A_1023 = vector.shape_cast %add3A_1018 : vector<16xf32> to vector<1x16xf32>
      tpu.vector_store %arg9[%swap3A_1019, %swap3A_1020], %swap3A_1023 {strides = array<i32>} : memref<32x1024xf32, #tpu.memory_space<vmem>>, vector<1x16xf32>,
      %get3A_1024 = arith.constant 0 : i32
      %get3A_1025 = arith.index_cast %get3A_1024 : i32 to index
      %get3A_1026 = arith.index_cast %scan3A_57 : i32 to index
      %get3A_1027 = arith.constant 768 : index
      %get3A_1028 = tpu.vector_load %arg8[%get3A_1025, %get3A_1026, %get3A_1027] {strides = array<i32>} : memref<2x32x1024xf32, #tpu.memory_space<vmem>>, vector<1x1x16xf32>,
      %get3A_1029 = vector.shape_cast %get3A_1028 : vector<1x1x16xf32> to vector<16xf32>
      %mul3A_1030 = arith.mulf %get3A_1029, %get3A_60 : vector<16xf32>
      %get3A_1031 = arith.constant 1 : i32
      %get3A_1032 = arith.index_cast %get3A_1031 : i32 to index
      %get3A_1033 = arith.index_cast %scan3A_57 : i32 to index
      %get3A_1034 = arith.constant 768 : index
      %get3A_1035 = tpu.vector_load %arg8[%get3A_1032, %get3A_1033, %get3A_1034] {strides = array<i32>} : memref<2x32x1024xf32, #tpu.memory_space<vmem>>, vector<1x1x16xf32>,
      %get3A_1036 = vector.shape_cast %get3A_1035 : vector<1x1x16xf32> to vector<16xf32>
      %mul3A_1037 = arith.mulf %get3A_1036, %get3A_64 : vector<16xf32>
      %add3A_1038 = arith.addf %mul3A_1030, %mul3A_1037 : vector<16xf32>
      %swap3A_1039 = arith.index_cast %scan3A_57 : i32 to index
      %swap3A_1040 = arith.constant 768 : index
      %swap3A_1041 = tpu.vector_load %arg9[%swap3A_1039, %swap3A_1040] {strides = array<i32>} : memref<32x1024xf32, #tpu.memory_space<vmem>>, vector<1x16xf32>,
      %swap3A_1042 = vector.shape_cast %swap3A_1041 : vector<1x16xf32> to vector<16xf32>
      %swap3A_1043 = vector.shape_cast %add3A_1038 : vector<16xf32> to vector<1x16xf32>
      tpu.vector_store %arg9[%swap3A_1039, %swap3A_1040], %swap3A_1043 {strides = array<i32>} : memref<32x1024xf32, #tpu.memory_space<vmem>>, vector<1x16xf32>,
      %get3A_1044 = arith.constant 0 : i32
      %get3A_1045 = arith.index_cast %get3A_1044 : i32 to index
      %get3A_1046 = arith.index_cast %scan3A_57 : i32 to index
      %get3A_1047 = arith.constant 784 : index
      %get3A_1048 = tpu.vector_load %arg8[%get3A_1045, %get3A_1046, %get3A_1047] {strides = array<i32>} : memref<2x32x1024xf32, #tpu.memory_space<vmem>>, vector<1x1x16xf32>,
      %get3A_1049 = vector.shape_cast %get3A_1048 : vector<1x1x16xf32> to vector<16xf32>
      %mul3A_1050 = arith.mulf %get3A_1049, %get3A_60 : vector<16xf32>
      %get3A_1051 = arith.constant 1 : i32
      %get3A_1052 = arith.index_cast %get3A_1051 : i32 to index
      %get3A_1053 = arith.index_cast %scan3A_57 : i32 to index
      %get3A_1054 = arith.constant 784 : index
      %get3A_1055 = tpu.vector_load %arg8[%get3A_1052, %get3A_1053, %get3A_1054] {strides = array<i32>} : memref<2x32x1024xf32, #tpu.memory_space<vmem>>, vector<1x1x16xf32>,
      %get3A_1056 = vector.shape_cast %get3A_1055 : vector<1x1x16xf32> to vector<16xf32>
      %mul3A_1057 = arith.mulf %get3A_1056, %get3A_64 : vector<16xf32>
      %add3A_1058 = arith.addf %mul3A_1050, %mul3A_1057 : vector<16xf32>
      %swap3A_1059 = arith.index_cast %scan3A_57 : i32 to index
      %swap3A_1060 = arith.constant 784 : index
      %swap3A_1061 = tpu.vector_load %arg9[%swap3A_1059, %swap3A_1060] {strides = array<i32>} : memref<32x1024xf32, #tpu.memory_space<vmem>>, vector<1x16xf32>,
      %swap3A_1062 = vector.shape_cast %swap3A_1061 : vector<1x16xf32> to vector<16xf32>
      %swap3A_1063 = vector.shape_cast %add3A_1058 : vector<16xf32> to vector<1x16xf32>
      tpu.vector_store %arg9[%swap3A_1059, %swap3A_1060], %swap3A_1063 {strides = array<i32>} : memref<32x1024xf32, #tpu.memory_space<vmem>>, vector<1x16xf32>,
      %get3A_1064 = arith.constant 0 : i32
      %get3A_1065 = arith.index_cast %get3A_1064 : i32 to index
      %get3A_1066 = arith.index_cast %scan3A_57 : i32 to index
      %get3A_1067 = arith.constant 800 : index
      %get3A_1068 = tpu.vector_load %arg8[%get3A_1065, %get3A_1066, %get3A_1067] {strides = array<i32>} : memref<2x32x1024xf32, #tpu.memory_space<vmem>>, vector<1x1x16xf32>,
      %get3A_1069 = vector.shape_cast %get3A_1068 : vector<1x1x16xf32> to vector<16xf32>
      %mul3A_1070 = arith.mulf %get3A_1069, %get3A_60 : vector<16xf32>
      %get3A_1071 = arith.constant 1 : i32
      %get3A_1072 = arith.index_cast %get3A_1071 : i32 to index
      %get3A_1073 = arith.index_cast %scan3A_57 : i32 to index
      %get3A_1074 = arith.constant 800 : index
      %get3A_1075 = tpu.vector_load %arg8[%get3A_1072, %get3A_1073, %get3A_1074] {strides = array<i32>} : memref<2x32x1024xf32, #tpu.memory_space<vmem>>, vector<1x1x16xf32>,
      %get3A_1076 = vector.shape_cast %get3A_1075 : vector<1x1x16xf32> to vector<16xf32>
      %mul3A_1077 = arith.mulf %get3A_1076, %get3A_64 : vector<16xf32>
      %add3A_1078 = arith.addf %mul3A_1070, %mul3A_1077 : vector<16xf32>
      %swap3A_1079 = arith.index_cast %scan3A_57 : i32 to index
      %swap3A_1080 = arith.constant 800 : index
      %swap3A_1081 = tpu.vector_load %arg9[%swap3A_1079, %swap3A_1080] {strides = array<i32>} : memref<32x1024xf32, #tpu.memory_space<vmem>>, vector<1x16xf32>,
      %swap3A_1082 = vector.shape_cast %swap3A_1081 : vector<1x16xf32> to vector<16xf32>
      %swap3A_1083 = vector.shape_cast %add3A_1078 : vector<16xf32> to vector<1x16xf32>
      tpu.vector_store %arg9[%swap3A_1079, %swap3A_1080], %swap3A_1083 {strides = array<i32>} : memref<32x1024xf32, #tpu.memory_space<vmem>>, vector<1x16xf32>,
      %get3A_1084 = arith.constant 0 : i32
      %get3A_1085 = arith.index_cast %get3A_1084 : i32 to index
      %get3A_1086 = arith.index_cast %scan3A_57 : i32 to index
      %get3A_1087 = arith.constant 816 : index
      %get3A_1088 = tpu.vector_load %arg8[%get3A_1085, %get3A_1086, %get3A_1087] {strides = array<i32>} : memref<2x32x1024xf32, #tpu.memory_space<vmem>>, vector<1x1x16xf32>,
      %get3A_1089 = vector.shape_cast %get3A_1088 : vector<1x1x16xf32> to vector<16xf32>
      %mul3A_1090 = arith.mulf %get3A_1089, %get3A_60 : vector<16xf32>
      %get3A_1091 = arith.constant 1 : i32
      %get3A_1092 = arith.index_cast %get3A_1091 : i32 to index
      %get3A_1093 = arith.index_cast %scan3A_57 : i32 to index
      %get3A_1094 = arith.constant 816 : index
      %get3A_1095 = tpu.vector_load %arg8[%get3A_1092, %get3A_1093, %get3A_1094] {strides = array<i32>} : memref<2x32x1024xf32, #tpu.memory_space<vmem>>, vector<1x1x16xf32>,
      %get3A_1096 = vector.shape_cast %get3A_1095 : vector<1x1x16xf32> to vector<16xf32>
      %mul3A_1097 = arith.mulf %get3A_1096, %get3A_64 : vector<16xf32>
      %add3A_1098 = arith.addf %mul3A_1090, %mul3A_1097 : vector<16xf32>
      %swap3A_1099 = arith.index_cast %scan3A_57 : i32 to index
      %swap3A_1100 = arith.constant 816 : index
      %swap3A_1101 = tpu.vector_load %arg9[%swap3A_1099, %swap3A_1100] {strides = array<i32>} : memref<32x1024xf32, #tpu.memory_space<vmem>>, vector<1x16xf32>,
      %swap3A_1102 = vector.shape_cast %swap3A_1101 : vector<1x16xf32> to vector<16xf32>
      %swap3A_1103 = vector.shape_cast %add3A_1098 : vector<16xf32> to vector<1x16xf32>
      tpu.vector_store %arg9[%swap3A_1099, %swap3A_1100], %swap3A_1103 {strides = array<i32>} : memref<32x1024xf32, #tpu.memory_space<vmem>>, vector<1x16xf32>,
      %get3A_1104 = arith.constant 0 : i32
      %get3A_1105 = arith.index_cast %get3A_1104 : i32 to index
      %get3A_1106 = arith.index_cast %scan3A_57 : i32 to index
      %get3A_1107 = arith.constant 832 : index
      %get3A_1108 = tpu.vector_load %arg8[%get3A_1105, %get3A_1106, %get3A_1107] {strides = array<i32>} : memref<2x32x1024xf32, #tpu.memory_space<vmem>>, vector<1x1x16xf32>,
      %get3A_1109 = vector.shape_cast %get3A_1108 : vector<1x1x16xf32> to vector<16xf32>
      %mul3A_1110 = arith.mulf %get3A_1109, %get3A_60 : vector<16xf32>
      %get3A_1111 = arith.constant 1 : i32
      %get3A_1112 = arith.index_cast %get3A_1111 : i32 to index
      %get3A_1113 = arith.index_cast %scan3A_57 : i32 to index
      %get3A_1114 = arith.constant 832 : index
      %get3A_1115 = tpu.vector_load %arg8[%get3A_1112, %get3A_1113, %get3A_1114] {strides = array<i32>} : memref<2x32x1024xf32, #tpu.memory_space<vmem>>, vector<1x1x16xf32>,
      %get3A_1116 = vector.shape_cast %get3A_1115 : vector<1x1x16xf32> to vector<16xf32>
      %mul3A_1117 = arith.mulf %get3A_1116, %get3A_64 : vector<16xf32>
      %add3A_1118 = arith.addf %mul3A_1110, %mul3A_1117 : vector<16xf32>
      %swap3A_1119 = arith.index_cast %scan3A_57 : i32 to index
      %swap3A_1120 = arith.constant 832 : index
      %swap3A_1121 = tpu.vector_load %arg9[%swap3A_1119, %swap3A_1120] {strides = array<i32>} : memref<32x1024xf32, #tpu.memory_space<vmem>>, vector<1x16xf32>,
      %swap3A_1122 = vector.shape_cast %swap3A_1121 : vector<1x16xf32> to vector<16xf32>
      %swap3A_1123 = vector.shape_cast %add3A_1118 : vector<16xf32> to vector<1x16xf32>
      tpu.vector_store %arg9[%swap3A_1119, %swap3A_1120], %swap3A_1123 {strides = array<i32>} : memref<32x1024xf32, #tpu.memory_space<vmem>>, vector<1x16xf32>,
      %get3A_1124 = arith.constant 0 : i32
      %get3A_1125 = arith.index_cast %get3A_1124 : i32 to index
      %get3A_1126 = arith.index_cast %scan3A_57 : i32 to index
      %get3A_1127 = arith.constant 848 : index
      %get3A_1128 = tpu.vector_load %arg8[%get3A_1125, %get3A_1126, %get3A_1127] {strides = array<i32>} : memref<2x32x1024xf32, #tpu.memory_space<vmem>>, vector<1x1x16xf32>,
      %get3A_1129 = vector.shape_cast %get3A_1128 : vector<1x1x16xf32> to vector<16xf32>
      %mul3A_1130 = arith.mulf %get3A_1129, %get3A_60 : vector<16xf32>
      %get3A_1131 = arith.constant 1 : i32
      %get3A_1132 = arith.index_cast %get3A_1131 : i32 to index
      %get3A_1133 = arith.index_cast %scan3A_57 : i32 to index
      %get3A_1134 = arith.constant 848 : index
      %get3A_1135 = tpu.vector_load %arg8[%get3A_1132, %get3A_1133, %get3A_1134] {strides = array<i32>} : memref<2x32x1024xf32, #tpu.memory_space<vmem>>, vector<1x1x16xf32>,
      %get3A_1136 = vector.shape_cast %get3A_1135 : vector<1x1x16xf32> to vector<16xf32>
      %mul3A_1137 = arith.mulf %get3A_1136, %get3A_64 : vector<16xf32>
      %add3A_1138 = arith.addf %mul3A_1130, %mul3A_1137 : vector<16xf32>
      %swap3A_1139 = arith.index_cast %scan3A_57 : i32 to index
      %swap3A_1140 = arith.constant 848 : index
      %swap3A_1141 = tpu.vector_load %arg9[%swap3A_1139, %swap3A_1140] {strides = array<i32>} : memref<32x1024xf32, #tpu.memory_space<vmem>>, vector<1x16xf32>,
      %swap3A_1142 = vector.shape_cast %swap3A_1141 : vector<1x16xf32> to vector<16xf32>
      %swap3A_1143 = vector.shape_cast %add3A_1138 : vector<16xf32> to vector<1x16xf32>
      tpu.vector_store %arg9[%swap3A_1139, %swap3A_1140], %swap3A_1143 {strides = array<i32>} : memref<32x1024xf32, #tpu.memory_space<vmem>>, vector<1x16xf32>,
      %get3A_1144 = arith.constant 0 : i32
      %get3A_1145 = arith.index_cast %get3A_1144 : i32 to index
      %get3A_1146 = arith.index_cast %scan3A_57 : i32 to index
      %get3A_1147 = arith.constant 864 : index
      %get3A_1148 = tpu.vector_load %arg8[%get3A_1145, %get3A_1146, %get3A_1147] {strides = array<i32>} : memref<2x32x1024xf32, #tpu.memory_space<vmem>>, vector<1x1x16xf32>,
      %get3A_1149 = vector.shape_cast %get3A_1148 : vector<1x1x16xf32> to vector<16xf32>
      %mul3A_1150 = arith.mulf %get3A_1149, %get3A_60 : vector<16xf32>
      %get3A_1151 = arith.constant 1 : i32
      %get3A_1152 = arith.index_cast %get3A_1151 : i32 to index
      %get3A_1153 = arith.index_cast %scan3A_57 : i32 to index
      %get3A_1154 = arith.constant 864 : index
      %get3A_1155 = tpu.vector_load %arg8[%get3A_1152, %get3A_1153, %get3A_1154] {strides = array<i32>} : memref<2x32x1024xf32, #tpu.memory_space<vmem>>, vector<1x1x16xf32>,
      %get3A_1156 = vector.shape_cast %get3A_1155 : vector<1x1x16xf32> to vector<16xf32>
      %mul3A_1157 = arith.mulf %get3A_1156, %get3A_64 : vector<16xf32>
      %add3A_1158 = arith.addf %mul3A_1150, %mul3A_1157 : vector<16xf32>
      %swap3A_1159 = arith.index_cast %scan3A_57 : i32 to index
      %swap3A_1160 = arith.constant 864 : index
      %swap3A_1161 = tpu.vector_load %arg9[%swap3A_1159, %swap3A_1160] {strides = array<i32>} : memref<32x1024xf32, #tpu.memory_space<vmem>>, vector<1x16xf32>,
      %swap3A_1162 = vector.shape_cast %swap3A_1161 : vector<1x16xf32> to vector<16xf32>
      %swap3A_1163 = vector.shape_cast %add3A_1158 : vector<16xf32> to vector<1x16xf32>
      tpu.vector_store %arg9[%swap3A_1159, %swap3A_1160], %swap3A_1163 {strides = array<i32>} : memref<32x1024xf32, #tpu.memory_space<vmem>>, vector<1x16xf32>,
      %get3A_1164 = arith.constant 0 : i32
      %get3A_1165 = arith.index_cast %get3A_1164 : i32 to index
      %get3A_1166 = arith.index_cast %scan3A_57 : i32 to index
      %get3A_1167 = arith.constant 880 : index
      %get3A_1168 = tpu.vector_load %arg8[%get3A_1165, %get3A_1166, %get3A_1167] {strides = array<i32>} : memref<2x32x1024xf32, #tpu.memory_space<vmem>>, vector<1x1x16xf32>,
      %get3A_1169 = vector.shape_cast %get3A_1168 : vector<1x1x16xf32> to vector<16xf32>
      %mul3A_1170 = arith.mulf %get3A_1169, %get3A_60 : vector<16xf32>
      %get3A_1171 = arith.constant 1 : i32
      %get3A_1172 = arith.index_cast %get3A_1171 : i32 to index
      %get3A_1173 = arith.index_cast %scan3A_57 : i32 to index
      %get3A_1174 = arith.constant 880 : index
      %get3A_1175 = tpu.vector_load %arg8[%get3A_1172, %get3A_1173, %get3A_1174] {strides = array<i32>} : memref<2x32x1024xf32, #tpu.memory_space<vmem>>, vector<1x1x16xf32>,
      %get3A_1176 = vector.shape_cast %get3A_1175 : vector<1x1x16xf32> to vector<16xf32>
      %mul3A_1177 = arith.mulf %get3A_1176, %get3A_64 : vector<16xf32>
      %add3A_1178 = arith.addf %mul3A_1170, %mul3A_1177 : vector<16xf32>
      %swap3A_1179 = arith.index_cast %scan3A_57 : i32 to index
      %swap3A_1180 = arith.constant 880 : index
      %swap3A_1181 = tpu.vector_load %arg9[%swap3A_1179, %swap3A_1180] {strides = array<i32>} : memref<32x1024xf32, #tpu.memory_space<vmem>>, vector<1x16xf32>,
      %swap3A_1182 = vector.shape_cast %swap3A_1181 : vector<1x16xf32> to vector<16xf32>
      %swap3A_1183 = vector.shape_cast %add3A_1178 : vector<16xf32> to vector<1x16xf32>
      tpu.vector_store %arg9[%swap3A_1179, %swap3A_1180], %swap3A_1183 {strides = array<i32>} : memref<32x1024xf32, #tpu.memory_space<vmem>>, vector<1x16xf32>,
      %get3A_1184 = arith.constant 0 : i32
      %get3A_1185 = arith.index_cast %get3A_1184 : i32 to index
      %get3A_1186 = arith.index_cast %scan3A_57 : i32 to index
      %get3A_1187 = arith.constant 896 : index
      %get3A_1188 = tpu.vector_load %arg8[%get3A_1185, %get3A_1186, %get3A_1187] {strides = array<i32>} : memref<2x32x1024xf32, #tpu.memory_space<vmem>>, vector<1x1x16xf32>,
      %get3A_1189 = vector.shape_cast %get3A_1188 : vector<1x1x16xf32> to vector<16xf32>
      %mul3A_1190 = arith.mulf %get3A_1189, %get3A_60 : vector<16xf32>
      %get3A_1191 = arith.constant 1 : i32
      %get3A_1192 = arith.index_cast %get3A_1191 : i32 to index
      %get3A_1193 = arith.index_cast %scan3A_57 : i32 to index
      %get3A_1194 = arith.constant 896 : index
      %get3A_1195 = tpu.vector_load %arg8[%get3A_1192, %get3A_1193, %get3A_1194] {strides = array<i32>} : memref<2x32x1024xf32, #tpu.memory_space<vmem>>, vector<1x1x16xf32>,
      %get3A_1196 = vector.shape_cast %get3A_1195 : vector<1x1x16xf32> to vector<16xf32>
      %mul3A_1197 = arith.mulf %get3A_1196, %get3A_64 : vector<16xf32>
      %add3A_1198 = arith.addf %mul3A_1190, %mul3A_1197 : vector<16xf32>
      %swap3A_1199 = arith.index_cast %scan3A_57 : i32 to index
      %swap3A_1200 = arith.constant 896 : index
      %swap3A_1201 = tpu.vector_load %arg9[%swap3A_1199, %swap3A_1200] {strides = array<i32>} : memref<32x1024xf32, #tpu.memory_space<vmem>>, vector<1x16xf32>,
      %swap3A_1202 = vector.shape_cast %swap3A_1201 : vector<1x16xf32> to vector<16xf32>
      %swap3A_1203 = vector.shape_cast %add3A_1198 : vector<16xf32> to vector<1x16xf32>
      tpu.vector_store %arg9[%swap3A_1199, %swap3A_1200], %swap3A_1203 {strides = array<i32>} : memref<32x1024xf32, #tpu.memory_space<vmem>>, vector<1x16xf32>,
      %get3A_1204 = arith.constant 0 : i32
      %get3A_1205 = arith.index_cast %get3A_1204 : i32 to index
      %get3A_1206 = arith.index_cast %scan3A_57 : i32 to index
      %get3A_1207 = arith.constant 912 : index
      %get3A_1208 = tpu.vector_load %arg8[%get3A_1205, %get3A_1206, %get3A_1207] {strides = array<i32>} : memref<2x32x1024xf32, #tpu.memory_space<vmem>>, vector<1x1x16xf32>,
      %get3A_1209 = vector.shape_cast %get3A_1208 : vector<1x1x16xf32> to vector<16xf32>
      %mul3A_1210 = arith.mulf %get3A_1209, %get3A_60 : vector<16xf32>
      %get3A_1211 = arith.constant 1 : i32
      %get3A_1212 = arith.index_cast %get3A_1211 : i32 to index
      %get3A_1213 = arith.index_cast %scan3A_57 : i32 to index
      %get3A_1214 = arith.constant 912 : index
      %get3A_1215 = tpu.vector_load %arg8[%get3A_1212, %get3A_1213, %get3A_1214] {strides = array<i32>} : memref<2x32x1024xf32, #tpu.memory_space<vmem>>, vector<1x1x16xf32>,
      %get3A_1216 = vector.shape_cast %get3A_1215 : vector<1x1x16xf32> to vector<16xf32>
      %mul3A_1217 = arith.mulf %get3A_1216, %get3A_64 : vector<16xf32>
      %add3A_1218 = arith.addf %mul3A_1210, %mul3A_1217 : vector<16xf32>
      %swap3A_1219 = arith.index_cast %scan3A_57 : i32 to index
      %swap3A_1220 = arith.constant 912 : index
      %swap3A_1221 = tpu.vector_load %arg9[%swap3A_1219, %swap3A_1220] {strides = array<i32>} : memref<32x1024xf32, #tpu.memory_space<vmem>>, vector<1x16xf32>,
      %swap3A_1222 = vector.shape_cast %swap3A_1221 : vector<1x16xf32> to vector<16xf32>
      %swap3A_1223 = vector.shape_cast %add3A_1218 : vector<16xf32> to vector<1x16xf32>
      tpu.vector_store %arg9[%swap3A_1219, %swap3A_1220], %swap3A_1223 {strides = array<i32>} : memref<32x1024xf32, #tpu.memory_space<vmem>>, vector<1x16xf32>,
      %get3A_1224 = arith.constant 0 : i32
      %get3A_1225 = arith.index_cast %get3A_1224 : i32 to index
      %get3A_1226 = arith.index_cast %scan3A_57 : i32 to index
      %get3A_1227 = arith.constant 928 : index
      %get3A_1228 = tpu.vector_load %arg8[%get3A_1225, %get3A_1226, %get3A_1227] {strides = array<i32>} : memref<2x32x1024xf32, #tpu.memory_space<vmem>>, vector<1x1x16xf32>,
      %get3A_1229 = vector.shape_cast %get3A_1228 : vector<1x1x16xf32> to vector<16xf32>
      %mul3A_1230 = arith.mulf %get3A_1229, %get3A_60 : vector<16xf32>
      %get3A_1231 = arith.constant 1 : i32
      %get3A_1232 = arith.index_cast %get3A_1231 : i32 to index
      %get3A_1233 = arith.index_cast %scan3A_57 : i32 to index
      %get3A_1234 = arith.constant 928 : index
      %get3A_1235 = tpu.vector_load %arg8[%get3A_1232, %get3A_1233, %get3A_1234] {strides = array<i32>} : memref<2x32x1024xf32, #tpu.memory_space<vmem>>, vector<1x1x16xf32>,
      %get3A_1236 = vector.shape_cast %get3A_1235 : vector<1x1x16xf32> to vector<16xf32>
      %mul3A_1237 = arith.mulf %get3A_1236, %get3A_64 : vector<16xf32>
      %add3A_1238 = arith.addf %mul3A_1230, %mul3A_1237 : vector<16xf32>
      %swap3A_1239 = arith.index_cast %scan3A_57 : i32 to index
      %swap3A_1240 = arith.constant 928 : index
      %swap3A_1241 = tpu.vector_load %arg9[%swap3A_1239, %swap3A_1240] {strides = array<i32>} : memref<32x1024xf32, #tpu.memory_space<vmem>>, vector<1x16xf32>,
      %swap3A_1242 = vector.shape_cast %swap3A_1241 : vector<1x16xf32> to vector<16xf32>
      %swap3A_1243 = vector.shape_cast %add3A_1238 : vector<16xf32> to vector<1x16xf32>
      tpu.vector_store %arg9[%swap3A_1239, %swap3A_1240], %swap3A_1243 {strides = array<i32>} : memref<32x1024xf32, #tpu.memory_space<vmem>>, vector<1x16xf32>,
      %get3A_1244 = arith.constant 0 : i32
      %get3A_1245 = arith.index_cast %get3A_1244 : i32 to index
      %get3A_1246 = arith.index_cast %scan3A_57 : i32 to index
      %get3A_1247 = arith.constant 944 : index
      %get3A_1248 = tpu.vector_load %arg8[%get3A_1245, %get3A_1246, %get3A_1247] {strides = array<i32>} : memref<2x32x1024xf32, #tpu.memory_space<vmem>>, vector<1x1x16xf32>,
      %get3A_1249 = vector.shape_cast %get3A_1248 : vector<1x1x16xf32> to vector<16xf32>
      %mul3A_1250 = arith.mulf %get3A_1249, %get3A_60 : vector<16xf32>
      %get3A_1251 = arith.constant 1 : i32
      %get3A_1252 = arith.index_cast %get3A_1251 : i32 to index
      %get3A_1253 = arith.index_cast %scan3A_57 : i32 to index
      %get3A_1254 = arith.constant 944 : index
      %get3A_1255 = tpu.vector_load %arg8[%get3A_1252, %get3A_1253, %get3A_1254] {strides = array<i32>} : memref<2x32x1024xf32, #tpu.memory_space<vmem>>, vector<1x1x16xf32>,
      %get3A_1256 = vector.shape_cast %get3A_1255 : vector<1x1x16xf32> to vector<16xf32>
      %mul3A_1257 = arith.mulf %get3A_1256, %get3A_64 : vector<16xf32>
      %add3A_1258 = arith.addf %mul3A_1250, %mul3A_1257 : vector<16xf32>
      %swap3A_1259 = arith.index_cast %scan3A_57 : i32 to index
      %swap3A_1260 = arith.constant 944 : index
      %swap3A_1261 = tpu.vector_load %arg9[%swap3A_1259, %swap3A_1260] {strides = array<i32>} : memref<32x1024xf32, #tpu.memory_space<vmem>>, vector<1x16xf32>,
      %swap3A_1262 = vector.shape_cast %swap3A_1261 : vector<1x16xf32> to vector<16xf32>
      %swap3A_1263 = vector.shape_cast %add3A_1258 : vector<16xf32> to vector<1x16xf32>
      tpu.vector_store %arg9[%swap3A_1259, %swap3A_1260], %swap3A_1263 {strides = array<i32>} : memref<32x1024xf32, #tpu.memory_space<vmem>>, vector<1x16xf32>,
      %get3A_1264 = arith.constant 0 : i32
      %get3A_1265 = arith.index_cast %get3A_1264 : i32 to index
      %get3A_1266 = arith.index_cast %scan3A_57 : i32 to index
      %get3A_1267 = arith.constant 960 : index
      %get3A_1268 = tpu.vector_load %arg8[%get3A_1265, %get3A_1266, %get3A_1267] {strides = array<i32>} : memref<2x32x1024xf32, #tpu.memory_space<vmem>>, vector<1x1x16xf32>,
      %get3A_1269 = vector.shape_cast %get3A_1268 : vector<1x1x16xf32> to vector<16xf32>
      %mul3A_1270 = arith.mulf %get3A_1269, %get3A_60 : vector<16xf32>
      %get3A_1271 = arith.constant 1 : i32
      %get3A_1272 = arith.index_cast %get3A_1271 : i32 to index
      %get3A_1273 = arith.index_cast %scan3A_57 : i32 to index
      %get3A_1274 = arith.constant 960 : index
      %get3A_1275 = tpu.vector_load %arg8[%get3A_1272, %get3A_1273, %get3A_1274] {strides = array<i32>} : memref<2x32x1024xf32, #tpu.memory_space<vmem>>, vector<1x1x16xf32>,
      %get3A_1276 = vector.shape_cast %get3A_1275 : vector<1x1x16xf32> to vector<16xf32>
      %mul3A_1277 = arith.mulf %get3A_1276, %get3A_64 : vector<16xf32>
      %add3A_1278 = arith.addf %mul3A_1270, %mul3A_1277 : vector<16xf32>
      %swap3A_1279 = arith.index_cast %scan3A_57 : i32 to index
      %swap3A_1280 = arith.constant 960 : index
      %swap3A_1281 = tpu.vector_load %arg9[%swap3A_1279, %swap3A_1280] {strides = array<i32>} : memref<32x1024xf32, #tpu.memory_space<vmem>>, vector<1x16xf32>,
      %swap3A_1282 = vector.shape_cast %swap3A_1281 : vector<1x16xf32> to vector<16xf32>
      %swap3A_1283 = vector.shape_cast %add3A_1278 : vector<16xf32> to vector<1x16xf32>
      tpu.vector_store %arg9[%swap3A_1279, %swap3A_1280], %swap3A_1283 {strides = array<i32>} : memref<32x1024xf32, #tpu.memory_space<vmem>>, vector<1x16xf32>,
      %get3A_1284 = arith.constant 0 : i32
      %get3A_1285 = arith.index_cast %get3A_1284 : i32 to index
      %get3A_1286 = arith.index_cast %scan3A_57 : i32 to index
      %get3A_1287 = arith.constant 976 : index
      %get3A_1288 = tpu.vector_load %arg8[%get3A_1285, %get3A_1286, %get3A_1287] {strides = array<i32>} : memref<2x32x1024xf32, #tpu.memory_space<vmem>>, vector<1x1x16xf32>,
      %get3A_1289 = vector.shape_cast %get3A_1288 : vector<1x1x16xf32> to vector<16xf32>
      %mul3A_1290 = arith.mulf %get3A_1289, %get3A_60 : vector<16xf32>
      %get3A_1291 = arith.constant 1 : i32
      %get3A_1292 = arith.index_cast %get3A_1291 : i32 to index
      %get3A_1293 = arith.index_cast %scan3A_57 : i32 to index
      %get3A_1294 = arith.constant 976 : index
      %get3A_1295 = tpu.vector_load %arg8[%get3A_1292, %get3A_1293, %get3A_1294] {strides = array<i32>} : memref<2x32x1024xf32, #tpu.memory_space<vmem>>, vector<1x1x16xf32>,
      %get3A_1296 = vector.shape_cast %get3A_1295 : vector<1x1x16xf32> to vector<16xf32>
      %mul3A_1297 = arith.mulf %get3A_1296, %get3A_64 : vector<16xf32>
      %add3A_1298 = arith.addf %mul3A_1290, %mul3A_1297 : vector<16xf32>
      %swap3A_1299 = arith.index_cast %scan3A_57 : i32 to index
      %swap3A_1300 = arith.constant 976 : index
      %swap3A_1301 = tpu.vector_load %arg9[%swap3A_1299, %swap3A_1300] {strides = array<i32>} : memref<32x1024xf32, #tpu.memory_space<vmem>>, vector<1x16xf32>,
      %swap3A_1302 = vector.shape_cast %swap3A_1301 : vector<1x16xf32> to vector<16xf32>
      %swap3A_1303 = vector.shape_cast %add3A_1298 : vector<16xf32> to vector<1x16xf32>
      tpu.vector_store %arg9[%swap3A_1299, %swap3A_1300], %swap3A_1303 {strides = array<i32>} : memref<32x1024xf32, #tpu.memory_space<vmem>>, vector<1x16xf32>,
      %get3A_1304 = arith.constant 0 : i32
      %get3A_1305 = arith.index_cast %get3A_1304 : i32 to index
      %get3A_1306 = arith.index_cast %scan3A_57 : i32 to index
      %get3A_1307 = arith.constant 992 : index
      %get3A_1308 = tpu.vector_load %arg8[%get3A_1305, %get3A_1306, %get3A_1307] {strides = array<i32>} : memref<2x32x1024xf32, #tpu.memory_space<vmem>>, vector<1x1x16xf32>,
      %get3A_1309 = vector.shape_cast %get3A_1308 : vector<1x1x16xf32> to vector<16xf32>
      %mul3A_1310 = arith.mulf %get3A_1309, %get3A_60 : vector<16xf32>
      %get3A_1311 = arith.constant 1 : i32
      %get3A_1312 = arith.index_cast %get3A_1311 : i32 to index
      %get3A_1313 = arith.index_cast %scan3A_57 : i32 to index
      %get3A_1314 = arith.constant 992 : index
      %get3A_1315 = tpu.vector_load %arg8[%get3A_1312, %get3A_1313, %get3A_1314] {strides = array<i32>} : memref<2x32x1024xf32, #tpu.memory_space<vmem>>, vector<1x1x16xf32>,
      %get3A_1316 = vector.shape_cast %get3A_1315 : vector<1x1x16xf32> to vector<16xf32>
      %mul3A_1317 = arith.mulf %get3A_1316, %get3A_64 : vector<16xf32>
      %add3A_1318 = arith.addf %mul3A_1310, %mul3A_1317 : vector<16xf32>
      %swap3A_1319 = arith.index_cast %scan3A_57 : i32 to index
      %swap3A_1320 = arith.constant 992 : index
      %swap3A_1321 = tpu.vector_load %arg9[%swap3A_1319, %swap3A_1320] {strides = array<i32>} : memref<32x1024xf32, #tpu.memory_space<vmem>>, vector<1x16xf32>,
      %swap3A_1322 = vector.shape_cast %swap3A_1321 : vector<1x16xf32> to vector<16xf32>
      %swap3A_1323 = vector.shape_cast %add3A_1318 : vector<16xf32> to vector<1x16xf32>
      tpu.vector_store %arg9[%swap3A_1319, %swap3A_1320], %swap3A_1323 {strides = array<i32>} : memref<32x1024xf32, #tpu.memory_space<vmem>>, vector<1x16xf32>,
      %get3A_1324 = arith.constant 0 : i32
      %get3A_1325 = arith.index_cast %get3A_1324 : i32 to index
      %get3A_1326 = arith.index_cast %scan3A_57 : i32 to index
      %get3A_1327 = arith.constant 1008 : index
      %get3A_1328 = tpu.vector_load %arg8[%get3A_1325, %get3A_1326, %get3A_1327] {strides = array<i32>} : memref<2x32x1024xf32, #tpu.memory_space<vmem>>, vector<1x1x16xf32>,
      %get3A_1329 = vector.shape_cast %get3A_1328 : vector<1x1x16xf32> to vector<16xf32>
      %mul3A_1330 = arith.mulf %get3A_1329, %get3A_60 : vector<16xf32>
      %get3A_1331 = arith.constant 1 : i32
      %get3A_1332 = arith.index_cast %get3A_1331 : i32 to index
      %get3A_1333 = arith.index_cast %scan3A_57 : i32 to index
      %get3A_1334 = arith.constant 1008 : index
      %get3A_1335 = tpu.vector_load %arg8[%get3A_1332, %get3A_1333, %get3A_1334] {strides = array<i32>} : memref<2x32x1024xf32, #tpu.memory_space<vmem>>, vector<1x1x16xf32>,
      %get3A_1336 = vector.shape_cast %get3A_1335 : vector<1x1x16xf32> to vector<16xf32>
      %mul3A_1337 = arith.mulf %get3A_1336, %get3A_64 : vector<16xf32>
      %add3A_1338 = arith.addf %mul3A_1330, %mul3A_1337 : vector<16xf32>
      %swap3A_1339 = arith.index_cast %scan3A_57 : i32 to index
      %swap3A_1340 = arith.constant 1008 : index
      %swap3A_1341 = tpu.vector_load %arg9[%swap3A_1339, %swap3A_1340] {strides = array<i32>} : memref<32x1024xf32, #tpu.memory_space<vmem>>, vector<1x16xf32>,
      %swap3A_1342 = vector.shape_cast %swap3A_1341 : vector<1x16xf32> to vector<16xf32>
      %swap3A_1343 = vector.shape_cast %add3A_1338 : vector<16xf32> to vector<1x16xf32>
      tpu.vector_store %arg9[%swap3A_1339, %swap3A_1340], %swap3A_1343 {strides = array<i32>} : memref<32x1024xf32, #tpu.memory_space<vmem>>, vector<1x16xf32>,
    }
    %scan3A_56 = arith.constant 32 : i32
    "tpu.region"() ({
      %run_scoped3A_57 = tpu.sem_alloc : memref<!tpu.dma_semaphore, #tpu.memory_space<semaphore_mem>>
      %dma_start3A_58 = arith.constant 0 : i32
      %dma_start3A_59 = tpu.memref_slice %arg5[%mul3A_2, %dma_start3A_58] : memref<1024x1024xf32, #tpu.memory_space<hbm>> -> memref<32x1024xf32, #tpu.memory_space<hbm>>
      %dma_start3A_60 = arith.constant 0 : i32
      %dma_start3A_61 = tpu.memref_slice %arg5[%mul3A_2, %dma_start3A_60] : memref<1024x1024xf32, #tpu.memory_space<hbm>> -> memref<32x1024xf32, #tpu.memory_space<hbm>>
      tpu.enqueue_dma source(%arg9 : memref<32x1024xf32, #tpu.memory_space<vmem>>) target(%dma_start3A_61 : memref<32x1024xf32, #tpu.memory_space<hbm>>) target_semaphore(%run_scoped3A_57 : memref<!tpu.dma_semaphore, #tpu.memory_space<semaphore_mem>>)
      %dma_wait3A_62 = arith.constant 0 : i32
      %dma_wait3A_63 = tpu.memref_slice %arg5[%mul3A_2, %dma_wait3A_62] : memref<1024x1024xf32, #tpu.memory_space<hbm>> -> memref<32x1024xf32, #tpu.memory_space<hbm>>
      %dma_wait3A_64 = arith.constant 0 : i32
      %dma_wait3A_65 = tpu.memref_slice %arg5[%mul3A_2, %dma_wait3A_64] : memref<1024x1024xf32, #tpu.memory_space<hbm>> -> memref<32x1024xf32, #tpu.memory_space<hbm>>
      tpu.wait_dma2 semaphore(%run_scoped3A_57 : memref<!tpu.dma_semaphore, #tpu.memory_space<semaphore_mem>>) src(%arg9 : memref<32x1024xf32, #tpu.memory_space<vmem>>) dst(%dma_wait3A_65 : memref<32x1024xf32, #tpu.memory_space<hbm>>)
      tpu.yield
    }) : () -> ()
    return
  }
}

module attributes {stable_mosaic.version = 14 : i64} {
  func.func @_grouped_mm_kernel(%arg0: i32, %arg1: memref<3x16xi32, #tpu.memory_space<smem>>, %arg2: memref<256x1024xf32, #tpu.memory_space<vmem>>, %arg3: memref<1x1024x1024xf32, #tpu.memory_space<vmem>>, %arg4: memref<1x1024x1024xf32, #tpu.memory_space<vmem>>, %arg5: memref<1x1024x1024xf32, #tpu.memory_space<vmem>>, %arg6: memref<256x1024xf32, #tpu.memory_space<vmem>>) attributes {dimension_semantics = [#tpu.dimension_semantics<arbitrary>], iteration_bounds = array<i64: 15>, scalar_prefetch = 1 : i64, scratch_operands = 0 : i64, tpu.core_type = #tpu.core_type<tc>, window_params = [{transform_indices = @transform_0, window_bounds = array<i64: 256, 1024>}, {transform_indices = @transform_1, window_bounds = array<i64: 1, 1024, 1024>}, {transform_indices = @transform_2, window_bounds = array<i64: 1, 1024, 1024>}, {transform_indices = @transform_3, window_bounds = array<i64: 1, 1024, 1024>}, {transform_indices = @transform_4, window_bounds = array<i64: 256, 1024>}]} {
    %get3A = arith.constant 2 : index
    %get3A_0 = arith.index_cast %arg0 : i32 to index
    %get3A_1 = memref.load %arg1[%get3A, %get3A_0] : memref<3x16xi32, #tpu.memory_space<smem>>
    %gt3A = arith.constant 0 : i32
    %gt3A_2 = arith.cmpi sgt, %get3A_1, %gt3A : i32
    %convert_element_type3A = arith.extui %gt3A_2 : i1 to i32
    %cond3A = arith.constant 0 : i32
    %cond3A_3 = arith.cmpi ne, %convert_element_type3A, %cond3A : i32
    scf.if %cond3A_3 {
      %iota3A = tpu.iota {dimensions = array<i32: 0>} : vector<256x1xi32>
      %lt3A = vector.broadcast %get3A_1 : i32 to vector<256x1xi32>
      %lt3A_4 = arith.cmpi slt, %iota3A, %lt3A : vector<256x1xi32>
      %get3A_5 = arith.constant 0 : index
      %get3A_6 = arith.constant 0 : index
      %get3A_7 = vector.load %arg2[%get3A_5, %get3A_6] : memref<256x1024xf32, #tpu.memory_space<vmem>>, vector<256x1024xf32>
      %jit3A = arith.constant 0.000000e+00 : f32
      %broadcast_in_dim3A = vector.shape_cast %lt3A_4 : vector<256x1xi1> to vector<256x1xi1>
      %broadcast_in_dim3A_8 = vector.broadcast %broadcast_in_dim3A : vector<256x1xi1> to vector<256x1024xi1>
      %broadcast_in_dim3A_9 = vector.broadcast %jit3A : f32 to vector<256x1024xf32>
      %select_n3A = arith.select %broadcast_in_dim3A_8, %get3A_7, %broadcast_in_dim3A_9 : vector<256x1024xi1>, vector<256x1024xf32>
      %get3A_10 = arith.constant 0 : index
      %get3A_11 = arith.constant 0 : index
      %get3A_12 = arith.constant 0 : index
      %get3A_13 = vector.load %arg3[%get3A_10, %get3A_11, %get3A_12] : memref<1x1024x1024xf32, #tpu.memory_space<vmem>>, vector<1x1024x1024xf32>
      %get3A_14 = vector.shape_cast %get3A_13 : vector<1x1024x1024xf32> to vector<1024x1024xf32>
      %dot_general3A = arith.constant dense<0.000000e+00> : vector<256x1024xf32>
      %dot_general3A_15 = tpu.matmul %select_n3A, %get3A_14, %dot_general3A {dimension_numbers = #tpu.dot_dimension_numbers<[1], [0], [0], [1], [0, 0, 1, 1], [], []>, transpose_lhs_hint = false} : vector<256x1024xf32>, vector<1024x1024xf32>, vector<256x1024xf32> -> vector<256x1024xf32>
      %get3A_16 = arith.constant 0 : index
      %get3A_17 = arith.constant 0 : index
      %get3A_18 = arith.constant 0 : index
      %get3A_19 = vector.load %arg4[%get3A_16, %get3A_17, %get3A_18] : memref<1x1024x1024xf32, #tpu.memory_space<vmem>>, vector<1x1024x1024xf32>
      %get3A_20 = vector.shape_cast %get3A_19 : vector<1x1024x1024xf32> to vector<1024x1024xf32>
      %dot_general3A_21 = arith.constant dense<0.000000e+00> : vector<256x1024xf32>
      %dot_general3A_22 = tpu.matmul %select_n3A, %get3A_20, %dot_general3A_21 {dimension_numbers = #tpu.dot_dimension_numbers<[1], [0], [0], [1], [0, 0, 1, 1], [], []>, transpose_lhs_hint = false} : vector<256x1024xf32>, vector<1024x1024xf32>, vector<256x1024xf32> -> vector<256x1024xf32>
      %logistic3A = arith.negf %dot_general3A_15 : vector<256x1024xf32>
      %logistic3A_23 = math.exp %logistic3A : vector<256x1024xf32>
      %logistic3A_24 = arith.constant 1.000000e+00 : f32
      %logistic3A_25 = vector.broadcast %logistic3A_24 : f32 to vector<256x1024xf32>
      %logistic3A_26 = arith.addf %logistic3A_25, %logistic3A_23 : vector<256x1024xf32>
      %logistic3A_27 = arith.divf %logistic3A_25, %logistic3A_26 : vector<256x1024xf32>
      %mul3A = arith.mulf %dot_general3A_15, %logistic3A_27 : vector<256x1024xf32>
      %mul3A_28 = arith.mulf %mul3A, %dot_general3A_22 : vector<256x1024xf32>
      %get3A_29 = arith.constant 0 : index
      %get3A_30 = arith.constant 0 : index
      %get3A_31 = arith.constant 0 : index
      %get3A_32 = vector.load %arg5[%get3A_29, %get3A_30, %get3A_31] : memref<1x1024x1024xf32, #tpu.memory_space<vmem>>, vector<1x1024x1024xf32>
      %get3A_33 = vector.shape_cast %get3A_32 : vector<1x1024x1024xf32> to vector<1024x1024xf32>
      %dot_general3A_34 = arith.constant dense<0.000000e+00> : vector<256x1024xf32>
      %dot_general3A_35 = tpu.matmul %mul3A_28, %get3A_33, %dot_general3A_34 {dimension_numbers = #tpu.dot_dimension_numbers<[1], [0], [0], [1], [0, 0, 1, 1], [], []>, transpose_lhs_hint = false} : vector<256x1024xf32>, vector<1024x1024xf32>, vector<256x1024xf32> -> vector<256x1024xf32>
      %swap3A = arith.constant 0 : index
      %swap3A_36 = arith.constant 0 : index
      %swap3A_37 = vector.load %arg6[%swap3A, %swap3A_36] : memref<256x1024xf32, #tpu.memory_space<vmem>>, vector<256x1024xf32>
      tpu.vector_store %arg6[%swap3A, %swap3A_36], %dot_general3A_35 {strides = array<i32>} : memref<256x1024xf32, #tpu.memory_space<vmem>>, vector<256x1024xf32>,
    } else {
    }
    return
  }
  func.func @transform_0(%arg0: i32, %arg1: memref<3x16xi32, #tpu.memory_space<smem>>) -> (i32, i32) {
    %get3A = arith.constant 0 : index
    %get3A_0 = arith.index_cast %arg0 : i32 to index
    %get3A_1 = memref.load %arg1[%get3A, %get3A_0] : memref<3x16xi32, #tpu.memory_space<smem>>
    %c0_i32 = arith.constant 0 : i32
    %c0_i32_2 = arith.constant 0 : i32
    return %get3A_1, %c0_i32 : i32, i32
  }
  func.func @transform_1(%arg0: i32, %arg1: memref<3x16xi32, #tpu.memory_space<smem>>) -> (i32, i32, i32) {
    %get3A = arith.constant 1 : index
    %get3A_0 = arith.index_cast %arg0 : i32 to index
    %get3A_1 = memref.load %arg1[%get3A, %get3A_0] : memref<3x16xi32, #tpu.memory_space<smem>>
    %c0_i32 = arith.constant 0 : i32
    %c0_i32_2 = arith.constant 0 : i32
    %c0_i32_3 = arith.constant 0 : i32
    return %get3A_1, %c0_i32, %c0_i32_2 : i32, i32, i32
  }
  func.func @transform_2(%arg0: i32, %arg1: memref<3x16xi32, #tpu.memory_space<smem>>) -> (i32, i32, i32) {
    %get3A = arith.constant 1 : index
    %get3A_0 = arith.index_cast %arg0 : i32 to index
    %get3A_1 = memref.load %arg1[%get3A, %get3A_0] : memref<3x16xi32, #tpu.memory_space<smem>>
    %c0_i32 = arith.constant 0 : i32
    %c0_i32_2 = arith.constant 0 : i32
    %c0_i32_3 = arith.constant 0 : i32
    return %get3A_1, %c0_i32, %c0_i32_2 : i32, i32, i32
  }
  func.func @transform_3(%arg0: i32, %arg1: memref<3x16xi32, #tpu.memory_space<smem>>) -> (i32, i32, i32) {
    %get3A = arith.constant 1 : index
    %get3A_0 = arith.index_cast %arg0 : i32 to index
    %get3A_1 = memref.load %arg1[%get3A, %get3A_0] : memref<3x16xi32, #tpu.memory_space<smem>>
    %c0_i32 = arith.constant 0 : i32
    %c0_i32_2 = arith.constant 0 : i32
    %c0_i32_3 = arith.constant 0 : i32
    return %get3A_1, %c0_i32, %c0_i32_2 : i32, i32, i32
  }
  func.func @transform_4(%arg0: i32, %arg1: memref<3x16xi32, #tpu.memory_space<smem>>) -> (i32, i32) {
    %get3A = arith.constant 0 : index
    %get3A_0 = arith.index_cast %arg0 : i32 to index
    %get3A_1 = memref.load %arg1[%get3A, %get3A_0] : memref<3x16xi32, #tpu.memory_space<smem>>
    %c0_i32 = arith.constant 0 : i32
    %c0_i32_2 = arith.constant 0 : i32
    return %get3A_1, %c0_i32 : i32, i32
  }
}

module attributes {stable_mosaic.version = 14 : i64} {
  func.func @kern(%arg0: memref<1024x2xi32, #tpu.memory_space<vmem>>, %arg1: memref<1024x2xf32, #tpu.memory_space<vmem>>, %arg2: memref<2x1024xi32, #tpu.memory_space<vmem>>, %arg3: memref<3x16xi32, #tpu.memory_space<vmem>>, %arg4: memref<1024x32xf32, #tpu.memory_space<vmem>>) attributes {dimension_semantics = [], scalar_prefetch = 0 : i64, scratch_operands = 0 : i64, tpu.core_type = #tpu.core_type<tc>} {
    %get3A = arith.constant 0 : index
    %get3A_0 = arith.constant 0 : index
    %get3A_1 = vector.load %arg1[%get3A, %get3A_0] : memref<1024x2xf32, #tpu.memory_space<vmem>>, vector<1024x2xf32>
    %slice3A = vector.extract_strided_slice %get3A_1 {offsets = [0, 0], sizes = [1024, 1], strides = [1, 1]} : vector<1024x2xf32> to vector<1024x1xf32>
    %broadcast_in_dim3A = vector.shape_cast %slice3A : vector<1024x1xf32> to vector<1024x1xf32>
    %broadcast_in_dim3A_2 = vector.broadcast %broadcast_in_dim3A : vector<1024x1xf32> to vector<1024x16xf32>
    %slice3A_3 = vector.extract_strided_slice %get3A_1 {offsets = [0, 1], sizes = [1024, 1], strides = [1, 1]} : vector<1024x2xf32> to vector<1024x1xf32>
    %broadcast_in_dim3A_4 = vector.shape_cast %slice3A_3 : vector<1024x1xf32> to vector<1024x1xf32>
    %broadcast_in_dim3A_5 = vector.broadcast %broadcast_in_dim3A_4 : vector<1024x1xf32> to vector<1024x16xf32>
    %concatenate3A = tpu.concatenate %broadcast_in_dim3A_2, %broadcast_in_dim3A_5 in 1 : vector<1024x16xf32>, vector<1024x16xf32> -> vector<1024x32xf32>
    %swap3A = arith.constant 0 : index
    %swap3A_6 = arith.constant 0 : index
    %swap3A_7 = vector.load %arg4[%swap3A, %swap3A_6] : memref<1024x32xf32, #tpu.memory_space<vmem>>, vector<1024x32xf32>
    tpu.vector_store %arg4[%swap3A, %swap3A_6], %concatenate3A {strides = array<i32>} : memref<1024x32xf32, #tpu.memory_space<vmem>>, vector<1024x32xf32>,
    %get3A_8 = arith.constant 0 : index
    %get3A_9 = arith.constant 0 : index
    %get3A_10 = vector.load %arg0[%get3A_8, %get3A_9] : memref<1024x2xi32, #tpu.memory_space<vmem>>, vector<1024x2xi32>
    %convert_element_type3A = arith.sitofp %get3A_10 : vector<1024x2xi32> to vector<1024x2xbf16>
    %iota3A = tpu.iota {dimensions = array<i32: 0>} : vector<1024x1024xi32>
    %iota3A_11 = tpu.iota {dimensions = array<i32: 1>} : vector<1024x1024xi32>
    %eq3A = arith.cmpi eq, %iota3A, %iota3A_11 : vector<1024x1024xi32>
    %convert_element_type3A_12 = arith.extui %eq3A : vector<1024x1024xi1> to vector<1024x1024xi32>
    %convert_element_type3A_13 = arith.sitofp %convert_element_type3A_12 : vector<1024x1024xi32> to vector<1024x1024xf32>
    %convert_element_type3A_14 = arith.truncf %convert_element_type3A_13 : vector<1024x1024xf32> to vector<1024x1024xbf16>
    %lt3A = arith.cmpi slt, %iota3A, %iota3A_11 : vector<1024x1024xi32>
    %convert_element_type3A_15 = arith.extui %lt3A : vector<1024x1024xi1> to vector<1024x1024xi32>
    %convert_element_type3A_16 = arith.sitofp %convert_element_type3A_15 : vector<1024x1024xi32> to vector<1024x1024xf32>
    %convert_element_type3A_17 = arith.truncf %convert_element_type3A_16 : vector<1024x1024xf32> to vector<1024x1024xbf16>
    %dot_general3A = arith.constant dense<0.000000e+00> : vector<2x1024xf32>
    %dot_general3A_18 = tpu.matmul %convert_element_type3A, %convert_element_type3A_14, %dot_general3A {dimension_numbers = #tpu.dot_dimension_numbers<[0], [0], [1], [1], [0, 1, 1, 1], [], []>, transpose_lhs_hint = false} : vector<1024x2xbf16>, vector<1024x1024xbf16>, vector<2x1024xf32> -> vector<2x1024xf32>
    %slice3A_19 = vector.extract_strided_slice %dot_general3A_18 {offsets = [0, 0], sizes = [1, 1024], strides = [1, 1]} : vector<2x1024xf32> to vector<1x1024xf32>
    %slice3A_20 = vector.extract_strided_slice %dot_general3A_18 {offsets = [1, 0], sizes = [1, 1024], strides = [1, 1]} : vector<2x1024xf32> to vector<1x1024xf32>
    %iota3A_21 = tpu.iota {dimensions = array<i32: 0>} : vector<8x1024xi32>
    %convert_element_type3A_22 = arith.sitofp %iota3A_21 : vector<8x1024xi32> to vector<8x1024xf32>
    %eq3A_23 = vector.broadcast %slice3A_19 : vector<1x1024xf32> to vector<8x1024xf32>
    %eq3A_24 = arith.cmpf oeq, %convert_element_type3A_22, %eq3A_23 : vector<8x1024xf32>
    %convert_element_type3A_25 = arith.extui %eq3A_24 : vector<8x1024xi1> to vector<8x1024xi32>
    %convert_element_type3A_26 = arith.sitofp %convert_element_type3A_25 : vector<8x1024xi32> to vector<8x1024xf32>
    %convert_element_type3A_27 = arith.truncf %convert_element_type3A_26 : vector<8x1024xf32> to vector<8x1024xbf16>
    %eq3A_28 = vector.broadcast %slice3A_20 : vector<1x1024xf32> to vector<8x1024xf32>
    %eq3A_29 = arith.cmpf oeq, %convert_element_type3A_22, %eq3A_28 : vector<8x1024xf32>
    %convert_element_type3A_30 = arith.extui %eq3A_29 : vector<8x1024xi1> to vector<8x1024xi32>
    %convert_element_type3A_31 = arith.sitofp %convert_element_type3A_30 : vector<8x1024xi32> to vector<8x1024xf32>
    %convert_element_type3A_32 = arith.truncf %convert_element_type3A_31 : vector<8x1024xf32> to vector<8x1024xbf16>
    %add3A = arith.addf %convert_element_type3A_27, %convert_element_type3A_32 : vector<8x1024xbf16>
    %dot_general3A_33 = arith.constant dense<0.000000e+00> : vector<8x1024xf32>
    %dot_general3A_34 = tpu.matmul %add3A, %convert_element_type3A_17, %dot_general3A_33 {dimension_numbers = #tpu.dot_dimension_numbers<[1], [0], [0], [1], [0, 0, 1, 1], [], []>, transpose_lhs_hint = false} : vector<8x1024xbf16>, vector<1024x1024xbf16>, vector<8x1024xf32> -> vector<8x1024xf32>
    %convert_element_type3A_35 = arith.extf %add3A : vector<8x1024xbf16> to vector<8x1024xf32>
    %reduce_sum3A = arith.constant dense<0.000000e+00> : vector<8xf32>
    %reduce_sum3A_36 = vector.multi_reduction <add>, %convert_element_type3A_35, %reduce_sum3A [1] : vector<8x1024xf32> to vector<8xf32>
    %broadcast_in_dim3A_37 = vector.shape_cast %reduce_sum3A_36 : vector<8xf32> to vector<8x1xf32>
    %add3A_38 = arith.constant 2.550000e+02 : f32
    %add3A_39 = vector.broadcast %add3A_38 : f32 to vector<8x1xf32>
    %add3A_40 = arith.addf %broadcast_in_dim3A_37, %add3A_39 : vector<8x1xf32>
    %mul3A = arith.constant 3.906250e-03 : f32
    %mul3A_41 = vector.broadcast %mul3A : f32 to vector<8x1xf32>
    %mul3A_42 = arith.mulf %add3A_40, %mul3A_41 : vector<8x1xf32>
    %floor3A = math.floor %mul3A_42 : vector<8x1xf32>
    %mul3A_43 = arith.constant 2.560000e+02 : f32
    %mul3A_44 = vector.broadcast %mul3A_43 : f32 to vector<8x1xf32>
    %mul3A_45 = arith.mulf %floor3A, %mul3A_44 : vector<8x1xf32>
    %iota3A_46 = tpu.iota {dimensions = array<i32: 0>} : vector<8x8xi32>
    %iota3A_47 = tpu.iota {dimensions = array<i32: 1>} : vector<8x8xi32>
    %lt3A_48 = arith.cmpi slt, %iota3A_46, %iota3A_47 : vector<8x8xi32>
    %convert_element_type3A_49 = arith.extui %lt3A_48 : vector<8x8xi1> to vector<8x8xi32>
    %convert_element_type3A_50 = arith.sitofp %convert_element_type3A_49 : vector<8x8xi32> to vector<8x8xf32>
    %le3A = arith.cmpi sle, %iota3A_46, %iota3A_47 : vector<8x8xi32>
    %convert_element_type3A_51 = arith.extui %le3A : vector<8x8xi1> to vector<8x8xi32>
    %convert_element_type3A_52 = arith.sitofp %convert_element_type3A_51 : vector<8x8xi32> to vector<8x8xf32>
    %dot_general3A_53 = arith.constant dense<0.000000e+00> : vector<8x1xf32>
    %dot_general3A_54 = tpu.matmul %convert_element_type3A_50, %mul3A_45, %dot_general3A_53 {dimension_numbers = #tpu.dot_dimension_numbers<[0], [0], [1], [1], [0, 1, 1, 1], [], []>, transpose_lhs_hint = false} : vector<8x8xf32>, vector<8x1xf32>, vector<8x1xf32> -> vector<8x1xf32>
    %dot_general3A_55 = arith.constant dense<0.000000e+00> : vector<8x1xf32>
    %dot_general3A_56 = tpu.matmul %convert_element_type3A_52, %floor3A, %dot_general3A_55 {dimension_numbers = #tpu.dot_dimension_numbers<[0], [0], [1], [1], [0, 1, 1, 1], [], []>, transpose_lhs_hint = false} : vector<8x8xf32>, vector<8x1xf32>, vector<8x1xf32> -> vector<8x1xf32>
    %convert_element_type3A_57 = arith.extf %convert_element_type3A_27 : vector<8x1024xbf16> to vector<8x1024xf32>
    %mul3A_58 = vector.broadcast %dot_general3A_54 : vector<8x1xf32> to vector<8x1024xf32>
    %mul3A_59 = arith.mulf %convert_element_type3A_57, %mul3A_58 : vector<8x1024xf32>
    %reduce_sum3A_60 = arith.constant dense<0.000000e+00> : vector<1024xf32>
    %reduce_sum3A_61 = vector.multi_reduction <add>, %mul3A_59, %reduce_sum3A_60 [0] : vector<8x1024xf32> to vector<1024xf32>
    %broadcast_in_dim3A_62 = vector.shape_cast %reduce_sum3A_61 : vector<1024xf32> to vector<1x1024xf32>
    %convert_element_type3A_63 = arith.extf %convert_element_type3A_32 : vector<8x1024xbf16> to vector<8x1024xf32>
    %mul3A_64 = vector.broadcast %dot_general3A_54 : vector<8x1xf32> to vector<8x1024xf32>
    %mul3A_65 = arith.mulf %convert_element_type3A_63, %mul3A_64 : vector<8x1024xf32>
    %reduce_sum3A_66 = arith.constant dense<0.000000e+00> : vector<1024xf32>
    %reduce_sum3A_67 = vector.multi_reduction <add>, %mul3A_65, %reduce_sum3A_66 [0] : vector<8x1024xf32> to vector<1024xf32>
    %broadcast_in_dim3A_68 = vector.shape_cast %reduce_sum3A_67 : vector<1024xf32> to vector<1x1024xf32>
    %convert_element_type3A_69 = arith.extf %convert_element_type3A_27 : vector<8x1024xbf16> to vector<8x1024xf32>
    %mul3A_70 = arith.mulf %convert_element_type3A_69, %dot_general3A_34 : vector<8x1024xf32>
    %reduce_sum3A_71 = arith.constant dense<0.000000e+00> : vector<1024xf32>
    %reduce_sum3A_72 = vector.multi_reduction <add>, %mul3A_70, %reduce_sum3A_71 [0] : vector<8x1024xf32> to vector<1024xf32>
    %broadcast_in_dim3A_73 = vector.shape_cast %reduce_sum3A_72 : vector<1024xf32> to vector<1x1024xf32>
    %convert_element_type3A_74 = arith.extf %convert_element_type3A_32 : vector<8x1024xbf16> to vector<8x1024xf32>
    %mul3A_75 = arith.mulf %convert_element_type3A_74, %dot_general3A_34 : vector<8x1024xf32>
    %reduce_sum3A_76 = arith.constant dense<0.000000e+00> : vector<1024xf32>
    %reduce_sum3A_77 = vector.multi_reduction <add>, %mul3A_75, %reduce_sum3A_76 [0] : vector<8x1024xf32> to vector<1024xf32>
    %broadcast_in_dim3A_78 = vector.shape_cast %reduce_sum3A_77 : vector<1024xf32> to vector<1x1024xf32>
    %eq3A_79 = arith.cmpf oeq, %slice3A_19, %slice3A_20 : vector<1x1024xf32>
    %convert_element_type3A_80 = arith.extui %eq3A_79 : vector<1x1024xi1> to vector<1x1024xi32>
    %convert_element_type3A_81 = arith.sitofp %convert_element_type3A_80 : vector<1x1024xi32> to vector<1x1024xf32>
    %add3A_82 = arith.addf %broadcast_in_dim3A_62, %broadcast_in_dim3A_73 : vector<1x1024xf32>
    %add3A_83 = arith.addf %broadcast_in_dim3A_68, %broadcast_in_dim3A_78 : vector<1x1024xf32>
    %add3A_84 = arith.addf %add3A_83, %convert_element_type3A_81 : vector<1x1024xf32>
    %concatenate3A_85 = tpu.concatenate %add3A_82, %add3A_84 in 0 : vector<1x1024xf32>, vector<1x1024xf32> -> vector<2x1024xf32>
    %convert_element_type3A_86 = arith.fptosi %concatenate3A_85 : vector<2x1024xf32> to vector<2x1024xi32>
    %swap3A_87 = arith.constant 0 : index
    %swap3A_88 = arith.constant 0 : index
    %swap3A_89 = vector.load %arg2[%swap3A_87, %swap3A_88] : memref<2x1024xi32, #tpu.memory_space<vmem>>, vector<2x1024xi32>
    tpu.vector_store %arg2[%swap3A_87, %swap3A_88], %convert_element_type3A_86 {strides = array<i32>} : memref<2x1024xi32, #tpu.memory_space<vmem>>, vector<2x1024xi32>,
    %slice3A_90 = vector.extract_strided_slice %dot_general3A_56 {offsets = [7, 0], sizes = [1, 1], strides = [1, 1]} : vector<8x1xf32> to vector<1x1xf32>
    %squeeze3A = vector.extract %slice3A_90[0, 0] : f32 from vector<1x1xf32>
    %iota3A_91 = tpu.iota {dimensions = array<i32: 1>} : vector<1x16xi32>
    %convert_element_type3A_92 = arith.sitofp %iota3A_91 : vector<1x16xi32> to vector<1x16xf32>
    %sub3A = arith.constant 1.000000e+00 : f32
    %sub3A_93 = arith.subf %squeeze3A, %sub3A : f32
    %min3A = vector.broadcast %sub3A_93 : f32 to vector<1x16xf32>
    %min3A_94 = arith.minimumf %convert_element_type3A_92, %min3A : vector<1x16xf32>
    %le3A_95 = vector.broadcast %dot_general3A_56 : vector<8x1xf32> to vector<8x16xf32>
    %le3A_96 = vector.broadcast %min3A_94 : vector<1x16xf32> to vector<8x16xf32>
    %le3A_97 = arith.cmpf ole, %le3A_95, %le3A_96 : vector<8x16xf32>
    %convert_element_type3A_98 = arith.extui %le3A_97 : vector<8x16xi1> to vector<8x16xi32>
    %convert_element_type3A_99 = arith.sitofp %convert_element_type3A_98 : vector<8x16xi32> to vector<8x16xf32>
    %reduce_sum3A_100 = arith.constant dense<0.000000e+00> : vector<16xf32>
    %reduce_sum3A_101 = vector.multi_reduction <add>, %convert_element_type3A_99, %reduce_sum3A_100 [0] : vector<8x16xf32> to vector<16xf32>
    %broadcast_in_dim3A_102 = vector.shape_cast %reduce_sum3A_101 : vector<16xf32> to vector<1x16xf32>
    %iota3A_103 = tpu.iota {dimensions = array<i32: 0>} : vector<8x16xi32>
    %convert_element_type3A_104 = arith.sitofp %iota3A_103 : vector<8x16xi32> to vector<8x16xf32>
    %eq3A_105 = vector.broadcast %broadcast_in_dim3A_102 : vector<1x16xf32> to vector<8x16xf32>
    %eq3A_106 = arith.cmpf oeq, %convert_element_type3A_104, %eq3A_105 : vector<8x16xf32>
    %convert_element_type3A_107 = arith.extui %eq3A_106 : vector<8x16xi1> to vector<8x16xi32>
    %convert_element_type3A_108 = arith.sitofp %convert_element_type3A_107 : vector<8x16xi32> to vector<8x16xf32>
    %mul3A_109 = vector.broadcast %floor3A : vector<8x1xf32> to vector<8x16xf32>
    %mul3A_110 = arith.mulf %convert_element_type3A_108, %mul3A_109 : vector<8x16xf32>
    %reduce_sum3A_111 = arith.constant dense<0.000000e+00> : vector<16xf32>
    %reduce_sum3A_112 = vector.multi_reduction <add>, %mul3A_110, %reduce_sum3A_111 [0] : vector<8x16xf32> to vector<16xf32>
    %broadcast_in_dim3A_113 = vector.shape_cast %reduce_sum3A_112 : vector<16xf32> to vector<1x16xf32>
    %mul3A_114 = vector.broadcast %dot_general3A_56 : vector<8x1xf32> to vector<8x16xf32>
    %mul3A_115 = arith.mulf %convert_element_type3A_108, %mul3A_114 : vector<8x16xf32>
    %reduce_sum3A_116 = arith.constant dense<0.000000e+00> : vector<16xf32>
    %reduce_sum3A_117 = vector.multi_reduction <add>, %mul3A_115, %reduce_sum3A_116 [0] : vector<8x16xf32> to vector<16xf32>
    %broadcast_in_dim3A_118 = vector.shape_cast %reduce_sum3A_117 : vector<16xf32> to vector<1x16xf32>
    %mul3A_119 = vector.broadcast %dot_general3A_54 : vector<8x1xf32> to vector<8x16xf32>
    %mul3A_120 = arith.mulf %convert_element_type3A_108, %mul3A_119 : vector<8x16xf32>
    %reduce_sum3A_121 = arith.constant dense<0.000000e+00> : vector<16xf32>
    %reduce_sum3A_122 = vector.multi_reduction <add>, %mul3A_120, %reduce_sum3A_121 [0] : vector<8x16xf32> to vector<16xf32>
    %broadcast_in_dim3A_123 = vector.shape_cast %reduce_sum3A_122 : vector<16xf32> to vector<1x16xf32>
    %mul3A_124 = vector.broadcast %broadcast_in_dim3A_37 : vector<8x1xf32> to vector<8x16xf32>
    %mul3A_125 = arith.mulf %convert_element_type3A_108, %mul3A_124 : vector<8x16xf32>
    %reduce_sum3A_126 = arith.constant dense<0.000000e+00> : vector<16xf32>
    %reduce_sum3A_127 = vector.multi_reduction <add>, %mul3A_125, %reduce_sum3A_126 [0] : vector<8x16xf32> to vector<16xf32>
    %broadcast_in_dim3A_128 = vector.shape_cast %reduce_sum3A_127 : vector<16xf32> to vector<1x16xf32>
    %sub3A_129 = arith.subf %broadcast_in_dim3A_118, %broadcast_in_dim3A_113 : vector<1x16xf32>
    %sub3A_130 = arith.subf %min3A_94, %sub3A_129 : vector<1x16xf32>
    %mul3A_131 = arith.constant 3.906250e-03 : f32
    %mul3A_132 = vector.broadcast %mul3A_131 : f32 to vector<1x16xf32>
    %mul3A_133 = arith.mulf %broadcast_in_dim3A_123, %mul3A_132 : vector<1x16xf32>
    %add3A_134 = arith.addf %mul3A_133, %sub3A_130 : vector<1x16xf32>
    %mul3A_135 = arith.constant 2.560000e+02 : f32
    %mul3A_136 = vector.broadcast %mul3A_135 : f32 to vector<1x16xf32>
    %mul3A_137 = arith.mulf %sub3A_130, %mul3A_136 : vector<1x16xf32>
    %sub3A_138 = arith.subf %broadcast_in_dim3A_128, %mul3A_137 : vector<1x16xf32>
    %jit3A = arith.constant 0.000000e+00 : f32
    %jit3A_139 = arith.constant 2.560000e+02 : f32
    %max3A = vector.broadcast %jit3A : f32 to vector<1x16xf32>
    %max3A_140 = arith.maximumf %max3A, %sub3A_138 : vector<1x16xf32>
    %min3A_141 = vector.broadcast %jit3A_139 : f32 to vector<1x16xf32>
    %min3A_142 = arith.minimumf %min3A_141, %max3A_140 : vector<1x16xf32>
    %lt3A_143 = vector.broadcast %squeeze3A : f32 to vector<1x16xf32>
    %lt3A_144 = arith.cmpf olt, %convert_element_type3A_92, %lt3A_143 : vector<1x16xf32>
    %jit3A_145 = arith.constant 0.000000e+00 : f32
    %broadcast_in_dim3A_146 = vector.broadcast %jit3A_145 : f32 to vector<1x16xf32>
    %select_n3A = arith.select %lt3A_144, %min3A_142, %broadcast_in_dim3A_146 : vector<1x16xi1>, vector<1x16xf32>
    %concatenate3A_147 = tpu.concatenate %add3A_134, %broadcast_in_dim3A_102, %select_n3A in 0 : vector<1x16xf32>, vector<1x16xf32>, vector<1x16xf32> -> vector<3x16xf32>
    %convert_element_type3A_148 = arith.fptosi %concatenate3A_147 : vector<3x16xf32> to vector<3x16xi32>
    %swap3A_149 = arith.constant 0 : index
    %swap3A_150 = arith.constant 0 : index
    %swap3A_151 = vector.load %arg3[%swap3A_149, %swap3A_150] : memref<3x16xi32, #tpu.memory_space<vmem>>, vector<3x16xi32>
    tpu.vector_store %arg3[%swap3A_149, %swap3A_150], %convert_element_type3A_148 {strides = array<i32>} : memref<3x16xi32, #tpu.memory_space<vmem>>, vector<3x16xi32>,
    return
  }
}

</mosaic_0001>

<sc_bundles>
// kernel: kernel.6.cloned.1.call-start
scs
__scs_entry_jumppad:
0x0: {  	(pc) =	sbr.rel $0x88, $3  }
0x1: {  	(tag) =	ssettag $0x0;
	lr =	simm.s32 $0x1  }
0x2: {  	[smem:$0x3F9B] =	sst lr;
	_ =	strace $0xD0000000  }
0x3: {  	_ = 	snop  }
0x4: {  	_ = 	snop  }
0x5: {  	_ = 	snop  }
0x6: {  	_ = 	snop  }
0x7: {  	_ = 	snop  }
__scs_overlays_trampoline_lowered:
0x8: {  	[smem:$0x3FAA] =	sst s0  }
0x9: {  	[smem:$0x3FAB] =	sst s1  }
0xa: {  	[smem:$0x3FAC] =	sst s2  }
0xb: {  	[smem:$0x3FAD] =	sst s3  }
0xc: {  	[smem:$0x3FAE] =	sst s4  }
0xd: {  	[smem:$0x3FAF] =	sst s5  }
0xe: {  	[smem:$0x3FB0] =	sst s6  }
0xf: {  	[smem:$0x3FB1] =	sst s7  }
0x10: {  	[smem:$0x3FB2] =	sst s8  }
0x11: {  	[smem:$0x3FB3] =	sst s9;
	s0 =	simm.s32 @!p0 $0x0  }
0x12: {  	s1 =	sld [smem:$0x3F99];
	s0 =	simm.s32 @p0 $0x1  }
0x13: {  	[smem:$0x3FB4] =	sst s0;
	s0 =	simm.s32 @!p1 $0x0  }
0x14: {  	s2 =	sld [smem:$0x3F98];
	s0 =	simm.s32 @p1 $0x1  }
0x15: {  	[smem:$0x3FB5] =	sst s0;
	s0 =	simm.s32 @!p2 $0x0  }
0x16: {  	s3 =	sld [smem:$0x3FDB];
	s0 =	simm.s32 @p2 $0x1  }
0x17: {  	s4 =	simm.s32 $0x1BF5;
	[smem:$0x3FB7] =	sst s0  }
0x18: {  	s0 =	sld [smem:$0x3F9A];
	_ =	swait.ge [sflag:s4], $0x0  }
0x19: {  	s7 =	sld [smem:$0x3F9B]  }
0x1a: {  	s8 =	sadd.s32 $0xFFFFE003, lr  }
0x1b: {  	s9 =	sadd.s32 $0xFFFFFEF7, lr;
	s5 =	simm.s32 $0xFFFFFFFF;
	p2 =	slt.u32 s8, $0xFFFFF086  }
0x1c: {  	p1 =	slt.u32 s9, $0xF7A;
	s5 =	simm.s32 @!p2 $0x0  }
0x1d: {  	s5 =	simm.s32 @p1 $0x1;
	p0 =	seq.s32 s7, s2  }
0x1e: {  	s7 =	smul.u32 @!p0 $0xF7A, s2;
	p2 =	seq.s32 @!p0 s5, $0x0  }
0x1f: {  	s9 =	smul.u32 $0xF7A, s1;
	s8 =	simm.s32 @!p0 $0x1BF5;
	p2 =	por !p2, p0  }
0x20: {  	[sflag:s8] =	ssyncset.s32 @!p0 $0xFFFFF086;
	s6 =	sadd.s32 @!p0 s3, s7;
	s7 =	simm.s32 @!p0 $0x108  }
0x21: {  	s3 =	sadd.s32 s3, s9;
	s6 =	sadd.s32 @!p0 $0x88, s6;
	s7 =	simm.s32 @p2 $0x1082  }
0x22: {  	[simem:s7], [sflag:s8] =	dma.local @!p0 [hbm:s6], $0xF7A  }
0x23: {  	s9 =	sor.u32 $0xD0000000, s2;
	s6 =	simm.s32 $0x108;
	_ =	swait.ge @!p0 [sflag:s8], $0x0  }
0x24: {  	s3 =	sadd.s32 $0x88, s3;
	s6 =	simm.s32 @!p1 $0x1082;
	[sflag:s4] =	ssyncset.s32 $0xFFFFF086  }
0x25: {  	[simem:s6], [sflag:s4] =	dma.local [hbm:s3], $0xF7A  }
0x26: {  	[smem:$0x3F9B] =	sst s1;
	(tag) =	ssettag s2;
	_ =	strace s9  }
0x27: {  	s1 =	sld [smem:$0x3FAB]  }
0x28: {  	s2 =	sld [smem:$0x3FAC]  }
0x29: {  	s4 =	sld [smem:$0x3FAE]  }
0x2a: {  	p0 =	seq.s32 s5, $0x0;
	s5 =	sld [smem:$0x3FAF]  }
0x2b: {  	s6 =	sld [smem:$0x3FB0]  }
0x2c: {  	s7 =	sld [smem:$0x3FB1]  }
0x2d: {  	s3 =	simm.s32 $0x108;
	s8 =	sld [smem:$0x3FB2]  }
0x2e: {  	s3 =	simm.s32 @!p0 $0x1082;
	s9 =	sld [smem:$0x3FB3]  }
0x2f: {  	lr =	sadd.s32 s0, s3;
	s0 =	sld [smem:$0x3FAA]  }
0x30: {  	s3 =	sld [smem:$0x3FAD]  }
0x31: {  	[smem:$0x3FB6] =	sst s10  }
0x32: {  	s10 =	sld [smem:$0x3FB4];
	_ =	sdelay $0x3  }
0x33: {  	p0 =	seq.s32 s10, $0x1;
	s10 =	sld [smem:$0x3FB6];
	_ =	sdelay $0x3  }
0x34: {  	[smem:$0x3FB6] =	sst s10  }
0x35: {  	s10 =	sld [smem:$0x3FB5];
	_ =	sdelay $0x3  }
0x36: {  	p1 =	seq.s32 s10, $0x1;
	s10 =	sld [smem:$0x3FB6];
	_ =	sdelay $0x3  }
0x37: {  	[smem:$0x3FB6] =	sst s10  }
0x38: {  	s10 =	sld [smem:$0x3FB7]  }
0x39: {  	_ = 	snop;
	(pc) =	sbr.ind lr, $3  }
0x3a: {  	_ = 	snop  }
0x3b: {  	_ = 	snop  }
0x3c: {  	p2 =	seq.s32 s10, $0x1;
	s10 =	sld [smem:$0x3FB6]  }
0x3d: {  	_ =	shalt  }
0x3e: {  	_ =	shalt  }
0x3f: {  	_ =	shalt  }
0x40: {  	_ =	shalt  }
0x41: {  	_ =	shalt  }
0x42: {  	_ =	shalt  }
0x43: {  	_ =	shalt  }
0x44: {  	_ =	shalt  }
0x45: {  	_ =	shalt  }
0x46: {  	_ =	shalt  }
0x47: {  	_ =	shalt  }
0x48: {  	_ =	shalt  }
0x49: {  	_ =	shalt  }
0x4a: {  	_ =	shalt  }
0x4b: {  	_ =	shalt  }
0x4c: {  	_ =	shalt  }
0x4d: {  	_ =	shalt  }
0x4e: {  	_ =	shalt  }
0x4f: {  	_ =	shalt  }
0x50: {  	_ =	shalt  }
0x51: {  	_ =	shalt  }
0x52: {  	_ =	shalt  }
0x53: {  	_ =	shalt  }
0x54: {  	_ =	shalt  }
0x55: {  	_ =	shalt  }
0x56: {  	_ =	shalt  }
0x57: {  	_ =	shalt  }
0x58: {  	_ =	shalt  }
0x59: {  	_ =	shalt  }
0x5a: {  	_ =	shalt  }
0x5b: {  	_ =	shalt  }
0x5c: {  	_ =	shalt  }
0x5d: {  	_ =	shalt  }
0x5e: {  	_ =	shalt  }
0x5f: {  	_ =	shalt  }
0x60: {  	_ =	shalt  }
0x61: {  	_ =	shalt  }
0x62: {  	_ =	shalt  }
0x63: {  	_ =	shalt  }
0x64: {  	_ =	shalt  }
0x65: {  	_ =	shalt  }
0x66: {  	_ =	shalt  }
0x67: {  	_ =	shalt  }
0x68: {  	_ =	shalt  }
0x69: {  	_ =	shalt  }
0x6a: {  	_ =	shalt  }
0x6b: {  	_ =	shalt  }
0x6c: {  	_ =	shalt  }
0x6d: {  	_ =	shalt  }
0x6e: {  	_ =	shalt  }
0x6f: {  	_ =	shalt  }
0x70: {  	_ =	shalt  }
0x71: {  	_ =	shalt  }
0x72: {  	_ =	shalt  }
0x73: {  	_ =	shalt  }
0x74: {  	_ =	shalt  }
0x75: {  	_ =	shalt  }
0x76: {  	_ =	shalt  }
0x77: {  	_ =	shalt  }
0x78: {  	_ =	shalt  }
0x79: {  	_ =	shalt  }
0x7a: {  	_ =	shalt  }
0x7b: {  	_ =	shalt  }
0x7c: {  	_ =	shalt  }
0x7d: {  	_ =	shalt  }
0x7e: {  	_ =	shalt  }
0x7f: {  	_ =	shalt  }
0x80: {  	_ =	shalt  }
0x81: {  	_ =	shalt  }
0x82: {  	_ =	shalt  }
0x83: {  	_ =	shalt  }
0x84: {  	_ =	shalt  }
0x85: {  	_ =	shalt  }
0x86: {  	_ =	shalt  }
0x87: {  	_ =	shalt  }
.Lfunc_end0:
.L_simem_size_0:
called_computation_lowered:
.L_overlay_start_0:
0x88: {  	s2 =	sld [smem:$0x3FD9]  }
0x89: {  	s3 =	sld [smem:$0x3FFE];
	_ =	sdelay $0x1  }
0x8a: {  	s1 =	srdreg.scid  }
0x8b: {  	s0 =	sand.u32 $0x1, s1  }
0x8c: {  	s17 =	sshll.u32 s0, $0xA;
	s2 =	sadd.s32 s3, s2  }
0x8d: {  	s2 =	sadd.s32 s2, s17  }
0x8e: {  	[smem:$0x3FC2] =	sst s2  }
0x8f: {  	_ = 	snop  }
0x90: {  	s2 =	sld [smem:$0x3FC9];
	(tm) =	ssettm $0x1  }
0x91: {  	s18 =	sld [smem:$0x3FFB];
	_ =	sdelay $0x3  }
0x92: {  	_ =	strace s18  }
0x93: {  	s3 =	sld [smem:$0x3FFC];
	_ =	sdelay $0x3  }
0x94: {  	_ =	strace s3  }
0x95: {  	s3 =	sld [smem:$0x3FFD];
	_ =	sdelay $0x3  }
0x96: {  	_ =	strace s3  }
0x97: {  	_ =	strace $0x8FFFFFFF  }
0x98: {  	s19 =	sld [smem:$0x3FDB];
	_ =	sdelay $0x1  }
0x99: {  	s4 =	simm.s32 $_scs_section_size  }
0x9a: {  	s5 =	simm.s32 $_size__tile_overlayer_lowered;
	s6 =	simm.s32 $_tile_overlayer_lowered  }
0x9b: {  	s22 =	simm.s32 $0x1BFF;
	s21 =	sshll.u32 s6, $0x1;
	s3 =	sadd.s32 s4, s19  }
0x9c: {  	s7 =	simm.s32 $0x0;
	s20 =	sshll.u32 s5, $0x1;
	s5 =	sadd.s32 s21, s3  }
0x9d: {  	[timem:s7], [sflag:s22] =	dma.local [hbm:s5], s20  }
0x9e: {  	_ =	swait.ge [sflag:s22], s20  }
0x9f: {  	s4 =	ssub.s32 $0x0, s20;
	[sflag:s22] =	ssyncset.done $0x0  }
0xa0: {  	[sflag:s22] =	ssyncadd.s32 s4;
	_ =	sdelay $0x1  }
0xa1: {  	s23 =	simm.s32 $0x1B8B  }
0xa2: {  	_ =	swait.ge [sflag:s23], $0x1  }
0xa3: {  	[sflag:s23] =	ssyncset.done $0x0  }
0xa4: {  	s25 =	simm.s32 $0x1B8E;
	s24 =	sld [smem:$0x3FFE];
	[sflag:s23] =	ssyncadd.s32 $0xFFFFFFFF  }
0xa5: {  	s26 =	simm.s32 $execute0_lowered;
	[smem:$0x3FD2] =	sst s25  }
0xa6: {  	s5 =	sshll.u32 s26, $0x1;
	_ =	strace $0x80000046;
	[dreg:$0x1] =	wrdreg $0xFFFFFFFF  }
0xa7: {  	s28 =	simm.s32 $_size_execute0_lowered;
	s3 =	sadd.s32 s3, s5;
	[dreg:$0x0] =	wrdreg $0x0  }
0xa8: {  	s5 =	sshll.u32 s28, $0x1;
	[dreg:$0x2] =	wrdreg s3  }
0xa9: {  	[dreg:$0x3] =	wrdreg s5  }
0xaa: {  	[dreg:$0x4] =	wrdreg $0xC0  }
0xab: {  	_ =	task [dreg:s7], $0x5FFFF  }
0xac: {  	[dreg:$0x1] =	wrdreg $0xFFFFFFFF  }
0xad: {  	[dreg:$0x0] =	wrdreg $0x60  }
0xae: {  	[dreg:$0x2] =	wrdreg s2  }
0xaf: {  	[dreg:$0x3] =	wrdreg s24  }
0xb0: {  	[dreg:$0x4] =	wrdreg $0x9  }
0xb1: {  	_ =	task.clear_ibuf [dreg:s7], $0x5FFFF;
	_ =	strace $0x90000046  }
0xb2: {  	s29 =	simm.s32 $0x9;
	_ =	strace $0x80000048  }
0xb3: {  	_ =	swait.ge [sflag:s29], $0x1  }
0xb4: {  	[sflag:s29] =	ssyncadd.s32 $0xFFFFFFFF  }
0xb5: {  	_ =	strace $0x90000048  }
0xb6: {  	_ =	sfence  }
0xb7: {  	s30 =	sld [smem:$0x0];
	_ =	sdelay $0x2  }
0xb8: {  	s31 =	sshll.u32 s1, $0xD;
	s1 =	sshrl.u32 s1, $0x2  }
0xb9: {  	s3 =	sand.u32 $0x4000, s31;
	s1 =	sadd.s32 s1, s30  }
0xba: {  	s0 =	sor.u32 s3, s0;
	s1 =	sshll.u32 s1, $0x11  }
0xbb: {  	s0 =	sor.u32 s1, s0  }
0xbc: {  	s0 =	sadd.s32 $0x8F2B, s0  }
0xbd: {  	[sflag:s0] =	ssyncadd.remote.s32 $0x1  }
0xbe: {  	_ =	sfence.sel $0xFFFF  }
0xbf: {  	[dreg:$0x0] =	wrdreg $0xFFFFFFFF;
	(pc) =	sbr.abs _section_cstart, $3  }
0xc0: {  	[dreg:$0x1] =	wrdreg $0xFFFFFFFF  }
0xc1: {  	_ =	task.clear_ibuf [dreg:s7], $0x2FFFF;
	_ =	strace $0x9FFFFFFF  }
0xc2: {  	(tm) =	ssettm $0x7FFFFFFF  }
0xc3: {  	_ =	shalt  }
tec
execute0_lowered:
.L_overlay_start_1:
0x0: {  	(tag) =	ssettag $0x1  }
0x1: {  	s1 =	srdreg.scid;
	s6 =	rddreg [dreg:$0x0]  }
0x2: {  	s0 =	stileid.u32;
	s9 =	rddreg [dreg:$0x1]  }
0x3: {  	s11 =	simm.s32 $0x2;
	s12 =	simm.s32 $0x80;
	s13 =	simm.s32 $0x100  }
0x4: {  	s14 =	simm.s32 $0x900;
	s15 =	simm.s32 $0x1100;
	s16 =	simm.s32 $0x1900  }
0x5: {  	s17 =	simm.s32 $0x2100;
	s18 =	simm.s32 $0x2900;
	s19 =	simm.s32 $0x3100  }
0x6: {  	s20 =	simm.s32 $0x3900;
	s21 =	simm.s32 $0x4100;
	s22 =	simm.s32 $0x4900  }
0x7: {  	s23 =	simm.s32 $0x5100;
	s28 =	simm.s32 $0x7100;
	s29 =	simm.s32 $0x7900  }
0x8: {  	s30 =	simm.s32 $0x1;
	s3 =	sand.u32 $0x1, s1;
	s2 =	sshll.u32 s0, $0x6  }
0x9: {  	s1 =	rddreg [dreg:$0x2];
	s24 =	sshll.u32 s0, $0x7;
	s4 =	sshll.u32 s3, $0x5  }
0xa: {  	s25 =	ssub.s32 $0x2, s3;
	s3 =	sadd.s32 $0x5200, s9;
	s7 =	sor.u32 s4, s2  }
0xb: {  	s2 =	simm.s32 $0x0;
	s4 =	sand.u32 $0x700, s24;
	s31 =	sshrl.u32 s25, $0x1  }
0xc: {  	s24 =	simm.s32 $0x5900;
	s5 =	sand.u32 $0x60, s7;
	[smem:$0x7FF] =	sst s2  }
0xd: {  	s10 =	ssub.s32 s25, s31;
	s7 =	sshll.u32 s7, $0x7;
	s4 =	sor.u32 s4, s5  }
0xe: {  	s25 =	simm.s32 $0x6100;
	_ =	strace $0x80000047;
	s26 =	sshrl.u32 s4, $0x3  }
0xf: {  	v2 =	vlaneseq.u32;
	s6 =	sadd.s32 s6, s7;
	s7 =	sadd.s32 $0x5300, s9;
	s8 =	sadd.s32 s26, s9  }
0x10: {  	vm0 =	vmmov $0xffff;
	v1 =	vshrl.u32 v2, $0x3;
	s10 =	smax.u32 s10, $0x1;
	s26 =	simm.s32 $0x6900;
	s4 =	sadd.s32 $0x1000, s8  }
0x11: {  	v0 =	vand.u32 $0x7, v2;
	v2 =	vor.u32 $0x8, v2;
	v1 =	vmul.u32 $0x8, v1;
	s5 =	sadd.s32 $0x1010, s8;
	s8 =	sadd.s32 $0x5400, s9;
	s9 =	sadd.s32 $0x5500, s9  }
.LBB2_1:
0x12: {  	[tilespmem:s2], [sflag:$0x2] =	stream.linear.gather [hbm4b:s4+s2], $0x20, $0x38;
	[tilespmem:$0x8100] =	vst v63  }
0x13: {  	_ =	swait.ge [sflag:s11], $0x20  }
0x14: {  	[sflag:s11] =	ssyncset.done $0x0  }
0x15: {  	[sflag:s11] =	ssyncadd.s32 $0xFFFFFFE0  }
0x16: {  	[tilespmem:s12], [sflag:$0x2] =	stream.linear.gather [hbm4b:s5+s2], $0x20, $0x38;
	[tilespmem:$0x8100] =	vst v63  }
0x17: {  	_ =	swait.ge [sflag:s11], $0x20  }
0x18: {  	[sflag:s11] =	ssyncset.done $0x0  }
0x19: {  	[sflag:s11] =	ssyncadd.s32 $0xFFFFFFE0  }
0x1a: {  	[tilespmem:s13], [sflag:$0x2] =	stream.linear.gather [hbm4b:s6+s2], $0x8000, $0x38;
	[tilespmem:$0x8100] =	vst v63  }
0x1b: {  	_ =	swait.ge [sflag:s11], $0x8000  }
0x1c: {  	[sflag:s11] =	ssyncset.done $0x0  }
0x1d: {  	[sflag:s11] =	ssyncadd.s32 $0xFFFF8000  }
0x1e: {  	v3 =	vld [tilespmem:$0x0];
	_ =	sdelay $0x4  }
0x1f: {  	v4 =	vshll.u32 v3, $0x3  }
0x20: {  	v3 =	vand.u32 $0x7, v3;
	v4 =	vand.u32 $0xFFFFFFC0, v4  }
0x21: {  	v3 =	vor.u32 v3, v4  }
0x22: {  	v4 =	vperm.xlane v3, v0;
	_ =	sdelay $0x1  }
0x23: {  	v4 =	vadd.s32 v1, v4;
	_ =	sdelay $0x4  }
0x24: {  	[hbm4b:s3+s2] =	stream.indirect_vreg.scatter [tilespmem:s13], [sflag:$0x1], $0x80, v4, vm0, $0xb8;
	[tilespmem:$0x8100] =	vst v63  }
0x25: {  	v3 =	vperm.xlane v3, v2  }
0x26: {  	[hbm4b:s7+s2] =	stream.indirect_vreg.scatter [tilespmem:s14], [sflag:$0x1], $0x80, v4, vm0, $0xb8;
	[tilespmem:$0x8100] =	vst v63  }
0x27: {  	v3 =	vadd.s32 v1, v3  }
0x28: {  	[hbm4b:s8+s2] =	stream.indirect_vreg.scatter [tilespmem:s15], [sflag:$0x1], $0x80, v4, vm0, $0xb8;
	[tilespmem:$0x8100] =	vst v63  }
0x29: {  	_ = 	snop  }
0x2a: {  	[hbm4b:s9+s2] =	stream.indirect_vreg.scatter [tilespmem:s16], [sflag:$0x1], $0x80, v4, vm0, $0xb8;
	[tilespmem:$0x8100] =	vst v63  }
0x2b: {  	_ = 	snop  }
0x2c: {  	[hbm4b:s3+s2] =	stream.indirect_vreg.scatter [tilespmem:s17], [sflag:$0x1], $0x80, v3, vm0, $0xb8;
	[tilespmem:$0x8100] =	vst v63  }
0x2d: {  	_ = 	snop  }
0x2e: {  	[hbm4b:s7+s2] =	stream.indirect_vreg.scatter [tilespmem:s18], [sflag:$0x1], $0x80, v3, vm0, $0xb8;
	[tilespmem:$0x8100] =	vst v63  }
0x2f: {  	_ = 	snop  }
0x30: {  	[hbm4b:s8+s2] =	stream.indirect_vreg.scatter [tilespmem:s19], [sflag:$0x1], $0x80, v3, vm0, $0xb8;
	[tilespmem:$0x8100] =	vst v63  }
0x31: {  	_ = 	snop  }
0x32: {  	[hbm4b:s9+s2] =	stream.indirect_vreg.scatter [tilespmem:s20], [sflag:$0x1], $0x80, v3, vm0, $0xb8;
	[tilespmem:$0x8100] =	vst v63  }
0x33: {  	v3 =	vld [tilespmem:$0x10];
	_ =	sdelay $0x4  }
0x34: {  	v61 =	vshll.u32 v3, $0x3  }
0x35: {  	v3 =	vand.u32 $0x7, v3;
	v4 =	vand.u32 $0xFFFFFFC0, v61  }
0x36: {  	v3 =	vor.u32 v3, v4  }
0x37: {  	v4 =	vperm.xlane v3, v0;
	_ =	sdelay $0x1  }
0x38: {  	v4 =	vadd.s32 v1, v4;
	_ =	sdelay $0x4  }
0x39: {  	[hbm4b:s3+s2] =	stream.indirect_vreg.scatter [tilespmem:s21], [sflag:$0x1], $0x80, v4, vm0, $0xb8;
	[tilespmem:$0x8100] =	vst v63  }
0x3a: {  	v3 =	vperm.xlane v3, v2  }
0x3b: {  	[hbm4b:s7+s2] =	stream.indirect_vreg.scatter [tilespmem:s22], [sflag:$0x1], $0x80, v4, vm0, $0xb8;
	[tilespmem:$0x8100] =	vst v63  }
0x3c: {  	v3 =	vadd.s32 v1, v3  }
0x3d: {  	[hbm4b:s8+s2] =	stream.indirect_vreg.scatter [tilespmem:s23], [sflag:$0x1], $0x80, v4, vm0, $0xb8;
	[tilespmem:$0x8100] =	vst v63  }
0x3e: {  	_ = 	snop  }
0x3f: {  	[hbm4b:s9+s2] =	stream.indirect_vreg.scatter [tilespmem:s24], [sflag:$0x1], $0x80, v4, vm0, $0xb8;
	[tilespmem:$0x8100] =	vst v63  }
0x40: {  	_ = 	snop  }
0x41: {  	[hbm4b:s3+s2] =	stream.indirect_vreg.scatter [tilespmem:s25], [sflag:$0x1], $0x80, v3, vm0, $0xb8;
	[tilespmem:$0x8100] =	vst v63  }
0x42: {  	_ = 	snop  }
0x43: {  	[hbm4b:s7+s2] =	stream.indirect_vreg.scatter [tilespmem:s26], [sflag:$0x1], $0x80, v3, vm0, $0xb8;
	[tilespmem:$0x8100] =	vst v63  }
0x44: {  	_ = 	snop  }
0x45: {  	[hbm4b:s8+s2] =	stream.indirect_vreg.scatter [tilespmem:s28], [sflag:$0x1], $0x80, v3, vm0, $0xb8;
	[tilespmem:$0x8100] =	vst v63  }
0x46: {  	_ = 	snop  }
0x47: {  	[hbm4b:s9+s2] =	stream.indirect_vreg.scatter [tilespmem:s29], [sflag:$0x1], $0x80, v3, vm0, $0xb8;
	[tilespmem:$0x8100] =	vst v63  }
0x48: {  	v3 =	vld [tilespmem:$0x80];
	_ =	sdelay $0x4  }
0x49: {  	v62 =	vshll.u32 v3, $0x3  }
0x4a: {  	v3 =	vand.u32 $0x7, v3;
	v4 =	vand.u32 $0xFFFFFFC0, v62  }
0x4b: {  	v3 =	vor.u32 v3, v4  }
0x4c: {  	v4 =	vperm.xlane v3, v0;
	_ =	sdelay $0x1  }
0x4d: {  	v4 =	vadd.s32 v1, v4;
	_ =	sdelay $0x4  }
0x4e: {  	[hbm4b:s3+s2] =	stream.indirect_vreg.scatter [tilespmem:s13], [sflag:$0x1], $0x80, v4, vm0, $0xb8;
	[tilespmem:$0x8100] =	vst v63  }
0x4f: {  	v3 =	vperm.xlane v3, v2  }
0x50: {  	[hbm4b:s7+s2] =	stream.indirect_vreg.scatter [tilespmem:s14], [sflag:$0x1], $0x80, v4, vm0, $0xb8;
	[tilespmem:$0x8100] =	vst v63  }
0x51: {  	v3 =	vadd.s32 v1, v3  }
0x52: {  	[hbm4b:s8+s2] =	stream.indirect_vreg.scatter [tilespmem:s15], [sflag:$0x1], $0x80, v4, vm0, $0xb8;
	[tilespmem:$0x8100] =	vst v63  }
0x53: {  	_ = 	snop  }
0x54: {  	[hbm4b:s9+s2] =	stream.indirect_vreg.scatter [tilespmem:s16], [sflag:$0x1], $0x80, v4, vm0, $0xb8;
	[tilespmem:$0x8100] =	vst v63  }
0x55: {  	_ = 	snop  }
0x56: {  	[hbm4b:s3+s2] =	stream.indirect_vreg.scatter [tilespmem:s17], [sflag:$0x1], $0x80, v3, vm0, $0xb8;
	[tilespmem:$0x8100] =	vst v63  }
0x57: {  	_ = 	snop  }
0x58: {  	[hbm4b:s7+s2] =	stream.indirect_vreg.scatter [tilespmem:s18], [sflag:$0x1], $0x80, v3, vm0, $0xb8;
	[tilespmem:$0x8100] =	vst v63  }
0x59: {  	_ = 	snop  }
0x5a: {  	[hbm4b:s8+s2] =	stream.indirect_vreg.scatter [tilespmem:s19], [sflag:$0x1], $0x80, v3, vm0, $0xb8;
	[tilespmem:$0x8100] =	vst v63  }
0x5b: {  	_ = 	snop  }
0x5c: {  	[hbm4b:s9+s2] =	stream.indirect_vreg.scatter [tilespmem:s20], [sflag:$0x1], $0x80, v3, vm0, $0xb8;
	[tilespmem:$0x8100] =	vst v63  }
0x5d: {  	v3 =	vld [tilespmem:$0x90];
	_ =	sdelay $0x4  }
0x5e: {  	v63 =	vshll.u32 v3, $0x3  }
0x5f: {  	v3 =	vand.u32 $0x7, v3;
	v4 =	vand.u32 $0xFFFFFFC0, v63  }
0x60: {  	v3 =	vor.u32 v3, v4  }
0x61: {  	v4 =	vperm.xlane v3, v0;
	_ =	sdelay $0x1  }
0x62: {  	v4 =	vadd.s32 v1, v4;
	_ =	sdelay $0x4  }
0x63: {  	[hbm4b:s3+s2] =	stream.indirect_vreg.scatter [tilespmem:s21], [sflag:$0x1], $0x80, v4, vm0, $0xb8;
	[tilespmem:$0x8100] =	vst v63  }
0x64: {  	v3 =	vperm.xlane v3, v2  }
0x65: {  	[hbm4b:s7+s2] =	stream.indirect_vreg.scatter [tilespmem:s22], [sflag:$0x1], $0x80, v4, vm0, $0xb8;
	[tilespmem:$0x8100] =	vst v63  }
0x66: {  	v3 =	vadd.s32 v1, v3  }
0x67: {  	[hbm4b:s8+s2] =	stream.indirect_vreg.scatter [tilespmem:s23], [sflag:$0x1], $0x80, v4, vm0, $0xb8;
	[tilespmem:$0x8100] =	vst v63  }
0x68: {  	_ = 	snop  }
0x69: {  	[hbm4b:s9+s2] =	stream.indirect_vreg.scatter [tilespmem:s24], [sflag:$0x1], $0x80, v4, vm0, $0xb8;
	[tilespmem:$0x8100] =	vst v63  }
0x6a: {  	_ = 	snop  }
0x6b: {  	[hbm4b:s3+s2] =	stream.indirect_vreg.scatter [tilespmem:s25], [sflag:$0x1], $0x80, v3, vm0, $0xb8;
	[tilespmem:$0x8100] =	vst v63  }
0x6c: {  	_ = 	snop  }
0x6d: {  	[hbm4b:s7+s2] =	stream.indirect_vreg.scatter [tilespmem:s26], [sflag:$0x1], $0x80, v3, vm0, $0xb8;
	[tilespmem:$0x8100] =	vst v63  }
0x6e: {  	_ = 	snop  }
0x6f: {  	[hbm4b:s8+s2] =	stream.indirect_vreg.scatter [tilespmem:s28], [sflag:$0x1], $0x80, v3, vm0, $0xb8;
	[tilespmem:$0x8100] =	vst v63  }
0x70: {  	_ = 	snop  }
0x71: {  	[hbm4b:s9+s2] =	stream.indirect_vreg.scatter [tilespmem:s29], [sflag:$0x1], $0x80, v3, vm0, $0xb8;
	[tilespmem:$0x8100] =	vst v63  }
0x72: {  	p0 =	sne.s32 s10, $0x1;
	_ =	swait.ge [sflag:s30], $0x8000  }
.Ltmp0:
0x73: {  	[sflag:s30] =	ssyncset.done $0x0;
	(pc) =	sbr.rel @p0 .LBB2_1-.Ltmp0, $4  }
0x74: {  	[sflag:s30] =	ssyncadd.s32 $0xFFFF8000  }
0x75: {  	_ =	swait.ge [sflag:s30], $0x8000  }
0x76: {  	[sflag:s30] =	ssyncset.done $0x0  }
0x77: {  	s10 =	sadd.s32 $0xFFFFFFFF, s10;
	[sflag:s30] =	ssyncadd.s32 $0xFFFF8000  }
0x78: {  	_ =	sfence.sel $0x180000  }
0x79: {  	[bflag:$0x0] =	sbarrier.arrive $0xFFFF  }
0x7a: {  	p0 =	sne.s32 s0, $0x0;
	_ =	strace $0x90000047  }
0x7b: {  	s0 =	sadd.s32 @!p0 $0x100000, s1;
	[bflag:$0x2] =	sbarrier.arrive $0xFFFF  }
0x7c: {  	[sflag:s0] =	ssyncadd.tile.s32 @!p0 $0x1;
	_ =	shalt  }
.Lfunc_end2:
_tile_overlayer_lowered:
.L_overlay_start_2:
0x7d: {  	(tag) =	ssettag $0x2  }
0x7e: {  	s0 =	rddreg [dreg:$0x0];
	s2 =	stileid.u32  }
0x7f: {  	s1 =	rddreg [dreg:$0x1];
	p0 =	sne.s32 s2, $0x0  }
0x80: {  	s3 =	rddreg [dreg:$0x2];
	[bflag:$0x3] =	sbarrier.arrive $0xFFFF;
	s2 =	simm.s32 @!p0 $0x1C02  }
0x81: {  	[timem:s3], [sflag:s2] =	dma.local @!p0 [hbm:s0], s1  }
0x82: {  	s0 =	simm.s32 @!p0 $0x2  }
0x83: {  	_ =	swait.ge @!p0 [sflag:s0], s1  }
0x84: {  	s1 =	ssub.s32 @!p0 $0x0, s1;
	[sflag:s0] =	ssyncset.done @!p0 $0x0  }
0x85: {  	[sflag:s0] =	ssyncadd.s32 @!p0 s1  }
0x86: {  	[bflag:$0x3] =	sbarrier.arrive $0xFFFF  }
0x87: {  	_ =	shalt  }

// kernel: kernel.9.cloned.1.call-start
scs
__scs_entry_jumppad:
0x0: {  	(pc) =	sbr.rel $0x88, $3  }
0x1: {  	(tag) =	ssettag $0x0;
	lr =	simm.s32 $0x1  }
0x2: {  	[smem:$0x3F9B] =	sst lr;
	_ =	strace $0xD0000000  }
0x3: {  	_ = 	snop  }
0x4: {  	_ = 	snop  }
0x5: {  	_ = 	snop  }
0x6: {  	_ = 	snop  }
0x7: {  	_ = 	snop  }
__scs_overlays_trampoline_lowered:
0x8: {  	[smem:$0x3FAA] =	sst s0  }
0x9: {  	[smem:$0x3FAB] =	sst s1  }
0xa: {  	[smem:$0x3FAC] =	sst s2  }
0xb: {  	[smem:$0x3FAD] =	sst s3  }
0xc: {  	[smem:$0x3FAE] =	sst s4  }
0xd: {  	[smem:$0x3FAF] =	sst s5  }
0xe: {  	[smem:$0x3FB0] =	sst s6  }
0xf: {  	[smem:$0x3FB1] =	sst s7  }
0x10: {  	[smem:$0x3FB2] =	sst s8  }
0x11: {  	[smem:$0x3FB3] =	sst s9;
	s0 =	simm.s32 @!p0 $0x0  }
0x12: {  	s1 =	sld [smem:$0x3F99];
	s0 =	simm.s32 @p0 $0x1  }
0x13: {  	[smem:$0x3FB4] =	sst s0;
	s0 =	simm.s32 @!p1 $0x0  }
0x14: {  	s2 =	sld [smem:$0x3F98];
	s0 =	simm.s32 @p1 $0x1  }
0x15: {  	[smem:$0x3FB5] =	sst s0;
	s0 =	simm.s32 @!p2 $0x0  }
0x16: {  	s3 =	sld [smem:$0x3FDB];
	s0 =	simm.s32 @p2 $0x1  }
0x17: {  	s4 =	simm.s32 $0x1BF5;
	[smem:$0x3FB7] =	sst s0  }
0x18: {  	s0 =	sld [smem:$0x3F9A];
	_ =	swait.ge [sflag:s4], $0x0  }
0x19: {  	s7 =	sld [smem:$0x3F9B]  }
0x1a: {  	s8 =	sadd.s32 $0xFFFFE003, lr  }
0x1b: {  	s9 =	sadd.s32 $0xFFFFFEF7, lr;
	s5 =	simm.s32 $0xFFFFFFFF;
	p2 =	slt.u32 s8, $0xFFFFF086  }
0x1c: {  	p1 =	slt.u32 s9, $0xF7A;
	s5 =	simm.s32 @!p2 $0x0  }
0x1d: {  	s5 =	simm.s32 @p1 $0x1;
	p0 =	seq.s32 s7, s2  }
0x1e: {  	s7 =	smul.u32 @!p0 $0xF7A, s2;
	p2 =	seq.s32 @!p0 s5, $0x0  }
0x1f: {  	s9 =	smul.u32 $0xF7A, s1;
	s8 =	simm.s32 @!p0 $0x1BF5;
	p2 =	por !p2, p0  }
0x20: {  	[sflag:s8] =	ssyncset.s32 @!p0 $0xFFFFF086;
	s6 =	sadd.s32 @!p0 s3, s7;
	s7 =	simm.s32 @!p0 $0x108  }
0x21: {  	s3 =	sadd.s32 s3, s9;
	s6 =	sadd.s32 @!p0 $0x88, s6;
	s7 =	simm.s32 @p2 $0x1082  }
0x22: {  	[simem:s7], [sflag:s8] =	dma.local @!p0 [hbm:s6], $0xF7A  }
0x23: {  	s9 =	sor.u32 $0xD0000000, s2;
	s6 =	simm.s32 $0x108;
	_ =	swait.ge @!p0 [sflag:s8], $0x0  }
0x24: {  	s3 =	sadd.s32 $0x88, s3;
	s6 =	simm.s32 @!p1 $0x1082;
	[sflag:s4] =	ssyncset.s32 $0xFFFFF086  }
0x25: {  	[simem:s6], [sflag:s4] =	dma.local [hbm:s3], $0xF7A  }
0x26: {  	[smem:$0x3F9B] =	sst s1;
	(tag) =	ssettag s2;
	_ =	strace s9  }
0x27: {  	s1 =	sld [smem:$0x3FAB]  }
0x28: {  	s2 =	sld [smem:$0x3FAC]  }
0x29: {  	s4 =	sld [smem:$0x3FAE]  }
0x2a: {  	p0 =	seq.s32 s5, $0x0;
	s5 =	sld [smem:$0x3FAF]  }
0x2b: {  	s6 =	sld [smem:$0x3FB0]  }
0x2c: {  	s7 =	sld [smem:$0x3FB1]  }
0x2d: {  	s3 =	simm.s32 $0x108;
	s8 =	sld [smem:$0x3FB2]  }
0x2e: {  	s3 =	simm.s32 @!p0 $0x1082;
	s9 =	sld [smem:$0x3FB3]  }
0x2f: {  	lr =	sadd.s32 s0, s3;
	s0 =	sld [smem:$0x3FAA]  }
0x30: {  	s3 =	sld [smem:$0x3FAD]  }
0x31: {  	[smem:$0x3FB6] =	sst s10  }
0x32: {  	s10 =	sld [smem:$0x3FB4];
	_ =	sdelay $0x3  }
0x33: {  	p0 =	seq.s32 s10, $0x1;
	s10 =	sld [smem:$0x3FB6];
	_ =	sdelay $0x3  }
0x34: {  	[smem:$0x3FB6] =	sst s10  }
0x35: {  	s10 =	sld [smem:$0x3FB5];
	_ =	sdelay $0x3  }
0x36: {  	p1 =	seq.s32 s10, $0x1;
	s10 =	sld [smem:$0x3FB6];
	_ =	sdelay $0x3  }
0x37: {  	[smem:$0x3FB6] =	sst s10  }
0x38: {  	s10 =	sld [smem:$0x3FB7]  }
0x39: {  	_ = 	snop;
	(pc) =	sbr.ind lr, $3  }
0x3a: {  	_ = 	snop  }
0x3b: {  	_ = 	snop  }
0x3c: {  	p2 =	seq.s32 s10, $0x1;
	s10 =	sld [smem:$0x3FB6]  }
0x3d: {  	_ =	shalt  }
0x3e: {  	_ =	shalt  }
0x3f: {  	_ =	shalt  }
0x40: {  	_ =	shalt  }
0x41: {  	_ =	shalt  }
0x42: {  	_ =	shalt  }
0x43: {  	_ =	shalt  }
0x44: {  	_ =	shalt  }
0x45: {  	_ =	shalt  }
0x46: {  	_ =	shalt  }
0x47: {  	_ =	shalt  }
0x48: {  	_ =	shalt  }
0x49: {  	_ =	shalt  }
0x4a: {  	_ =	shalt  }
0x4b: {  	_ =	shalt  }
0x4c: {  	_ =	shalt  }
0x4d: {  	_ =	shalt  }
0x4e: {  	_ =	shalt  }
0x4f: {  	_ =	shalt  }
0x50: {  	_ =	shalt  }
0x51: {  	_ =	shalt  }
0x52: {  	_ =	shalt  }
0x53: {  	_ =	shalt  }
0x54: {  	_ =	shalt  }
0x55: {  	_ =	shalt  }
0x56: {  	_ =	shalt  }
0x57: {  	_ =	shalt  }
0x58: {  	_ =	shalt  }
0x59: {  	_ =	shalt  }
0x5a: {  	_ =	shalt  }
0x5b: {  	_ =	shalt  }
0x5c: {  	_ =	shalt  }
0x5d: {  	_ =	shalt  }
0x5e: {  	_ =	shalt  }
0x5f: {  	_ =	shalt  }
0x60: {  	_ =	shalt  }
0x61: {  	_ =	shalt  }
0x62: {  	_ =	shalt  }
0x63: {  	_ =	shalt  }
0x64: {  	_ =	shalt  }
0x65: {  	_ =	shalt  }
0x66: {  	_ =	shalt  }
0x67: {  	_ =	shalt  }
0x68: {  	_ =	shalt  }
0x69: {  	_ =	shalt  }
0x6a: {  	_ =	shalt  }
0x6b: {  	_ =	shalt  }
0x6c: {  	_ =	shalt  }
0x6d: {  	_ =	shalt  }
0x6e: {  	_ =	shalt  }
0x6f: {  	_ =	shalt  }
0x70: {  	_ =	shalt  }
0x71: {  	_ =	shalt  }
0x72: {  	_ =	shalt  }
0x73: {  	_ =	shalt  }
0x74: {  	_ =	shalt  }
0x75: {  	_ =	shalt  }
0x76: {  	_ =	shalt  }
0x77: {  	_ =	shalt  }
0x78: {  	_ =	shalt  }
0x79: {  	_ =	shalt  }
0x7a: {  	_ =	shalt  }
0x7b: {  	_ =	shalt  }
0x7c: {  	_ =	shalt  }
0x7d: {  	_ =	shalt  }
0x7e: {  	_ =	shalt  }
0x7f: {  	_ =	shalt  }
0x80: {  	_ =	shalt  }
0x81: {  	_ =	shalt  }
0x82: {  	_ =	shalt  }
0x83: {  	_ =	shalt  }
0x84: {  	_ =	shalt  }
0x85: {  	_ =	shalt  }
0x86: {  	_ =	shalt  }
0x87: {  	_ =	shalt  }
.Lfunc_end0:
.L_simem_size_0:
called_computation.1_lowered:
.L_overlay_start_0:
0x88: {  	s2 =	sld [smem:$0x3FD9]  }
0x89: {  	s3 =	sld [smem:$0x3FFE];
	_ =	sdelay $0x1  }
0x8a: {  	s1 =	srdreg.scid  }
0x8b: {  	s0 =	sand.u32 $0x1, s1  }
0x8c: {  	s17 =	sshll.u32 s0, $0xA;
	s2 =	sadd.s32 s3, s2  }
0x8d: {  	s2 =	sadd.s32 s2, s17  }
0x8e: {  	[smem:$0x3FC2] =	sst s2  }
0x8f: {  	_ = 	snop  }
0x90: {  	s2 =	sld [smem:$0x3FD0];
	(tm) =	ssettm $0x1  }
0x91: {  	s18 =	sld [smem:$0x3FFB];
	_ =	sdelay $0x3  }
0x92: {  	_ =	strace s18  }
0x93: {  	s3 =	sld [smem:$0x3FFC];
	_ =	sdelay $0x3  }
0x94: {  	_ =	strace s3  }
0x95: {  	s3 =	sld [smem:$0x3FFD];
	_ =	sdelay $0x3  }
0x96: {  	_ =	strace s3  }
0x97: {  	_ =	strace $0x8FFFFFFF  }
0x98: {  	s19 =	sld [smem:$0x3FDB];
	_ =	sdelay $0x1  }
0x99: {  	s4 =	simm.s32 $_scs_section_size  }
0x9a: {  	s5 =	simm.s32 $_size__tile_overlayer_lowered;
	s6 =	simm.s32 $_tile_overlayer_lowered  }
0x9b: {  	s22 =	simm.s32 $0x1BFF;
	s21 =	sshll.u32 s6, $0x1;
	s3 =	sadd.s32 s4, s19  }
0x9c: {  	s7 =	simm.s32 $0x0;
	s20 =	sshll.u32 s5, $0x1;
	s5 =	sadd.s32 s21, s3  }
0x9d: {  	[timem:s7], [sflag:s22] =	dma.local [hbm:s5], s20  }
0x9e: {  	_ =	swait.ge [sflag:s22], s20  }
0x9f: {  	s4 =	ssub.s32 $0x0, s20;
	[sflag:s22] =	ssyncset.done $0x0  }
0xa0: {  	[sflag:s22] =	ssyncadd.s32 s4;
	_ =	sdelay $0x1  }
0xa1: {  	s23 =	simm.s32 $0x1B8B  }
0xa2: {  	_ =	swait.ge [sflag:s23], $0x1  }
0xa3: {  	[sflag:s23] =	ssyncset.done $0x0  }
0xa4: {  	s25 =	simm.s32 $0x1B8E;
	s24 =	sld [smem:$0x3FFE];
	[sflag:s23] =	ssyncadd.s32 $0xFFFFFFFF  }
0xa5: {  	s26 =	simm.s32 $execute0_lowered;
	[smem:$0x3FD2] =	sst s25  }
0xa6: {  	s5 =	sshll.u32 s26, $0x1;
	_ =	strace $0x80000049;
	[dreg:$0x1] =	wrdreg $0xFFFFFFFF  }
0xa7: {  	s28 =	simm.s32 $_size_execute0_lowered;
	s3 =	sadd.s32 s3, s5;
	[dreg:$0x0] =	wrdreg $0x0  }
0xa8: {  	s5 =	sshll.u32 s28, $0x1;
	[dreg:$0x2] =	wrdreg s3  }
0xa9: {  	[dreg:$0x3] =	wrdreg s5  }
0xaa: {  	[dreg:$0x4] =	wrdreg $0xC0  }
0xab: {  	_ =	task [dreg:s7], $0x5FFFF  }
0xac: {  	[dreg:$0x1] =	wrdreg $0xFFFFFFFF  }
0xad: {  	[dreg:$0x0] =	wrdreg $0x60  }
0xae: {  	[dreg:$0x2] =	wrdreg s24  }
0xaf: {  	[dreg:$0x3] =	wrdreg s2  }
0xb0: {  	[dreg:$0x4] =	wrdreg $0x9  }
0xb1: {  	_ =	task.clear_ibuf [dreg:s7], $0x5FFFF;
	_ =	strace $0x90000049  }
0xb2: {  	s29 =	simm.s32 $0x9;
	_ =	strace $0x8000004B  }
0xb3: {  	_ =	swait.ge [sflag:s29], $0x1  }
0xb4: {  	[sflag:s29] =	ssyncadd.s32 $0xFFFFFFFF  }
0xb5: {  	_ =	strace $0x9000004B  }
0xb6: {  	_ =	sfence  }
0xb7: {  	s30 =	sld [smem:$0x0];
	_ =	sdelay $0x2  }
0xb8: {  	s31 =	sshll.u32 s1, $0xD;
	s1 =	sshrl.u32 s1, $0x2  }
0xb9: {  	s3 =	sand.u32 $0x4000, s31;
	s1 =	sadd.s32 s1, s30  }
0xba: {  	s0 =	sor.u32 s3, s0;
	s1 =	sshll.u32 s1, $0x11  }
0xbb: {  	s0 =	sor.u32 s1, s0  }
0xbc: {  	s0 =	sadd.s32 $0x8F2B, s0  }
0xbd: {  	[sflag:s0] =	ssyncadd.remote.s32 $0x1  }
0xbe: {  	_ =	sfence.sel $0xFFFF  }
0xbf: {  	[dreg:$0x0] =	wrdreg $0xFFFFFFFF;
	(pc) =	sbr.abs _section_cstart, $3  }
0xc0: {  	[dreg:$0x1] =	wrdreg $0xFFFFFFFF  }
0xc1: {  	_ =	task.clear_ibuf [dreg:s7], $0x2FFFF;
	_ =	strace $0x9FFFFFFF  }
0xc2: {  	(tm) =	ssettm $0x7FFFFFFF  }
0xc3: {  	_ =	shalt  }
tec
execute0_lowered:
.L_overlay_start_1:
0x0: {  	(tag) =	ssettag $0x1  }
0x1: {  	s0 =	rddreg [dreg:$0x0];
	s1 =	srdreg.scid  }
0x2: {  	s10 =	rddreg [dreg:$0x1];
	s5 =	stileid.u32  }
0x3: {  	s2 =	simm.s32 $0x0;
	s12 =	simm.s32 $0x2;
	s17 =	simm.s32 $0xC100  }
0x4: {  	s18 =	simm.s32 $0xC900;
	s19 =	simm.s32 $0xD100;
	s20 =	simm.s32 $0xD900  }
0x5: {  	s21 =	simm.s32 $0xE100;
	s22 =	simm.s32 $0xE900;
	s28 =	simm.s32 $0x1  }
0x6: {  	s29 =	simm.s32 $0x11100;
	s30 =	simm.s32 $0x0;
	s1 =	sand.u32 $0x1, s1  }
0x7: {  	s3 =	sshll.u32 s5, $0x6;
	s23 =	sshll.u32 s5, $0x7;
	[smem:$0x7FF] =	sst s2  }
0x8: {  	s9 =	sadd.s32 $0x5500, s0;
	s4 =	sshll.u32 s1, $0x5;
	s24 =	sand.u32 $0x700, s23  }
0x9: {  	_ =	strace $0x8000004A;
	s1 =	ssub.s32 $0x2, s1;
	s23 =	simm.s32 $0xF100  }
0xa: {  	s8 =	sor.u32 s4, s3;
	s3 =	sadd.s32 $0x5200, s0;
	s31 =	sshrl.u32 s1, $0x1  }
0xb: {  	s25 =	sand.u32 $0x60, s8;
	s26 =	sshll.u32 s8, $0x4;
	s1 =	ssub.s32 s1, s31  }
0xc: {  	s11 =	sshll.u32 s8, $0x7;
	s8 =	sadd.s32 $0x5400, s0;
	s4 =	sor.u32 s24, s25  }
0xd: {  	s7 =	sadd.s32 s26, s0;
	s10 =	sadd.s32 s10, s11;
	s4 =	sshrl.u32 s4, $0x3  }
0xe: {  	v2 =	vlaneseq.u32;
	s11 =	smax.u32 s1, $0x1;
	s24 =	simm.s32 $0xF900;
	s6 =	sadd.s32 s4, s0  }
0xf: {  	vm0 =	vmmov $0xffff;
	v1 =	vshrl.u32 v2, $0x3;
	s25 =	simm.s32 $0x10100;
	s26 =	simm.s32 $0x10900;
	s4 =	sadd.s32 $0x1000, s6  }
0x10: {  	v0 =	vand.u32 $0x7, v2;
	v2 =	vor.u32 $0x8, v2;
	v1 =	vmul.u32 $0x8, v1;
	s5 =	sadd.s32 $0x1010, s6;
	s6 =	sadd.s32 $0x1200, s7;
	s7 =	sadd.s32 $0x5300, s0  }
.LBB2_1:
0x11: {  	[tilespmem:s2], [sflag:$0x2] =	stream.linear.gather [hbm4b:s4+s2], $0x20, $0x38;
	[tilespmem:$0x19100] =	vst v63  }
0x12: {  	_ =	swait.ge [sflag:s12], $0x20  }
0x13: {  	[sflag:s12] =	ssyncset.done $0x0  }
0x14: {  	s0 =	simm.s32 $0x80;
	[sflag:s12] =	ssyncadd.s32 $0xFFFFFFE0  }
0x15: {  	[tilespmem:s0], [sflag:$0x2] =	stream.linear.gather [hbm4b:s5+s2], $0x20, $0x38;
	[tilespmem:$0x19100] =	vst v63  }
0x16: {  	_ =	swait.ge [sflag:s12], $0x20  }
0x17: {  	[sflag:s12] =	ssyncset.done $0x0  }
0x18: {  	s14 =	simm.s32 $0x100;
	[sflag:s12] =	ssyncadd.s32 $0xFFFFFFE0  }
0x19: {  	[tilespmem:s14], [sflag:$0x2] =	stream.linear.gather [hbm4b:s6+s2], $0x1000, $0x38;
	[tilespmem:$0x19100] =	vst v63  }
0x1a: {  	_ =	swait.ge [sflag:s12], $0x1000  }
0x1b: {  	[sflag:s12] =	ssyncset.done $0x0  }
0x1c: {  	[sflag:s12] =	ssyncadd.s32 $0xFFFFF000  }
0x1d: {  	v3 =	vld [tilespmem:$0x0];
	_ =	sdelay $0x4  }
0x1e: {  	v4 =	vshll.u32 v3, $0x3  }
0x1f: {  	v3 =	vand.u32 $0x7, v3;
	v4 =	vand.u32 $0xFFFFFFC0, v4  }
0x20: {  	v3 =	vor.u32 v3, v4  }
0x21: {  	v4 =	vperm.xlane v3, v0;
	_ =	sdelay $0x1  }
0x22: {  	v4 =	vadd.s32 v1, v4;
	_ =	sdelay $0x3  }
0x23: {  	s15 =	simm.s32 $0x1100  }
0x24: {  	[tilespmem:s15], [sflag:$0x1] =	stream.indirect_vreg.gather [hbm4b:s3+s2], $0x80, v4, vm0, $0xb8;
	[tilespmem:$0x19100] =	vst v63  }
0x25: {  	s16 =	simm.s32 $0x1900;
	v3 =	vperm.xlane v3, v2  }
0x26: {  	[tilespmem:s16], [sflag:$0x1] =	stream.indirect_vreg.gather [hbm4b:s7+s2], $0x80, v4, vm0, $0xb8;
	[tilespmem:$0x19100] =	vst v63  }
0x27: {  	s1 =	simm.s32 $0x2100;
	v3 =	vadd.s32 v1, v3  }
0x28: {  	[tilespmem:s1], [sflag:$0x1] =	stream.indirect_vreg.gather [hbm4b:s8+s2], $0x80, v4, vm0, $0xb8;
	[tilespmem:$0x19100] =	vst v63  }
0x29: {  	s13 =	simm.s32 $0x2900  }
0x2a: {  	[tilespmem:s13], [sflag:$0x1] =	stream.indirect_vreg.gather [hbm4b:s9+s2], $0x80, v4, vm0, $0xb8;
	[tilespmem:$0x19100] =	vst v63  }
0x2b: {  	s14 =	simm.s32 $0x3100  }
0x2c: {  	[tilespmem:s14], [sflag:$0x1] =	stream.indirect_vreg.gather [hbm4b:s3+s2], $0x80, v3, vm0, $0xb8;
	[tilespmem:$0x19100] =	vst v63  }
0x2d: {  	s15 =	simm.s32 $0x3900  }
0x2e: {  	[tilespmem:s15], [sflag:$0x1] =	stream.indirect_vreg.gather [hbm4b:s7+s2], $0x80, v3, vm0, $0xb8;
	[tilespmem:$0x19100] =	vst v63  }
0x2f: {  	s16 =	simm.s32 $0x4100  }
0x30: {  	[tilespmem:s16], [sflag:$0x1] =	stream.indirect_vreg.gather [hbm4b:s8+s2], $0x80, v3, vm0, $0xb8;
	[tilespmem:$0x19100] =	vst v63  }
0x31: {  	s1 =	simm.s32 $0x4900  }
0x32: {  	[tilespmem:s1], [sflag:$0x1] =	stream.indirect_vreg.gather [hbm4b:s9+s2], $0x80, v3, vm0, $0xb8;
	[tilespmem:$0x19100] =	vst v63  }
0x33: {  	v3 =	vld [tilespmem:$0x10];
	_ =	sdelay $0x4  }
0x34: {  	v61 =	vshll.u32 v3, $0x3  }
0x35: {  	v3 =	vand.u32 $0x7, v3;
	v4 =	vand.u32 $0xFFFFFFC0, v61  }
0x36: {  	v3 =	vor.u32 v3, v4  }
0x37: {  	v4 =	vperm.xlane v3, v0;
	_ =	sdelay $0x1  }
0x38: {  	v4 =	vadd.s32 v1, v4;
	_ =	sdelay $0x3  }
0x39: {  	s13 =	simm.s32 $0x5100  }
0x3a: {  	[tilespmem:s13], [sflag:$0x1] =	stream.indirect_vreg.gather [hbm4b:s3+s2], $0x80, v4, vm0, $0xb8;
	[tilespmem:$0x19100] =	vst v63  }
0x3b: {  	s14 =	simm.s32 $0x5900;
	v3 =	vperm.xlane v3, v2  }
0x3c: {  	[tilespmem:s14], [sflag:$0x1] =	stream.indirect_vreg.gather [hbm4b:s7+s2], $0x80, v4, vm0, $0xb8;
	[tilespmem:$0x19100] =	vst v63  }
0x3d: {  	s15 =	simm.s32 $0x6100;
	v3 =	vadd.s32 v1, v3  }
0x3e: {  	[tilespmem:s15], [sflag:$0x1] =	stream.indirect_vreg.gather [hbm4b:s8+s2], $0x80, v4, vm0, $0xb8;
	[tilespmem:$0x19100] =	vst v63  }
0x3f: {  	s16 =	simm.s32 $0x6900  }
0x40: {  	[tilespmem:s16], [sflag:$0x1] =	stream.indirect_vreg.gather [hbm4b:s9+s2], $0x80, v4, vm0, $0xb8;
	[tilespmem:$0x19100] =	vst v63  }
0x41: {  	s1 =	simm.s32 $0x7100  }
0x42: {  	[tilespmem:s1], [sflag:$0x1] =	stream.indirect_vreg.gather [hbm4b:s3+s2], $0x80, v3, vm0, $0xb8;
	[tilespmem:$0x19100] =	vst v63  }
0x43: {  	s13 =	simm.s32 $0x7900  }
0x44: {  	[tilespmem:s13], [sflag:$0x1] =	stream.indirect_vreg.gather [hbm4b:s7+s2], $0x80, v3, vm0, $0xb8;
	[tilespmem:$0x19100] =	vst v63  }
0x45: {  	s14 =	simm.s32 $0x8100  }
0x46: {  	[tilespmem:s14], [sflag:$0x1] =	stream.indirect_vreg.gather [hbm4b:s8+s2], $0x80, v3, vm0, $0xb8;
	[tilespmem:$0x19100] =	vst v63  }
0x47: {  	s15 =	simm.s32 $0x8900  }
0x48: {  	[tilespmem:s15], [sflag:$0x1] =	stream.indirect_vreg.gather [hbm4b:s9+s2], $0x80, v3, vm0, $0xb8;
	[tilespmem:$0x19100] =	vst v63  }
0x49: {  	v3 =	vld [tilespmem:$0x80];
	_ =	sdelay $0x4  }
0x4a: {  	v62 =	vshll.u32 v3, $0x3  }
0x4b: {  	v3 =	vand.u32 $0x7, v3;
	v4 =	vand.u32 $0xFFFFFFC0, v62  }
0x4c: {  	v3 =	vor.u32 v3, v4  }
0x4d: {  	v4 =	vperm.xlane v3, v0;
	_ =	sdelay $0x1  }
0x4e: {  	v4 =	vadd.s32 v1, v4;
	_ =	sdelay $0x3  }
0x4f: {  	s16 =	simm.s32 $0x9100  }
0x50: {  	[tilespmem:s16], [sflag:$0x1] =	stream.indirect_vreg.gather [hbm4b:s3+s2], $0x80, v4, vm0, $0xb8;
	[tilespmem:$0x19100] =	vst v63  }
0x51: {  	s1 =	simm.s32 $0x9900;
	v3 =	vperm.xlane v3, v2  }
0x52: {  	[tilespmem:s1], [sflag:$0x1] =	stream.indirect_vreg.gather [hbm4b:s7+s2], $0x80, v4, vm0, $0xb8;
	[tilespmem:$0x19100] =	vst v63  }
0x53: {  	s13 =	simm.s32 $0xA100;
	v3 =	vadd.s32 v1, v3  }
0x54: {  	[tilespmem:s13], [sflag:$0x1] =	stream.indirect_vreg.gather [hbm4b:s8+s2], $0x80, v4, vm0, $0xb8;
	[tilespmem:$0x19100] =	vst v63  }
0x55: {  	s14 =	simm.s32 $0xA900  }
0x56: {  	[tilespmem:s14], [sflag:$0x1] =	stream.indirect_vreg.gather [hbm4b:s9+s2], $0x80, v4, vm0, $0xb8;
	[tilespmem:$0x19100] =	vst v63  }
0x57: {  	s15 =	simm.s32 $0xB100  }
0x58: {  	[tilespmem:s15], [sflag:$0x1] =	stream.indirect_vreg.gather [hbm4b:s3+s2], $0x80, v3, vm0, $0xb8;
	[tilespmem:$0x19100] =	vst v63  }
0x59: {  	s16 =	simm.s32 $0xB900  }
0x5a: {  	[tilespmem:s16], [sflag:$0x1] =	stream.indirect_vreg.gather [hbm4b:s7+s2], $0x80, v3, vm0, $0xb8;
	[tilespmem:$0x19100] =	vst v63  }
0x5b: {  	_ = 	snop  }
0x5c: {  	[tilespmem:s17], [sflag:$0x1] =	stream.indirect_vreg.gather [hbm4b:s8+s2], $0x80, v3, vm0, $0xb8;
	[tilespmem:$0x19100] =	vst v63  }
0x5d: {  	_ = 	snop  }
0x5e: {  	[tilespmem:s18], [sflag:$0x1] =	stream.indirect_vreg.gather [hbm4b:s9+s2], $0x80, v3, vm0, $0xb8;
	[tilespmem:$0x19100] =	vst v63  }
0x5f: {  	v3 =	vld [tilespmem:$0x90];
	_ =	sdelay $0x4  }
0x60: {  	v63 =	vshll.u32 v3, $0x3  }
0x61: {  	v3 =	vand.u32 $0x7, v3;
	v4 =	vand.u32 $0xFFFFFFC0, v63  }
0x62: {  	v3 =	vor.u32 v3, v4  }
0x63: {  	v4 =	vperm.xlane v3, v0;
	_ =	sdelay $0x1  }
0x64: {  	v4 =	vadd.s32 v1, v4;
	_ =	sdelay $0x4  }
0x65: {  	[tilespmem:s19], [sflag:$0x1] =	stream.indirect_vreg.gather [hbm4b:s3+s2], $0x80, v4, vm0, $0xb8;
	[tilespmem:$0x19100] =	vst v63  }
0x66: {  	v3 =	vperm.xlane v3, v2  }
0x67: {  	[tilespmem:s20], [sflag:$0x1] =	stream.indirect_vreg.gather [hbm4b:s7+s2], $0x80, v4, vm0, $0xb8;
	[tilespmem:$0x19100] =	vst v63  }
0x68: {  	v3 =	vadd.s32 v1, v3  }
0x69: {  	[tilespmem:s21], [sflag:$0x1] =	stream.indirect_vreg.gather [hbm4b:s8+s2], $0x80, v4, vm0, $0xb8;
	[tilespmem:$0x19100] =	vst v63  }
0x6a: {  	_ = 	snop  }
0x6b: {  	[tilespmem:s22], [sflag:$0x1] =	stream.indirect_vreg.gather [hbm4b:s9+s2], $0x80, v4, vm0, $0xb8;
	[tilespmem:$0x19100] =	vst v63  }
0x6c: {  	_ = 	snop  }
0x6d: {  	[tilespmem:s23], [sflag:$0x1] =	stream.indirect_vreg.gather [hbm4b:s3+s2], $0x80, v3, vm0, $0xb8;
	[tilespmem:$0x19100] =	vst v63  }
0x6e: {  	_ = 	snop  }
0x6f: {  	[tilespmem:s24], [sflag:$0x1] =	stream.indirect_vreg.gather [hbm4b:s7+s2], $0x80, v3, vm0, $0xb8;
	[tilespmem:$0x19100] =	vst v63  }
0x70: {  	_ = 	snop  }
0x71: {  	[tilespmem:s25], [sflag:$0x1] =	stream.indirect_vreg.gather [hbm4b:s8+s2], $0x80, v3, vm0, $0xb8;
	[tilespmem:$0x19100] =	vst v63  }
0x72: {  	_ = 	snop  }
0x73: {  	[tilespmem:s26], [sflag:$0x1] =	stream.indirect_vreg.gather [hbm4b:s9+s2], $0x80, v3, vm0, $0xb8;
	[tilespmem:$0x19100] =	vst v63  }
0x74: {  	_ =	swait.ge [sflag:s28], $0x8000  }
0x75: {  	[sflag:s28] =	ssyncset.done $0x0  }
0x76: {  	[sflag:s28] =	ssyncadd.s32 $0xFFFF8000  }
0x77: {  	_ =	swait.ge [sflag:s28], $0x8000  }
0x78: {  	s31 =	simm.s32 $0x110;
	s0 =	simm.s32 $0x0;
	[sflag:s28] =	ssyncset.done $0x0  }
0x79: {  	s1 =	simm.s32 $0x0;
	s13 =	simm.s32 $0x0;
	[sflag:s28] =	ssyncadd.s32 $0xFFFF8000  }
.LBB2_2:
0x7a: {  	v3 =	vld [tilespmem:s31+$0xFFFFFFF0];
	s15 =	sand.u32 $0x6000, s1;
	s14 =	sand.u32 $0x380, s13  }
0x7b: {  	v4 =	vld [tilespmem:s31+$0x0];
	s14 =	sor.u32 s14, s15  }
0x7c: {  	v5 =	vld [tilespmem:s14+$0x1100]  }
0x7d: {  	v6 =	vld [tilespmem:s14+$0x9100]  }
0x7e: {  	v7 =	vld [tilespmem:s14+$0x1110]  }
0x7f: {  	v8 =	vld [tilespmem:s14+$0x9110]  }
0x80: {  	v9 =	vld [tilespmem:s14+$0x1120]  }
0x81: {  	v10 =	vld [tilespmem:s14+$0x9120]  }
0x82: {  	v11 =	vld [tilespmem:s14+$0x1130]  }
0x83: {  	v12 =	vld [tilespmem:s14+$0x9130]  }
0x84: {  	v13 =	vld [tilespmem:s14+$0x1140]  }
0x85: {  	v14 =	vld [tilespmem:s14+$0x9140]  }
0x86: {  	v15 =	vld [tilespmem:s14+$0x1150]  }
0x87: {  	v16 =	vld [tilespmem:s14+$0x9150]  }
0x88: {  	v17 =	vld [tilespmem:s14+$0x1160]  }
0x89: {  	v18 =	vld [tilespmem:s14+$0x9160]  }
0x8a: {  	v19 =	vld [tilespmem:s14+$0x1170]  }
0x8b: {  	v20 =	vld [tilespmem:s14+$0x9170]  }
0x8c: {  	v21 =	vld [tilespmem:s14+$0x1500]  }
0x8d: {  	v22 =	vld [tilespmem:s14+$0x9500]  }
0x8e: {  	v23 =	vld [tilespmem:s14+$0x1510]  }
0x8f: {  	v24 =	vld [tilespmem:s14+$0x9510]  }
0x90: {  	v25 =	vld [tilespmem:s14+$0x1520]  }
0x91: {  	v26 =	vld [tilespmem:s14+$0x9520]  }
0x92: {  	v27 =	vld [tilespmem:s14+$0x1530]  }
0x93: {  	v28 =	vld [tilespmem:s14+$0x9530]  }
0x94: {  	v29 =	vld [tilespmem:s14+$0x1540]  }
0x95: {  	v30 =	vld [tilespmem:s14+$0x9540]  }
0x96: {  	v31 =	vld [tilespmem:s14+$0x1550]  }
0x97: {  	v32 =	vld [tilespmem:s14+$0x9550]  }
0x98: {  	v33 =	vld [tilespmem:s14+$0x1560]  }
0x99: {  	v34 =	vld [tilespmem:s14+$0x9560];
	v5 =	vmul.f32 v5, v3;
	v6 =	vmul.f32 v6, v4  }
0x9a: {  	v35 =	vld [tilespmem:s14+$0x1570];
	v7 =	vmul.f32 v7, v3;
	v8 =	vmul.f32 v8, v4  }
0x9b: {  	v36 =	vld [tilespmem:s14+$0x1940];
	v40 =	vmul.f32 v9, v3;
	v41 =	vmul.f32 v10, v4;
	v5 =	vadd.f32 v6, v5  }
0x9c: {  	v10 =	vld [tilespmem:s14+$0x9570];
	v42 =	vmul.f32 v11, v3;
	v43 =	vmul.f32 v12, v4;
	v7 =	vadd.f32 v8, v7  }
0x9d: {  	v12 =	vld [tilespmem:s14+$0x1900];
	v45 =	vmul.f32 v13, v3;
	v46 =	vmul.f32 v14, v4;
	v44 =	vadd.f32 v41, v40;
	[tilespmem:s14+$0x11100] =	vst v5  }
0x9e: {  	v13 =	vld [tilespmem:s14+$0x9900];
	v48 =	vmul.f32 v15, v3;
	v49 =	vmul.f32 v16, v4;
	v47 =	vadd.f32 v43, v42;
	[tilespmem:s14+$0x11110] =	vst v7  }
0x9f: {  	v14 =	vld [tilespmem:s14+$0x1910];
	v51 =	vmul.f32 v17, v3;
	v52 =	vmul.f32 v18, v4;
	v50 =	vadd.f32 v46, v45;
	[tilespmem:s14+$0x11120] =	vst v44  }
0xa0: {  	v15 =	vld [tilespmem:s14+$0x9910];
	v54 =	vmul.f32 v19, v3;
	v55 =	vmul.f32 v20, v4;
	v53 =	vadd.f32 v49, v48;
	[tilespmem:s14+$0x11130] =	vst v47  }
0xa1: {  	v16 =	vld [tilespmem:s14+$0x1920];
	v57 =	vmul.f32 v21, v3;
	v58 =	vmul.f32 v22, v4;
	v56 =	vadd.f32 v52, v51;
	[tilespmem:s14+$0x11140] =	vst v50  }
0xa2: {  	v17 =	vld [tilespmem:s14+$0x9920];
	v60 =	vmul.f32 v23, v3;
	v61 =	vmul.f32 v24, v4;
	v59 =	vadd.f32 v55, v54;
	[tilespmem:s14+$0x11150] =	vst v53  }
0xa3: {  	v18 =	vld [tilespmem:s14+$0x1930];
	v63 =	vmul.f32 v25, v3;
	v24 =	vmul.f32 v26, v4;
	v62 =	vadd.f32 v58, v57;
	[tilespmem:s14+$0x11160] =	vst v56  }
0xa4: {  	v25 =	vld [tilespmem:s14+$0x9930];
	v27 =	vmul.f32 v27, v3;
	v28 =	vmul.f32 v28, v4;
	v26 =	vadd.f32 v61, v60;
	[tilespmem:s14+$0x11170] =	vst v59  }
0xa5: {  	v38 =	vmul.f32 v29, v3;
	v39 =	vmul.f32 v30, v4;
	v37 =	vadd.f32 v24, v63;
	v40 =	vld [tilespmem:s14+$0x9940];
	[tilespmem:s14+$0x11500] =	vst v62  }
0xa6: {  	v41 =	vadd.f32 v28, v27;
	v42 =	vmul.f32 v31, v3;
	v43 =	vmul.f32 v32, v4;
	v48 =	vld [tilespmem:s14+$0x9950];
	[tilespmem:s14+$0x11510] =	vst v26  }
0xa7: {  	v45 =	vadd.f32 v39, v38;
	v46 =	vmul.f32 v33, v3;
	v51 =	vld [tilespmem:s14+$0x1960];
	[tilespmem:s14+$0x11520] =	vst v37;
	v47 =	vmul.f32 v34, v4  }
0xa8: {  	v55 =	vld [tilespmem:s14+$0x9960];
	[tilespmem:s14+$0x11530] =	vst v41;
	v49 =	vadd.f32 v43, v42;
	v50 =	vmul.f32 v35, v3;
	v10 =	vmul.f32 v10, v4  }
0xa9: {  	v63 =	vld [tilespmem:s14+$0x9970];
	[tilespmem:s14+$0x11540] =	vst v45;
	v53 =	vmul.f32 v12, v3;
	v54 =	vmul.f32 v13, v4;
	v52 =	vadd.f32 v47, v46  }
0xaa: {  	v44 =	vld [tilespmem:s14+$0x1950];
	v57 =	vmul.f32 v14, v3;
	v58 =	vmul.f32 v15, v4;
	[tilespmem:s14+$0x11550] =	vst v49;
	v56 =	vadd.f32 v10, v50  }
0xab: {  	v59 =	vld [tilespmem:s14+$0x1970];
	v61 =	vmul.f32 v16, v3;
	v62 =	vmul.f32 v17, v4;
	v60 =	vadd.f32 v54, v53;
	[tilespmem:s14+$0x11560] =	vst v52  }
0xac: {  	v16 =	vmul.f32 v18, v3;
	v17 =	vmul.f32 v25, v4;
	v15 =	vadd.f32 v58, v57;
	[tilespmem:s14+$0x11570] =	vst v56  }
0xad: {  	v19 =	vmul.f32 v36, v3;
	v18 =	vadd.f32 v62, v61;
	v20 =	vmul.f32 v40, v4;
	[tilespmem:s14+$0x11900] =	vst v60  }
0xae: {  	v21 =	vadd.f32 v17, v16;
	v27 =	vmul.f32 v51, v3;
	v28 =	vmul.f32 v55, v4;
	[tilespmem:s14+$0x11910] =	vst v15  }
0xaf: {  	v25 =	vmul.f32 v48, v4;
	v24 =	vmul.f32 v44, v3;
	[tilespmem:s14+$0x11920] =	vst v18;
	v26 =	vadd.f32 v20, v19  }
0xb0: {  	v31 =	vmul.f32 v63, v4;
	[tilespmem:s14+$0x11930] =	vst v21;
	v30 =	vmul.f32 v59, v3;
	v32 =	vadd.f32 v28, v27  }
0xb1: {  	v29 =	vadd.f32 v25, v24;
	[tilespmem:s14+$0x11940] =	vst v26  }
0xb2: {  	v33 =	vadd.f32 v31, v30;
	[tilespmem:s14+$0x11960] =	vst v32  }
0xb3: {  	s15 =	sor.u32 s15, s13;
	[tilespmem:s14+$0x11950] =	vst v29  }
0xb4: {  	s15 =	sor.u32 $0x8C00, s15;
	v34 =	vld [tilespmem:s14+$0x1D00];
	[tilespmem:s14+$0x11970] =	vst v33  }
0xb5: {  	v6 =	vld [tilespmem:s15+$0x1100];
	_ =	sdelay $0x4  }
0xb6: {  	v5 =	vmul.f32 v34, v3;
	v6 =	vmul.f32 v6, v4;
	_ =	sdelay $0x1  }
0xb7: {  	v5 =	vadd.f32 v6, v5;
	_ =	sdelay $0x1  }
0xb8: {  	v35 =	vld [tilespmem:s14+$0x1D10];
	[tilespmem:s14+$0x11D00] =	vst v5  }
0xb9: {  	v36 =	vld [tilespmem:s15+$0x1110];
	_ =	sdelay $0x4  }
0xba: {  	v5 =	vmul.f32 v35, v3;
	v6 =	vmul.f32 v36, v4;
	_ =	sdelay $0x1  }
0xbb: {  	v5 =	vadd.f32 v6, v5;
	_ =	sdelay $0x1  }
0xbc: {  	v37 =	vld [tilespmem:s14+$0x1D20];
	[tilespmem:s14+$0x11D10] =	vst v5  }
0xbd: {  	v38 =	vld [tilespmem:s15+$0x1120];
	_ =	sdelay $0x4  }
0xbe: {  	v5 =	vmul.f32 v37, v3;
	v6 =	vmul.f32 v38, v4;
	_ =	sdelay $0x1  }
0xbf: {  	v5 =	vadd.f32 v6, v5  }
0xc0: {  	v22 =	vld [tilespmem:s14+$0xA170]  }
0xc1: {  	v39 =	vld [tilespmem:s14+$0x1D30];
	[tilespmem:s14+$0x11D20] =	vst v5  }
0xc2: {  	v40 =	vld [tilespmem:s15+$0x1130]  }
0xc3: {  	v41 =	vld [tilespmem:s14+$0x1D40]  }
0xc4: {  	v43 =	vld [tilespmem:s14+$0x1D50]  }
0xc5: {  	v45 =	vld [tilespmem:s14+$0x1D60]  }
0xc6: {  	v12 =	vld [tilespmem:s14+$0xA570]  }
0xc7: {  	v13 =	vld [tilespmem:s14+$0x2900];
	v5 =	vmul.f32 v39, v3;
	v6 =	vmul.f32 v40, v4  }
0xc8: {  	v14 =	vld [tilespmem:s14+$0xA900]  }
0xc9: {  	v47 =	vld [tilespmem:s14+$0x1D70];
	v5 =	vadd.f32 v6, v5  }
0xca: {  	v49 =	vld [tilespmem:s14+$0x2100]  }
0xcb: {  	v50 =	vld [tilespmem:s14+$0xA100];
	[tilespmem:s14+$0x11D30] =	vst v5  }
0xcc: {  	v42 =	vld [tilespmem:s15+$0x1140]  }
0xcd: {  	v51 =	vld [tilespmem:s14+$0x2110]  }
0xce: {  	v53 =	vld [tilespmem:s14+$0x2120]  }
0xcf: {  	v54 =	vld [tilespmem:s14+$0xA120]  }
0xd0: {  	v55 =	vld [tilespmem:s14+$0x2130]  }
0xd1: {  	v57 =	vld [tilespmem:s14+$0x2140];
	v5 =	vmul.f32 v41, v3;
	v6 =	vmul.f32 v42, v4  }
0xd2: {  	v58 =	vld [tilespmem:s14+$0xA140]  }
0xd3: {  	v61 =	vld [tilespmem:s14+$0x2160];
	v5 =	vadd.f32 v6, v5  }
0xd4: {  	v62 =	vld [tilespmem:s14+$0xA160]  }
0xd5: {  	v63 =	vld [tilespmem:s14+$0x2170];
	[tilespmem:s14+$0x11D40] =	vst v5  }
0xd6: {  	v44 =	vld [tilespmem:s15+$0x1150]  }
0xd7: {  	v10 =	vld [tilespmem:s14+$0x2570]  }
0xd8: {  	v16 =	vld [tilespmem:s14+$0xA910]  }
0xd9: {  	v17 =	vld [tilespmem:s14+$0x2920]  }
0xda: {  	v52 =	vld [tilespmem:s14+$0xA110]  }
0xdb: {  	v56 =	vld [tilespmem:s14+$0xA130];
	v5 =	vmul.f32 v43, v3;
	v6 =	vmul.f32 v44, v4  }
0xdc: {  	v59 =	vld [tilespmem:s14+$0x2150]  }
0xdd: {  	v60 =	vld [tilespmem:s14+$0xA150];
	v5 =	vadd.f32 v6, v5  }
0xde: {  	v34 =	vld [tilespmem:s14+$0xA550]  }
0xdf: {  	v15 =	vld [tilespmem:s14+$0x2910];
	[tilespmem:s14+$0x11D50] =	vst v5  }
0xe0: {  	v46 =	vld [tilespmem:s15+$0x1160]  }
0xe1: {  	v30 =	vld [tilespmem:s14+$0xA530]  }
0xe2: {  	v21 =	vmul.f32 v22, v4;
	v31 =	vld [tilespmem:s14+$0x2540]  }
0xe3: {  	v7 =	vmul.f32 v49, v3;
	v8 =	vmul.f32 v50, v4;
	v37 =	vld [tilespmem:s14+$0xA920]  }
0xe4: {  	v49 =	vmul.f32 v54, v4;
	v54 =	vmul.f32 v57, v3;
	v40 =	vld [tilespmem:s14+$0x2500]  }
0xe5: {  	v41 =	vld [tilespmem:s14+$0xA500];
	v5 =	vmul.f32 v45, v3;
	v6 =	vmul.f32 v46, v4  }
0xe6: {  	v63 =	vmul.f32 v63, v3;
	v42 =	vld [tilespmem:s14+$0x2510];
	v46 =	vmul.f32 v51, v3  }
0xe7: {  	v36 =	vld [tilespmem:s14+$0xA560];
	v51 =	vmul.f32 v55, v3;
	v55 =	vmul.f32 v58, v4;
	v5 =	vadd.f32 v6, v5  }
0xe8: {  	v7 =	vadd.f32 v8, v7;
	v57 =	vmul.f32 v59, v3;
	v35 =	vld [tilespmem:s14+$0x2560];
	v58 =	vmul.f32 v60, v4  }
0xe9: {  	v43 =	vld [tilespmem:s14+$0xA510];
	v60 =	vmul.f32 v61, v3;
	v61 =	vmul.f32 v62, v4;
	v59 =	vadd.f32 v55, v54;
	[tilespmem:s14+$0x11D60] =	vst v5  }
0xea: {  	v23 =	vmul.f32 v40, v3;
	v24 =	vmul.f32 v41, v4;
	v62 =	vadd.f32 v58, v57;
	v48 =	vld [tilespmem:s15+$0x1170];
	[tilespmem:s14+$0x12100] =	vst v7  }
0xeb: {  	v37 =	vmul.f32 v37, v4;
	v39 =	vmul.f32 v42, v3;
	v44 =	vld [tilespmem:s14+$0x2520];
	v22 =	vadd.f32 v61, v60;
	[tilespmem:s14+$0x12140] =	vst v59  }
0xec: {  	v42 =	vadd.f32 v24, v23;
	v45 =	vld [tilespmem:s14+$0xA520];
	v60 =	vmul.f32 v36, v4;
	v36 =	vmul.f32 v17, v3;
	[tilespmem:s14+$0x12150] =	vst v62  }
0xed: {  	v33 =	vld [tilespmem:s14+$0x2550];
	v38 =	vadd.f32 v21, v63;
	v5 =	vmul.f32 v47, v3;
	v47 =	vmul.f32 v52, v4;
	[tilespmem:s14+$0x12160] =	vst v22  }
0xee: {  	v28 =	vmul.f32 v13, v3;
	v32 =	vld [tilespmem:s14+$0xA540];
	v52 =	vmul.f32 v56, v4;
	[tilespmem:s14+$0x12500] =	vst v42;
	v42 =	vadd.f32 v37, v36  }
0xef: {  	v25 =	vmul.f32 v12, v4;
	v26 =	vld [tilespmem:s14+$0x2960];
	v40 =	vmul.f32 v43, v4;
	[tilespmem:s14+$0x12170] =	vst v38;
	v50 =	vadd.f32 v47, v46  }
0xf0: {  	v29 =	vld [tilespmem:s14+$0x2530];
	v63 =	vmul.f32 v10, v3;
	v43 =	vmul.f32 v44, v3;
	v56 =	vadd.f32 v52, v51;
	[tilespmem:s14+$0x12920] =	vst v42  }
0xf1: {  	v41 =	vld [tilespmem:s14+$0x2930];
	v44 =	vmul.f32 v45, v4;
	v59 =	vmul.f32 v35, v3;
	v46 =	vadd.f32 v40, v39;
	[tilespmem:s14+$0x12110] =	vst v50  }
0xf2: {  	v45 =	vld [tilespmem:s14+$0xA930];
	v55 =	vmul.f32 v33, v3;
	v51 =	vmul.f32 v31, v3;
	v31 =	vadd.f32 v25, v63;
	[tilespmem:s14+$0x12130] =	vst v56  }
0xf3: {  	v57 =	vld [tilespmem:s14+$0x2950];
	v33 =	vmul.f32 v16, v4;
	v52 =	vmul.f32 v32, v4;
	v27 =	vadd.f32 v60, v59;
	[tilespmem:s14+$0x12510] =	vst v46  }
0xf4: {  	v61 =	vld [tilespmem:s14+$0xA950];
	v50 =	vadd.f32 v44, v43;
	[tilespmem:s14+$0x12570] =	vst v31;
	v6 =	vmul.f32 v48, v4;
	v48 =	vmul.f32 v53, v3  }
0xf5: {  	v38 =	vld [tilespmem:s14+$0xA970];
	v47 =	vmul.f32 v29, v3;
	v29 =	vmul.f32 v14, v4;
	v58 =	vadd.f32 v52, v51;
	[tilespmem:s14+$0x12560] =	vst v27  }
0xf6: {  	v32 =	vmul.f32 v15, v3;
	v40 =	vmul.f32 v41, v3;
	[tilespmem:s14+$0x12520] =	vst v50;
	v53 =	vadd.f32 v49, v48;
	v49 =	vld [tilespmem:s14+$0x2940]  }
0xf7: {  	v41 =	vmul.f32 v45, v4;
	v35 =	vadd.f32 v29, v28;
	[tilespmem:s14+$0x12540] =	vst v58;
	v48 =	vmul.f32 v30, v4;
	v30 =	vld [tilespmem:s14+$0xA960]  }
0xf8: {  	v56 =	vmul.f32 v34, v4;
	v39 =	vadd.f32 v33, v32;
	[tilespmem:s14+$0x12120] =	vst v53;
	v53 =	vld [tilespmem:s14+$0xA940]  }
0xf9: {  	v34 =	vld [tilespmem:s14+$0x2970];
	v45 =	vadd.f32 v41, v40;
	[tilespmem:s14+$0x12900] =	vst v35  }
0xfa: {  	v46 =	vmul.f32 v57, v3;
	v62 =	vadd.f32 v56, v55;
	[tilespmem:s14+$0x12910] =	vst v39;
	v5 =	vadd.f32 v6, v5  }
0xfb: {  	[tilespmem:s14+$0x12930] =	vst v45;
	v54 =	vadd.f32 v48, v47;
	v47 =	vmul.f32 v61, v4;
	v43 =	vmul.f32 v49, v3  }
0xfc: {  	[tilespmem:s14+$0x12550] =	vst v62;
	v49 =	vmul.f32 v26, v3;
	v50 =	vmul.f32 v30, v4  }
0xfd: {  	[tilespmem:s14+$0x11D70] =	vst v5;
	v51 =	vadd.f32 v47, v46;
	v44 =	vmul.f32 v53, v4  }
0xfe: {  	v52 =	vmul.f32 v34, v3;
	[tilespmem:s14+$0x12530] =	vst v54;
	v53 =	vmul.f32 v38, v4;
	v54 =	vadd.f32 v50, v49  }
0xff: {  	s16 =	sand.u32 $0x7, s0;
	[tilespmem:s14+$0x12950] =	vst v51;
	v48 =	vadd.f32 v44, v43  }
0x100: {  	s15 =	sshll.u32 s16, $0x7;
	v55 =	vadd.f32 v53, v52;
	[tilespmem:s14+$0x12960] =	vst v54  }
0x101: {  	s15 =	sadd.s32 s15, s1;
	[tilespmem:s14+$0x12940] =	vst v48  }
0x102: {  	s16 =	sor.u32 s1, s13;
	[tilespmem:s14+$0x12970] =	vst v55;
	s14 =	sor.u32 $0x1C00, s15  }
0x103: {  	s16 =	sor.u32 $0x9C00, s16;
	v5 =	vld [tilespmem:s14+$0x1100]  }
0x104: {  	v56 =	vld [tilespmem:s16+$0x1100];
	_ =	sdelay $0x4  }
0x105: {  	v5 =	vmul.f32 v5, v3;
	v6 =	vmul.f32 v56, v4;
	_ =	sdelay $0x1  }
0x106: {  	v5 =	vadd.f32 v6, v5;
	_ =	sdelay $0x1  }
0x107: {  	[tilespmem:s14+$0x11100] =	vst v5;
	s14 =	sor.u32 $0x1C10, s15  }
0x108: {  	v5 =	vld [tilespmem:s14+$0x1100]  }
0x109: {  	v57 =	vld [tilespmem:s16+$0x1110];
	_ =	sdelay $0x4  }
0x10a: {  	v5 =	vmul.f32 v5, v3;
	v6 =	vmul.f32 v57, v4;
	_ =	sdelay $0x1  }
0x10b: {  	v5 =	vadd.f32 v6, v5;
	_ =	sdelay $0x1  }
0x10c: {  	[tilespmem:s14+$0x11100] =	vst v5;
	s14 =	sor.u32 $0x1C20, s15  }
0x10d: {  	v5 =	vld [tilespmem:s14+$0x1100]  }
0x10e: {  	v58 =	vld [tilespmem:s16+$0x1120];
	_ =	sdelay $0x4  }
0x10f: {  	v5 =	vmul.f32 v5, v3;
	v6 =	vmul.f32 v58, v4;
	_ =	sdelay $0x1  }
0x110: {  	v5 =	vadd.f32 v6, v5;
	_ =	sdelay $0x1  }
0x111: {  	[tilespmem:s14+$0x11100] =	vst v5;
	s14 =	sor.u32 $0x1C30, s15  }
0x112: {  	v5 =	vld [tilespmem:s14+$0x1100]  }
0x113: {  	v59 =	vld [tilespmem:s16+$0x1130];
	_ =	sdelay $0x4  }
0x114: {  	v5 =	vmul.f32 v5, v3;
	v6 =	vmul.f32 v59, v4;
	_ =	sdelay $0x1  }
0x115: {  	v5 =	vadd.f32 v6, v5;
	_ =	sdelay $0x1  }
0x116: {  	[tilespmem:s14+$0x11100] =	vst v5;
	s14 =	sor.u32 $0x1C40, s15  }
0x117: {  	v5 =	vld [tilespmem:s14+$0x1100]  }
0x118: {  	v60 =	vld [tilespmem:s16+$0x1140];
	_ =	sdelay $0x4  }
0x119: {  	v5 =	vmul.f32 v5, v3;
	v6 =	vmul.f32 v60, v4;
	_ =	sdelay $0x1  }
0x11a: {  	v5 =	vadd.f32 v6, v5;
	_ =	sdelay $0x1  }
0x11b: {  	[tilespmem:s14+$0x11100] =	vst v5;
	s14 =	sor.u32 $0x1C50, s15  }
0x11c: {  	v5 =	vld [tilespmem:s14+$0x1100]  }
0x11d: {  	v61 =	vld [tilespmem:s16+$0x1150];
	_ =	sdelay $0x4  }
0x11e: {  	v5 =	vmul.f32 v5, v3;
	v6 =	vmul.f32 v61, v4;
	_ =	sdelay $0x1  }
0x11f: {  	v5 =	vadd.f32 v6, v5;
	_ =	sdelay $0x1  }
0x120: {  	[tilespmem:s14+$0x11100] =	vst v5;
	s14 =	sor.u32 $0x1C60, s15  }
0x121: {  	v5 =	vld [tilespmem:s14+$0x1100]  }
0x122: {  	v62 =	vld [tilespmem:s16+$0x1160];
	_ =	sdelay $0x4  }
0x123: {  	v5 =	vmul.f32 v5, v3;
	v6 =	vmul.f32 v62, v4;
	_ =	sdelay $0x1  }
0x124: {  	v5 =	vadd.f32 v6, v5;
	_ =	sdelay $0x1  }
0x125: {  	s15 =	sor.u32 $0x1C70, s15;
	[tilespmem:s14+$0x11100] =	vst v5  }
0x126: {  	v5 =	vld [tilespmem:s15+$0x1100]  }
0x127: {  	v63 =	vld [tilespmem:s16+$0x1170];
	_ =	sdelay $0x3  }
0x128: {  	p0 =	sne.s32 s13, $0xF80  }
.Ltmp0:
0x129: {  	v3 =	vmul.f32 v5, v3;
	v4 =	vmul.f32 v63, v4;
	(pc) =	sbr.rel @p0 .LBB2_2-.Ltmp0, $4  }
0x12a: {  	_ = 	snop  }
0x12b: {  	v3 =	vadd.f32 v4, v3  }
0x12c: {  	s0 =	sadd.s32 $0x1, s0  }
0x12d: {  	s31 =	sadd.s32 $0x80, s31;
	s13 =	sadd.s32 $0x80, s13;
	s1 =	sadd.s32 $0x400, s1;
	[tilespmem:s15+$0x11100] =	vst v3  }
0x12e: {  	s30 =	sadd.s32 $0x1, s30  }
0x12f: {  	p0 =	sne.s32 s30, s11  }
.Ltmp1:
0x130: {  	_ = 	snop;
	(pc) =	sbr.rel @p0 .LBB2_1-.Ltmp1, $4  }
0x131: {  	[hbm4b:s10+s2] =	stream.linear.scatter [tilespmem:s29], [sflag:$0x2], $0x8000, $0x38;
	[tilespmem:$0x19100] =	vst v63  }
0x132: {  	_ =	swait.ge [sflag:s12], $0x8000  }
0x133: {  	[sflag:s12] =	ssyncset.done $0x0  }
0x134: {  	[sflag:s12] =	ssyncadd.s32 $0xFFFF8000  }
0x135: {  	_ =	sfence.sel $0x180000  }
0x136: {  	[bflag:$0x0] =	sbarrier.arrive $0xFFFF  }
0x137: {  	_ =	strace $0x9000004A  }
0x138: {  	s0 =	stileid.u32;
	[bflag:$0x2] =	sbarrier.arrive $0xFFFF  }
0x139: {  	p0 =	sne.s32 s0, $0x0;
	s0 =	rddreg [dreg:$0x2]  }
0x13a: {  	s0 =	sadd.s32 @!p0 $0x100000, s0  }
0x13b: {  	[sflag:s0] =	ssyncadd.tile.s32 @!p0 $0x1;
	_ =	shalt  }
.Lfunc_end2:
_tile_overlayer_lowered:
.L_overlay_start_2:
0x13c: {  	(tag) =	ssettag $0x2  }
0x13d: {  	s0 =	rddreg [dreg:$0x0];
	s2 =	stileid.u32  }
0x13e: {  	s1 =	rddreg [dreg:$0x1];
	p0 =	sne.s32 s2, $0x0  }
0x13f: {  	s3 =	rddreg [dreg:$0x2];
	[bflag:$0x3] =	sbarrier.arrive $0xFFFF;
	s2 =	simm.s32 @!p0 $0x1C02  }
0x140: {  	[timem:s3], [sflag:s2] =	dma.local @!p0 [hbm:s0], s1  }
0x141: {  	s0 =	simm.s32 @!p0 $0x2  }
0x142: {  	_ =	swait.ge @!p0 [sflag:s0], s1  }
0x143: {  	s1 =	ssub.s32 @!p0 $0x0, s1;
	[sflag:s0] =	ssyncset.done @!p0 $0x0  }
0x144: {  	[sflag:s0] =	ssyncadd.s32 @!p0 s1  }
0x145: {  	[bflag:$0x3] =	sbarrier.arrive $0xFFFF  }
0x146: {  	_ =	shalt  }

</sc_bundles>
